<compile_context>
chip_gen: v7x
topology: tpu7x:2x2x1
jax: 0.10.2.dev20260603
libtpu: 0.0.44.dev20260713+nightly
codegen_flags: <defaults>
</compile_context>

<pallas_src>
import functools

import jax
import jax.numpy as jnp
import numpy as np
from jax import lax
from jax.experimental import pallas as pl
from jax.experimental.pallas import tpu as pltpu
from jax.experimental.pallas import tpu_sc as plsc

N = 20000
C = 80
SCORE_THRESH = 0.01
NMS_THRESH = 0.5
DET_PER_IM = 100
PRE_NMS_TOPK = 1000
_BBOX_CLIP = float(np.log(1000.0 / 16.0))

_BLK = 1000
_NW = 32
_NC = 2
_TOT = N * C
_CHUNK = _TOT // _NW
_NB = 2048
_HSCALE = (_NB - 2) / 0.99
_CAPC = 1024
_CAP2 = _NC * _CAPC


def _scores_kernel(label_ref, bbox_ref, prop_ref, out_ref):
    lab = label_ref[...]
    m = jnp.max(lab, axis=1, keepdims=True)
    e = jnp.exp(lab - m)
    s = jnp.sum(e, axis=1, keepdims=True)
    scores = (e / s)[:, 1:]

    bb = bbox_ref[...]
    rr = lax.broadcasted_iota(jnp.int32, ((C + 1) * 4, C), 0)
    cc = lax.broadcasted_iota(jnp.int32, ((C + 1) * 4, C), 1)

    mask = jnp.uint32(0xFFFF0000)
    hi = lax.bitcast_convert_type(
        lax.bitcast_convert_type(bb, jnp.uint32) & mask, jnp.float32)
    r1 = bb - hi
    mi = lax.bitcast_convert_type(
        lax.bitcast_convert_type(r1, jnp.uint32) & mask, jnp.float32)
    r2 = r1 - mi
    chunks = [hi.astype(jnp.bfloat16), mi.astype(jnp.bfloat16),
              r2.astype(jnp.bfloat16)]

    def _sel(k):
        s = (rr == (cc + 1) * 4 + k).astype(jnp.bfloat16)
        out = jnp.zeros((_BLK, C), jnp.float32)
        for ch in chunks:
            out = out + lax.dot_general(ch, s, (((1,), (0,)), ((), ())),
                                        preferred_element_type=jnp.float32)
        return out

    dx = _sel(0)
    dy = _sel(1)
    dw = jnp.minimum(_sel(2), _BBOX_CLIP)
    dh = jnp.minimum(_sel(3), _BBOX_CLIP)

    p = prop_ref[...]
    w = p[:, 2:3] - p[:, 0:1]
    h = p[:, 3:4] - p[:, 1:2]
    cx = p[:, 0:1] + 0.5 * w
    cy = p[:, 1:2] + 0.5 * h

    pcx = dx * w + cx
    pcy = dy * h + cy
    pw = jnp.exp(dw) * w
    ph = jnp.exp(dh) * h
    x1 = pcx - 0.5 * pw
    y1 = pcy - 0.5 * ph
    x2 = pcx + 0.5 * pw
    y2 = pcy + 0.5 * ph
    area = (y2 - y1) * (x2 - x1)

    valid = (scores > SCORE_THRESH) & (area > 0.1)
    out_ref[...] = jnp.where(valid, scores, -1.0)


def _masked_scores(label_pre, bbox_pre, proposals):
    grid = N // _BLK
    return pl.pallas_call(
        _scores_kernel,
        grid=(grid,),
        in_specs=[
            pl.BlockSpec((_BLK, C + 1), lambda i: (i, 0)),
            pl.BlockSpec((_BLK, (C + 1) * 4), lambda i: (i, 0)),
            pl.BlockSpec((_BLK, 4), lambda i: (i, 0)),
        ],
        out_specs=pl.BlockSpec((_BLK, C), lambda i: (i, 0)),
        out_shape=jax.ShapeDtypeStruct((N, C), jnp.float32),
    )(label_pre, bbox_pre, proposals)


def _bucket_of(v):
    b = ((v - SCORE_THRESH) * _HSCALE).astype(jnp.int32) + 1
    return jnp.clip(b, 0, _NB - 1)


def _sc_mesh():
    return plsc.VectorSubcoreMesh(core_axis_name="c", subcore_axis_name="s",
                                  num_cores=_NC, num_subcores=_NW // _NC)


def _hist_body(sc_hbm, out_hbm, chunk_v, hist_v):
    cid = lax.axis_index("c")
    sid = lax.axis_index("s")
    wid = sid * _NC + cid
    pltpu.sync_copy(sc_hbm.at[pl.ds(pl.multiple_of(wid * _CHUNK, 8), _CHUNK)], chunk_v)

    zero = jnp.zeros((16,), jnp.int32)

    def zbody(i, carry):
        hist_v[pl.ds(i * 16, 16)] = zero
        return carry

    lax.fori_loop(0, _NB, zbody, 0)

    lanes = lax.iota(jnp.int32, 16)
    ones = jnp.ones((16,), jnp.int32)

    @plsc.parallel_loop(0, _CHUNK // 16, unroll=8)
    def _(i):
        v = chunk_v[pl.ds(i * 16, 16)]
        b = _bucket_of(v)
        plsc.addupdate_scatter(hist_v, [b * 16 + lanes], ones)
    pltpu.sync_copy(hist_v, out_hbm.at[wid])


@functools.cache
def _hist_sc():
    return pl.kernel(
        _hist_body,
        out_type=jax.ShapeDtypeStruct((_NW, _NB * 16), jnp.int32),
        mesh=_sc_mesh(),
        compiler_params=pltpu.CompilerParams(needs_layout_passes=False),
        scratch_types=[
            pltpu.VMEM((_CHUNK,), jnp.float32),
            pltpu.VMEM((_NB * 16,), jnp.int32),
        ],
    )


def _hist_call(flat):
    return _hist_sc()(flat)


def _compact_body(sc_hbm, kst_hbm, bb128_hbm, pp128_hbm, zflat_hbm,
                osc_hbm, oix_hbm, od_hbm, op_hbm,
                chunk_v, sbuf, ibuf, kst_v, zflat_v, rows_d, rows_p,
                grow_d, grow_p, cnt_smem, sem):
    cid = lax.axis_index("c")
    sid = lax.axis_index("s")
    wid = sid * _NC + cid

    neg1 = jnp.full((16,), -1.0, jnp.float32)
    izero = jnp.zeros((16,), jnp.int32)

    for t in range(4):
        sbuf[pl.ds(t * 16, 16)] = neg1
        ibuf[pl.ds(t * 16, 16)] = izero
    zoff = pl.multiple_of(cid * _CAPC + sid * (_CAPC // 16), 8)
    pltpu.sync_copy(sbuf.at[pl.ds(0, _CAPC // 16)], osc_hbm.at[pl.ds(zoff, _CAPC // 16)])
    pltpu.sync_copy(ibuf.at[pl.ds(0, _CAPC // 16)], oix_hbm.at[pl.ds(zoff, _CAPC // 16)])
    pltpu.sync_copy(zflat_hbm, zflat_v)
    for t in range(4):
        zf = pl.multiple_of(zoff * 4 + t * 64, 8)
        pltpu.sync_copy(zflat_v, od_hbm.at[pl.ds(zf, 64)])
        pltpu.sync_copy(zflat_v, op_hbm.at[pl.ds(zf, 64)])

    @pl.when(sid == 0)
    def _():
        cnt_smem[0] = 0

    pltpu.sync_copy(kst_hbm, kst_v)
    base_elem = wid * _CHUNK
    pltpu.sync_copy(sc_hbm.at[pl.ds(pl.multiple_of(base_elem, 8), _CHUNK)], chunk_v)
    plsc.subcore_barrier()

    kvec = kst_v[...]
    lanes = lax.iota(jnp.int32, 16)

    capv = jnp.full((16,), _CAPC, jnp.int32)

    @plsc.parallel_loop(0, _CHUNK // 16, unroll=4,
                        carry=jnp.zeros((16,), jnp.int32))
    def wvec(i, wv):
        v = chunk_v[pl.ds(i * 16, 16)]
        m = _bucket_of(v) >= kvec
        pc = plsc.cumsum(jnp.where(m, 1, 0))
        pos = wv + pc - 1
        plsc.store_scatter(sbuf, [pos], v, mask=m)
        plsc.store_scatter(ibuf, [pos], base_elem + i * 16 + lanes, mask=m)
        return jnp.minimum(wv + plsc.all_reduce_population_count(m), capv)

    wcnt = jnp.max(wvec)

    plsc.store_scatter(sbuf, [wcnt + lanes], neg1)
    plsc.store_scatter(ibuf, [wcnt + lanes], izero)
    wpad = ((wcnt + 15) // 16) * 16
    mybase = plsc.fetch_and_add(cnt_smem.at[0], wpad, subcore_id=0)

    lane4 = lax.iota(jnp.int32, 16)

    def wbody(j, carry):
        off = mybase + j * 16

        @pl.when(off <= _CAPC - 16)
        def _():
            dst = pl.multiple_of(cid * _CAPC + off, 8)
            pltpu.sync_copy(sbuf.at[pl.ds(j * 16, 16)], osc_hbm.at[pl.ds(dst, 16)])
            pltpu.sync_copy(ibuf.at[pl.ds(j * 16, 16)], oix_hbm.at[pl.ds(dst, 16)])
            ivec = ibuf[pl.ds(j * 16, 16)]
            n = ivec // C
            cls = ivec - n * C
            offd = n * ((C + 1) * 4) + (cls + 1) * 4
            offp = n * 4
            pltpu.async_copy(bb128_hbm.at[lax.shift_right_logical(offd, 7)],
                             grow_d, sem).wait()
            pltpu.async_copy(pp128_hbm.at[lax.shift_right_logical(offp, 7)],
                             grow_p, sem).wait()
            cold = offd & 127
            colp = offp & 127
            for k in range(4):
                vd = plsc.load_gather(grow_d, [lane4, cold + k])
                vp = plsc.load_gather(grow_p, [lane4, colp + k])
                plsc.store_scatter(rows_d, [lane4 * 4 + k], vd)
                plsc.store_scatter(rows_p, [lane4 * 4 + k], vp)
            pltpu.sync_copy(rows_d, od_hbm.at[pl.ds(pl.multiple_of(dst * 4, 8), 64)])
            pltpu.sync_copy(rows_p, op_hbm.at[pl.ds(pl.multiple_of(dst * 4, 8), 64)])

        return carry

    lax.fori_loop(0, wpad // 16, wbody, 0)


@functools.cache
def _compact_sc():
    return pl.kernel(
        _compact_body,
        out_type=[
            jax.ShapeDtypeStruct((_CAP2,), jnp.float32),
            jax.ShapeDtypeStruct((_CAP2,), jnp.int32),
            jax.ShapeDtypeStruct((_CAP2 * 4,), jnp.float32),
            jax.ShapeDtypeStruct((_CAP2 * 4,), jnp.float32),
        ],
        mesh=_sc_mesh(),
        compiler_params=pltpu.CompilerParams(needs_layout_passes=False),
        scratch_types=[
            pltpu.VMEM((_CHUNK,), jnp.float32),
            pltpu.VMEM((_CAPC + 16,), jnp.float32),
            pltpu.VMEM((_CAPC + 16,), jnp.int32),
            pltpu.VMEM((16,), jnp.int32),
            pltpu.VMEM((64,), jnp.float32),
            pltpu.VMEM((64,), jnp.float32),
            pltpu.VMEM((64,), jnp.float32),
            pltpu.VMEM((16, 128), jnp.float32),
            pltpu.VMEM((16, 128), jnp.float32),
            pltpu.SMEM((1,), jnp.int32),
            pltpu.SemaphoreType.DMA,
        ],
    )


def _compact_call(flat, kst, bb128, pp128, zflat):
    return _compact_sc()(flat, kst, bb128, pp128, zflat)


def _nms_kernel(sc_ref, ix_ref, dx_ref, dy_ref, dw_ref, dh_ref,
                px1_ref, py1_ref, px2_ref, py2_ref, out_ref):
    shape = (_CAP2 // 128, 128)
    scores = sc_ref[...]
    ix = ix_ref[...]

    def vbody(t, lh):
        lo, hi = lh
        mid = 0.5 * (lo + hi)
        cnt = jnp.sum(jnp.where(scores >= mid, 1, 0))
        big = cnt >= PRE_NMS_TOPK
        return jnp.where(big, mid, lo), jnp.where(big, hi, mid)

    vstar, _ = lax.fori_loop(0, 64, vbody, (jnp.float32(-2.0), jnp.float32(2.0)))
    gt = scores > vstar
    ties = scores == vstar
    need = PRE_NMS_TOPK - jnp.sum(jnp.where(gt, 1, 0))

    def tbody(t, T):
        Tp = T + lax.shift_left(jnp.int32(1), 20 - t)
        cnt = jnp.sum(jnp.where(ties & (ix < Tp), 1, 0))
        return jnp.where(cnt <= need, Tp, T)

    tstar = lax.fori_loop(0, 21, tbody, jnp.int32(0))
    kept = gt | (ties & (ix < tstar))

    w = px2_ref[...] - px1_ref[...]
    h = py2_ref[...] - py1_ref[...]
    cx = px1_ref[...] + 0.5 * w
    cy = py1_ref[...] + 0.5 * h
    dw = jnp.minimum(dw_ref[...], _BBOX_CLIP)
    dh = jnp.minimum(dh_ref[...], _BBOX_CLIP)
    pcx = dx_ref[...] * w + cx
    pcy = dy_ref[...] * h + cy
    pw = jnp.exp(dw) * w
    ph = jnp.exp(dh) * h
    x1 = pcx - 0.5 * pw
    y1 = pcy - 0.5 * ph
    x2 = pcx + 0.5 * pw
    y2 = pcy + 0.5 * ph

    neg_inf = jnp.float32(-jnp.inf)
    mc = jnp.maximum(
        jnp.max(jnp.where(kept, x1, neg_inf)),
        jnp.maximum(jnp.max(jnp.where(kept, y1, neg_inf)),
                    jnp.maximum(jnp.max(jnp.where(kept, x2, neg_inf)),
                                jnp.max(jnp.where(kept, y2, neg_inf)))))
    max_coord = mc + 1.0
    labels = ((ix - (ix // C) * C) + 1).astype(jnp.float32)
    offs = labels * max_coord
    x1o = x1 + offs
    y1o = y1 + offs
    x2o = x2 + offs
    y2o = y2 + offs
    areas = (x2o - x1o) * (y2o - y1o)

    work0 = jnp.where(kept, scores, neg_inf)
    out0 = jnp.zeros((128, 8), jnp.float32)
    orow = lax.broadcasted_iota(jnp.int32, (128, 8), 0)
    ocol = lax.broadcasted_iota(jnp.int32, (128, 8), 1)
    big_i = jnp.int32(2**30)

    def body(j, carry):
        work, out_acc = carry
        m = jnp.max(work)
        iix = jnp.min(jnp.where(work == m, ix, big_i))
        sel = (work == m) & (ix == iix)
        xi1 = jnp.sum(jnp.where(sel, x1o, 0.0))
        yi1 = jnp.sum(jnp.where(sel, y1o, 0.0))
        xi2 = jnp.sum(jnp.where(sel, x2o, 0.0))
        yi2 = jnp.sum(jnp.where(sel, y2o, 0.0))
        ai = jnp.sum(jnp.where(sel, areas, 0.0))
        bx1 = jnp.sum(jnp.where(sel, x1, 0.0))
        by1 = jnp.sum(jnp.where(sel, y1, 0.0))
        bx2 = jnp.sum(jnp.where(sel, x2, 0.0))
        by2 = jnp.sum(jnp.where(sel, y2, 0.0))
        valid = m > 0.0
        row = (jnp.where(ocol == 0, jnp.where(valid, bx1, 0.0), 0.0)
               + jnp.where(ocol == 1, jnp.where(valid, by1, 0.0), 0.0)
               + jnp.where(ocol == 2, jnp.where(valid, bx2, 0.0), 0.0)
               + jnp.where(ocol == 3, jnp.where(valid, by2, 0.0), 0.0)
               + jnp.where(ocol == 4, jnp.where(valid, m, 0.0), 0.0))
        out_acc = jnp.where(orow == j, row, out_acc)
        xx1 = jnp.maximum(x1o, xi1)
        yy1 = jnp.maximum(y1o, yi1)
        xx2 = jnp.minimum(x2o, xi2)
        yy2 = jnp.minimum(y2o, yi2)
        inter = jnp.clip(xx2 - xx1, 0.0) * jnp.clip(yy2 - yy1, 0.0)
        iou = inter / (areas + ai - inter + 1e-9)
        work = jnp.where(iou > NMS_THRESH, neg_inf, work)
        return work, out_acc

    _, out_acc = lax.fori_loop(0, DET_PER_IM, body, (work0, out0))
    out_ref[...] = out_acc[:DET_PER_IM, :5]


def _nms(csc, cix, cd, cp):
    shp = (_CAP2 // 128, 128)
    args = [csc.reshape(shp), cix.reshape(shp)]
    args += [cd[:, k].reshape(shp) for k in range(4)]
    args += [cp[:, k].reshape(shp) for k in range(4)]
    return pl.pallas_call(
        _nms_kernel,
        out_shape=jax.ShapeDtypeStruct((DET_PER_IM, 5), jnp.float32),
    )(*args)


@jax.jit
def kernel(label_pre, bbox_pre, proposals):
    masked = _masked_scores(label_pre, bbox_pre, proposals)
    flat = masked.reshape(_TOT)

    hist = _hist_call(flat)
    counts = hist.reshape(_NW, _NB, 16).sum(axis=(0, 2))
    cum = jnp.cumsum(counts[::-1])[::-1]
    ks = jnp.arange(_NB, dtype=jnp.int32)
    feas = (cum >= PRE_NMS_TOPK) & (ks >= 1)
    kstar = jnp.max(jnp.where(feas, ks, 1)).astype(jnp.int32)

    csc, cix, cdf, cpf = _compact_call(
        flat,
        jnp.full((16,), kstar, jnp.int32),
        bbox_pre.reshape(N * (C + 1) * 4 // 128, 128),
        proposals.reshape(N * 4 // 128, 128),
        jnp.zeros((64,), jnp.float32),
    )
    return _nms(csc, cix, cdf.reshape(_CAP2, 4), cpf.reshape(_CAP2, 4))

# --- scband reference (transcript-rebuilt; emitter-appended) ---
"""Pipeline reference for scband-ro-inet-12214886989943 (READ-ONLY COPY).

The authoritative reference and input builder live on the scoring server;
editing this copy changes nothing except your own understanding.
"""

import jax, jax.numpy as jnp
import numpy as np

N = 20000
C = 80  # class_num (foreground classes)
SCORE_THRESH = 0.01
NMS_THRESH = 0.5
DET_PER_IM = 100
PRE_NMS_TOPK = 1000


def setup_inputs(seed: int = 0) -> dict:
    key = jax.random.key(seed)
    k1, k2, k3, k4 = jax.random.split(key, 4)
    label_pre = jax.random.normal(k1, (N, C + 1), dtype=jnp.float32)
    bbox_pre = jax.random.normal(k2, (N, (C + 1) * 4), dtype=jnp.float32) * 0.1
    xy = jax.random.uniform(k3, (N, 2), dtype=jnp.float32) * 800.0
    wh = jax.random.uniform(k4, (N, 2), dtype=jnp.float32) * 200.0 + 2.0
    proposals = jnp.concatenate([xy, xy + wh], axis=1)
    return {"label_pre": label_pre, "bbox_pre": bbox_pre, "proposals": proposals}


def _decode_once(deltas, boxes):
    # standard Faster R-CNN delta_xywh decoding (box_coder.decode_once)
    w = boxes[:, 2] - boxes[:, 0]
    h = boxes[:, 3] - boxes[:, 1]
    cx = boxes[:, 0] + 0.5 * w
    cy = boxes[:, 1] + 0.5 * h
    dx, dy, dw, dh = deltas[:, 0], deltas[:, 1], deltas[:, 2], deltas[:, 3]
    bbox_xform_clip = float(np.log(1000.0 / 16.0))
    dw = jnp.minimum(dw, bbox_xform_clip)
    dh = jnp.minimum(dh, bbox_xform_clip)
    pcx = dx * w + cx
    pcy = dy * h + cy
    pw = jnp.exp(dw) * w
    ph = jnp.exp(dh) * h
    return jnp.stack([pcx - 0.5 * pw, pcy - 0.5 * ph, pcx + 0.5 * pw, pcy + 0.5 * ph], axis=-1)


def _forward(label_pre, bbox_pre, proposals):
    # inference_result for a single image
    probs = jax.nn.softmax(label_pre, axis=1)
    deltas = bbox_pre[:, 4:].reshape(-1, 4)                              # (N*C, 4)
    prop = jnp.broadcast_to(proposals[:, None, :], (N, C, 4)).reshape(-1, 4)
    boxes = _decode_once(deltas, prop)                                   # (N*C, 4)
    scores = probs[:, 1:].reshape(-1)                                    # (N*C,)
    labels = jnp.broadcast_to(jnp.arange(1, C + 1)[None, :], (N, C)).reshape(-1)
    # score threshold + remove_small_boxes via masking (fixed-shape)
    area = (boxes[:, 3] - boxes[:, 1]) * (boxes[:, 2] - boxes[:, 0])
    valid = (scores > SCORE_THRESH) & (area > 0.1)
    scores_m = jnp.where(valid, scores, -1.0)
    top_scores, top_idx = jax.lax.top_k(scores_m, PRE_NMS_TOPK)
    top_boxes = boxes[top_idx]
    top_labels = labels[top_idx]
    # batched_nms: offset boxes per class so NMS is class-independent
    max_coord = jax.lax.stop_gradient(jnp.max(top_boxes)) + 1.0
    offs = top_labels.astype(jnp.float32) * max_coord
    nb = top_boxes + offs[:, None]
    x1, y1, x2, y2 = nb[:, 0], nb[:, 1], nb[:, 2], nb[:, 3]
    areas = (x2 - x1) * (y2 - y1)
    work = top_scores
    keep_list = []
    valid_list = []
    for _ in range(DET_PER_IM):
        i = jnp.argmax(work)
        keep_list.append(i)
        valid_list.append(work[i] > 0.0)
        xx1 = jnp.maximum(x1, x1[i])
        yy1 = jnp.maximum(y1, y1[i])
        xx2 = jnp.minimum(x2, x2[i])
        yy2 = jnp.minimum(y2, y2[i])
        inter = jnp.clip(xx2 - xx1, 0.0) * jnp.clip(yy2 - yy1, 0.0)
        iou = inter / (areas + areas[i] - inter + 1e-9)
        work = jnp.where(iou > NMS_THRESH, -jnp.inf, work)
    keep = jnp.stack(keep_list)
    vmask = jnp.stack(valid_list)
    out_boxes = jnp.where(vmask[:, None], top_boxes[keep], 0.0)
    out_scores = jnp.where(vmask, top_scores[keep], 0.0)
    return jnp.concatenate([out_boxes, out_scores[:, None]], axis=1)  # (DET_PER_IM, 5)


def reference(label_pre, bbox_pre, proposals):
    return _forward(label_pre, bbox_pre, proposals)

if __name__ == "__main__":
    import jax
    _d = setup_inputs()
    print(jax.jit(kernel)(*tuple(_d.values())))

</pallas_src>

<mosaic_0001>
#map = affine_map<(d0, d1) -> (0)>
#map1 = affine_map<(d0, d1) -> (0, 0)>
module attributes {stable_mosaic.version = 14 : i64} {
  func.func @_hist_body(%arg0: i32, %arg1: i32, %arg2: memref<1600000xf32, #tpu.memory_space<hbm>>, %arg3: memref<32x32768xi32, #tpu.memory_space<hbm>>, %arg4: memref<50000xf32, #tpu.memory_space<vmem>>, %arg5: memref<32768xi32, #tpu.memory_space<vmem>>) attributes {dimension_semantics = [#tpu.dimension_semantics<core_parallel>, #tpu.dimension_semantics<subcore_parallel>], iteration_bounds = array<i64: 2, 16>, scalar_prefetch = 0 : i64, scratch_operands = 2 : i64, tpu.core_type = #tpu.core_type<sc_vector_subcore>, window_params = [{transform_indices = #map}, {transform_indices = #map1}]} {
    %mul3A = arith.constant 2 : i32
    %mul3A_0 = arith.muli %arg1, %mul3A : i32
    %add3A = arith.addi %mul3A_0, %arg0 : i32
    %mul3A_1 = arith.constant 50000 : i32
    %mul3A_2 = arith.muli %add3A, %mul3A_1 : i32
    %multiple_of3A = tpu.assume_multiple %mul3A_2, 8 : i32
    "tpu.region"() ({
      %run_scoped3A = tpu.sem_alloc : memref<!tpu.dma_semaphore, #tpu.memory_space<semaphore_mem>>
      %dma_start3A = tpu.memref_slice %arg2[%multiple_of3A] : memref<1600000xf32, #tpu.memory_space<hbm>> -> memref<50000xf32, #tpu.memory_space<hbm>>
      %dma_start3A_13 = tpu.memref_slice %arg2[%multiple_of3A] : memref<1600000xf32, #tpu.memory_space<hbm>> -> memref<50000xf32, #tpu.memory_space<hbm>>
      tpu.enqueue_dma source(%dma_start3A_13 : memref<50000xf32, #tpu.memory_space<hbm>>) target(%arg4 : memref<50000xf32, #tpu.memory_space<vmem>>) target_semaphore(%run_scoped3A : memref<!tpu.dma_semaphore, #tpu.memory_space<semaphore_mem>>)
      %dma_wait3A = tpu.memref_slice %arg2[%multiple_of3A] : memref<1600000xf32, #tpu.memory_space<hbm>> -> memref<50000xf32, #tpu.memory_space<hbm>>
      %dma_wait3A_14 = tpu.memref_slice %arg2[%multiple_of3A] : memref<1600000xf32, #tpu.memory_space<hbm>> -> memref<50000xf32, #tpu.memory_space<hbm>>
      tpu.wait_dma2 semaphore(%run_scoped3A : memref<!tpu.dma_semaphore, #tpu.memory_space<semaphore_mem>>) src(%dma_wait3A_14 : memref<50000xf32, #tpu.memory_space<hbm>>) dst(%arg4 : memref<50000xf32, #tpu.memory_space<vmem>>)
      tpu.yield
    }) : () -> ()
    %broadcast_in_dim3A = arith.constant 0 : i32
    %broadcast_in_dim3A_3 = vector.broadcast %broadcast_in_dim3A : i32 to vector<16xi32>
    %scan3A = arith.constant 0 : i32
    %scan3A_4 = arith.constant 0 : i32
    %scan3A_5 = arith.constant 2048 : i32
    %scan3A_6 = arith.addi %scan3A_4, %scan3A_5 : i32
    %scan3A_7 = arith.constant 1 : i32
    scf.for %scan3A_13 = %scan3A_4 to %scan3A_6 step %scan3A_7  : i32 {
      %mul3A_14 = arith.constant 16 : i32
      %mul3A_15 = arith.muli %scan3A_13, %mul3A_14 : i32
      %swap3A = arith.index_cast %mul3A_15 : i32 to index
      %swap3A_16 = tpu.vector_load %arg5[%swap3A] {strides = array<i32>} : memref<32768xi32, #tpu.memory_space<vmem>>, vector<16xi32>,
      tpu.vector_store %arg5[%swap3A], %broadcast_in_dim3A_3 {strides = array<i32>} : memref<32768xi32, #tpu.memory_space<vmem>>, vector<16xi32>,
    }
    %scan3A_8 = arith.constant 2048 : i32
    %iota3A = tpu.iota {dimensions = array<i32: 0>} : vector<16xi32>
    %broadcast_in_dim3A_9 = arith.constant 1 : i32
    %broadcast_in_dim3A_10 = vector.broadcast %broadcast_in_dim3A_9 : i32 to vector<16xi32>
    %parallel_loop3A = arith.constant 0 : i32
    %parallel_loop3A_11 = arith.constant 3125 : i32
    %parallel_loop3A_12 = arith.constant 1 : i32
    scf.for %parallel_loop3A_13 = %parallel_loop3A to %parallel_loop3A_11 step %parallel_loop3A_12  : i32 {
      %parallel_loop3A_14 = arith.constant 16 : i32
      %parallel_loop3A_15 = arith.muli %parallel_loop3A_13, %parallel_loop3A_14 : i32
      %parallel_loop3A_16 = arith.index_cast %parallel_loop3A_15 : i32 to index
      %parallel_loop3A_17 = tpu.vector_load %arg4[%parallel_loop3A_16] {strides = array<i32>} : memref<50000xf32, #tpu.memory_space<vmem>>, vector<16xf32>,
      %parallel_loop3A_18 = arith.constant 0.00999999977 : f32
      %parallel_loop3A_19 = vector.broadcast %parallel_loop3A_18 : f32 to vector<16xf32>
      %parallel_loop3A_20 = arith.subf %parallel_loop3A_17, %parallel_loop3A_19 : vector<16xf32>
      %parallel_loop3A_21 = arith.constant 2066.66675 : f32
      %parallel_loop3A_22 = vector.broadcast %parallel_loop3A_21 : f32 to vector<16xf32>
      %parallel_loop3A_23 = arith.mulf %parallel_loop3A_20, %parallel_loop3A_22 : vector<16xf32>
      %parallel_loop3A_24 = arith.fptosi %parallel_loop3A_23 : vector<16xf32> to vector<16xi32>
      %parallel_loop3A_25 = arith.constant 1 : i32
      %parallel_loop3A_26 = vector.broadcast %parallel_loop3A_25 : i32 to vector<16xi32>
      %parallel_loop3A_27 = arith.addi %parallel_loop3A_24, %parallel_loop3A_26 : vector<16xi32>
      %parallel_loop3A_28 = arith.constant 0 : i32
      %parallel_loop3A_29 = arith.constant 2047 : i32
      %parallel_loop3A_30 = vector.broadcast %parallel_loop3A_28 : i32 to vector<16xi32>
      %parallel_loop3A_31 = arith.maxsi %parallel_loop3A_30, %parallel_loop3A_27 : vector<16xi32>
      %parallel_loop3A_32 = vector.broadcast %parallel_loop3A_29 : i32 to vector<16xi32>
      %parallel_loop3A_33 = arith.minsi %parallel_loop3A_32, %parallel_loop3A_31 : vector<16xi32>
      %parallel_loop3A_34 = arith.constant 16 : i32
      %parallel_loop3A_35 = vector.broadcast %parallel_loop3A_34 : i32 to vector<16xi32>
      %parallel_loop3A_36 = arith.muli %parallel_loop3A_33, %parallel_loop3A_35 : vector<16xi32>
      %parallel_loop3A_37 = arith.addi %parallel_loop3A_36, %iota3A : vector<16xi32>
      tpu.vector_store_idx %arg5[%parallel_loop3A_37], %broadcast_in_dim3A_10 {add = true} : memref<32768xi32, #tpu.memory_space<vmem>>[vector<16xi32>], vector<16xi32>,
    } {sc.loop_unroll_factor = 8 : i64, sc.parallel_access}
    "tpu.region"() ({
      %run_scoped3A = tpu.sem_alloc : memref<!tpu.dma_semaphore, #tpu.memory_space<semaphore_mem>>
      %dma_start3A = arith.constant 0 : i32
      %dma_start3A_13 = tpu.memref_slice %arg3[%add3A, %dma_start3A] : memref<32x32768xi32, #tpu.memory_space<hbm>> -> memref<1x32768xi32, #tpu.memory_space<hbm>>
      %dma_start3A_14 = tpu.memref_squeeze %dma_start3A_13 : memref<1x32768xi32, #tpu.memory_space<hbm>> -> memref<32768xi32, #tpu.memory_space<hbm>>
      %dma_start3A_15 = arith.constant 0 : i32
      %dma_start3A_16 = tpu.memref_slice %arg3[%add3A, %dma_start3A_15] : memref<32x32768xi32, #tpu.memory_space<hbm>> -> memref<1x32768xi32, #tpu.memory_space<hbm>>
      %dma_start3A_17 = tpu.memref_squeeze %dma_start3A_16 : memref<1x32768xi32, #tpu.memory_space<hbm>> -> memref<32768xi32, #tpu.memory_space<hbm>>
      tpu.enqueue_dma source(%arg5 : memref<32768xi32, #tpu.memory_space<vmem>>) target(%dma_start3A_17 : memref<32768xi32, #tpu.memory_space<hbm>>) target_semaphore(%run_scoped3A : memref<!tpu.dma_semaphore, #tpu.memory_space<semaphore_mem>>)
      %dma_wait3A = arith.constant 0 : i32
      %dma_wait3A_18 = tpu.memref_slice %arg3[%add3A, %dma_wait3A] : memref<32x32768xi32, #tpu.memory_space<hbm>> -> memref<1x32768xi32, #tpu.memory_space<hbm>>
      %dma_wait3A_19 = tpu.memref_squeeze %dma_wait3A_18 : memref<1x32768xi32, #tpu.memory_space<hbm>> -> memref<32768xi32, #tpu.memory_space<hbm>>
      %dma_wait3A_20 = arith.constant 0 : i32
      %dma_wait3A_21 = tpu.memref_slice %arg3[%add3A, %dma_wait3A_20] : memref<32x32768xi32, #tpu.memory_space<hbm>> -> memref<1x32768xi32, #tpu.memory_space<hbm>>
      %dma_wait3A_22 = tpu.memref_squeeze %dma_wait3A_21 : memref<1x32768xi32, #tpu.memory_space<hbm>> -> memref<32768xi32, #tpu.memory_space<hbm>>
      tpu.wait_dma2 semaphore(%run_scoped3A : memref<!tpu.dma_semaphore, #tpu.memory_space<semaphore_mem>>) src(%arg5 : memref<32768xi32, #tpu.memory_space<vmem>>) dst(%dma_wait3A_22 : memref<32768xi32, #tpu.memory_space<hbm>>)
      tpu.yield
    }) : () -> ()
    return
  }
}

#map = affine_map<(d0, d1) -> (0)>
#map1 = affine_map<(d0, d1) -> (0, 0)>
module attributes {stable_mosaic.version = 14 : i64} {
  func.func @_compact_body(%arg0: i32, %arg1: i32, %arg2: memref<1600000xf32, #tpu.memory_space<hbm>>, %arg3: memref<16xi32, #tpu.memory_space<hbm>>, %arg4: memref<50625x128xf32, #tpu.memory_space<hbm>>, %arg5: memref<625x128xf32, #tpu.memory_space<hbm>>, %arg6: memref<64xf32, #tpu.memory_space<hbm>>, %arg7: memref<2048xf32, #tpu.memory_space<hbm>>, %arg8: memref<2048xi32, #tpu.memory_space<hbm>>, %arg9: memref<8192xf32, #tpu.memory_space<hbm>>, %arg10: memref<8192xf32, #tpu.memory_space<hbm>>, %arg11: memref<50000xf32, #tpu.memory_space<vmem>>, %arg12: memref<1040xf32, #tpu.memory_space<vmem>>, %arg13: memref<1040xi32, #tpu.memory_space<vmem>>, %arg14: memref<16xi32, #tpu.memory_space<vmem>>, %arg15: memref<64xf32, #tpu.memory_space<vmem>>, %arg16: memref<64xf32, #tpu.memory_space<vmem>>, %arg17: memref<64xf32, #tpu.memory_space<vmem>>, %arg18: memref<16x128xf32, #tpu.memory_space<vmem>>, %arg19: memref<16x128xf32, #tpu.memory_space<vmem>>, %arg20: memref<1xi32, #tpu.memory_space<smem>>, %arg21: memref<!tpu.dma_semaphore, #tpu.memory_space<semaphore_mem>>) attributes {dimension_semantics = [#tpu.dimension_semantics<core_parallel>, #tpu.dimension_semantics<subcore_parallel>], iteration_bounds = array<i64: 2, 16>, scalar_prefetch = 0 : i64, scratch_operands = 11 : i64, tpu.core_type = #tpu.core_type<sc_vector_subcore>, window_params = [{transform_indices = #map}, {transform_indices = #map}, {transform_indices = #map1}, {transform_indices = #map1}, {transform_indices = #map}, {transform_indices = #map}, {transform_indices = #map}, {transform_indices = #map}, {transform_indices = #map}]} {
    %mul3A = arith.constant 2 : i32
    %mul3A_0 = arith.muli %arg1, %mul3A : i32
    %add3A = arith.addi %mul3A_0, %arg0 : i32
    %broadcast_in_dim3A = arith.constant -1.000000e+00 : f32
    %broadcast_in_dim3A_1 = vector.broadcast %broadcast_in_dim3A : f32 to vector<16xf32>
    %broadcast_in_dim3A_2 = arith.constant 0 : i32
    %broadcast_in_dim3A_3 = vector.broadcast %broadcast_in_dim3A_2 : i32 to vector<16xi32>
    %swap3A = arith.constant 0 : index
    %swap3A_4 = tpu.vector_load %arg12[%swap3A] {strides = array<i32>} : memref<1040xf32, #tpu.memory_space<vmem>>, vector<16xf32>,
    tpu.vector_store %arg12[%swap3A], %broadcast_in_dim3A_1 {strides = array<i32>} : memref<1040xf32, #tpu.memory_space<vmem>>, vector<16xf32>,
    %swap3A_5 = arith.constant 0 : index
    %swap3A_6 = tpu.vector_load %arg13[%swap3A_5] {strides = array<i32>} : memref<1040xi32, #tpu.memory_space<vmem>>, vector<16xi32>,
    tpu.vector_store %arg13[%swap3A_5], %broadcast_in_dim3A_3 {strides = array<i32>} : memref<1040xi32, #tpu.memory_space<vmem>>, vector<16xi32>,
    %swap3A_7 = arith.constant 16 : index
    %swap3A_8 = tpu.vector_load %arg12[%swap3A_7] {strides = array<i32>} : memref<1040xf32, #tpu.memory_space<vmem>>, vector<16xf32>,
    tpu.vector_store %arg12[%swap3A_7], %broadcast_in_dim3A_1 {strides = array<i32>} : memref<1040xf32, #tpu.memory_space<vmem>>, vector<16xf32>,
    %swap3A_9 = arith.constant 16 : index
    %swap3A_10 = tpu.vector_load %arg13[%swap3A_9] {strides = array<i32>} : memref<1040xi32, #tpu.memory_space<vmem>>, vector<16xi32>,
    tpu.vector_store %arg13[%swap3A_9], %broadcast_in_dim3A_3 {strides = array<i32>} : memref<1040xi32, #tpu.memory_space<vmem>>, vector<16xi32>,
    %swap3A_11 = arith.constant 32 : index
    %swap3A_12 = tpu.vector_load %arg12[%swap3A_11] {strides = array<i32>} : memref<1040xf32, #tpu.memory_space<vmem>>, vector<16xf32>,
    tpu.vector_store %arg12[%swap3A_11], %broadcast_in_dim3A_1 {strides = array<i32>} : memref<1040xf32, #tpu.memory_space<vmem>>, vector<16xf32>,
    %swap3A_13 = arith.constant 32 : index
    %swap3A_14 = tpu.vector_load %arg13[%swap3A_13] {strides = array<i32>} : memref<1040xi32, #tpu.memory_space<vmem>>, vector<16xi32>,
    tpu.vector_store %arg13[%swap3A_13], %broadcast_in_dim3A_3 {strides = array<i32>} : memref<1040xi32, #tpu.memory_space<vmem>>, vector<16xi32>,
    %swap3A_15 = arith.constant 48 : index
    %swap3A_16 = tpu.vector_load %arg12[%swap3A_15] {strides = array<i32>} : memref<1040xf32, #tpu.memory_space<vmem>>, vector<16xf32>,
    tpu.vector_store %arg12[%swap3A_15], %broadcast_in_dim3A_1 {strides = array<i32>} : memref<1040xf32, #tpu.memory_space<vmem>>, vector<16xf32>,
    %swap3A_17 = arith.constant 48 : index
    %swap3A_18 = tpu.vector_load %arg13[%swap3A_17] {strides = array<i32>} : memref<1040xi32, #tpu.memory_space<vmem>>, vector<16xi32>,
    tpu.vector_store %arg13[%swap3A_17], %broadcast_in_dim3A_3 {strides = array<i32>} : memref<1040xi32, #tpu.memory_space<vmem>>, vector<16xi32>,
    %mul3A_19 = arith.constant 1024 : i32
    %mul3A_20 = arith.muli %arg0, %mul3A_19 : i32
    %mul3A_21 = arith.constant 64 : i32
    %mul3A_22 = arith.muli %arg1, %mul3A_21 : i32
    %add3A_23 = arith.addi %mul3A_20, %mul3A_22 : i32
    %multiple_of3A = tpu.assume_multiple %add3A_23, 8 : i32
    "tpu.region"() ({
      %run_scoped3A = tpu.sem_alloc : memref<!tpu.dma_semaphore, #tpu.memory_space<semaphore_mem>>
      %dma_start3A = arith.constant 0 : i32
      %dma_start3A_124 = tpu.memref_slice %arg12[%dma_start3A] : memref<1040xf32, #tpu.memory_space<vmem>> -> memref<64xf32, #tpu.memory_space<vmem>>
      %dma_start3A_125 = tpu.memref_slice %arg7[%multiple_of3A] : memref<2048xf32, #tpu.memory_space<hbm>> -> memref<64xf32, #tpu.memory_space<hbm>>
      %dma_start3A_126 = tpu.memref_slice %arg7[%multiple_of3A] : memref<2048xf32, #tpu.memory_space<hbm>> -> memref<64xf32, #tpu.memory_space<hbm>>
      %dma_start3A_127 = arith.constant 0 : i32
      %dma_start3A_128 = tpu.memref_slice %arg12[%dma_start3A_127] : memref<1040xf32, #tpu.memory_space<vmem>> -> memref<64xf32, #tpu.memory_space<vmem>>
      tpu.enqueue_dma source(%dma_start3A_128 : memref<64xf32, #tpu.memory_space<vmem>>) target(%dma_start3A_126 : memref<64xf32, #tpu.memory_space<hbm>>) target_semaphore(%run_scoped3A : memref<!tpu.dma_semaphore, #tpu.memory_space<semaphore_mem>>)
      %dma_wait3A = arith.constant 0 : i32
      %dma_wait3A_129 = tpu.memref_slice %arg12[%dma_wait3A] : memref<1040xf32, #tpu.memory_space<vmem>> -> memref<64xf32, #tpu.memory_space<vmem>>
      %dma_wait3A_130 = tpu.memref_slice %arg7[%multiple_of3A] : memref<2048xf32, #tpu.memory_space<hbm>> -> memref<64xf32, #tpu.memory_space<hbm>>
      %dma_wait3A_131 = tpu.memref_slice %arg7[%multiple_of3A] : memref<2048xf32, #tpu.memory_space<hbm>> -> memref<64xf32, #tpu.memory_space<hbm>>
      %dma_wait3A_132 = arith.constant 0 : i32
      %dma_wait3A_133 = tpu.memref_slice %arg12[%dma_wait3A_132] : memref<1040xf32, #tpu.memory_space<vmem>> -> memref<64xf32, #tpu.memory_space<vmem>>
      tpu.wait_dma2 semaphore(%run_scoped3A : memref<!tpu.dma_semaphore, #tpu.memory_space<semaphore_mem>>) src(%dma_wait3A_133 : memref<64xf32, #tpu.memory_space<vmem>>) dst(%dma_wait3A_131 : memref<64xf32, #tpu.memory_space<hbm>>)
      tpu.yield
    }) : () -> ()
    "tpu.region"() ({
      %run_scoped3A = tpu.sem_alloc : memref<!tpu.dma_semaphore, #tpu.memory_space<semaphore_mem>>
      %dma_start3A = arith.constant 0 : i32
      %dma_start3A_124 = tpu.memref_slice %arg13[%dma_start3A] : memref<1040xi32, #tpu.memory_space<vmem>> -> memref<64xi32, #tpu.memory_space<vmem>>
      %dma_start3A_125 = tpu.memref_slice %arg8[%multiple_of3A] : memref<2048xi32, #tpu.memory_space<hbm>> -> memref<64xi32, #tpu.memory_space<hbm>>
      %dma_start3A_126 = tpu.memref_slice %arg8[%multiple_of3A] : memref<2048xi32, #tpu.memory_space<hbm>> -> memref<64xi32, #tpu.memory_space<hbm>>
      %dma_start3A_127 = arith.constant 0 : i32
      %dma_start3A_128 = tpu.memref_slice %arg13[%dma_start3A_127] : memref<1040xi32, #tpu.memory_space<vmem>> -> memref<64xi32, #tpu.memory_space<vmem>>
      tpu.enqueue_dma source(%dma_start3A_128 : memref<64xi32, #tpu.memory_space<vmem>>) target(%dma_start3A_126 : memref<64xi32, #tpu.memory_space<hbm>>) target_semaphore(%run_scoped3A : memref<!tpu.dma_semaphore, #tpu.memory_space<semaphore_mem>>)
      %dma_wait3A = arith.constant 0 : i32
      %dma_wait3A_129 = tpu.memref_slice %arg13[%dma_wait3A] : memref<1040xi32, #tpu.memory_space<vmem>> -> memref<64xi32, #tpu.memory_space<vmem>>
      %dma_wait3A_130 = tpu.memref_slice %arg8[%multiple_of3A] : memref<2048xi32, #tpu.memory_space<hbm>> -> memref<64xi32, #tpu.memory_space<hbm>>
      %dma_wait3A_131 = tpu.memref_slice %arg8[%multiple_of3A] : memref<2048xi32, #tpu.memory_space<hbm>> -> memref<64xi32, #tpu.memory_space<hbm>>
      %dma_wait3A_132 = arith.constant 0 : i32
      %dma_wait3A_133 = tpu.memref_slice %arg13[%dma_wait3A_132] : memref<1040xi32, #tpu.memory_space<vmem>> -> memref<64xi32, #tpu.memory_space<vmem>>
      tpu.wait_dma2 semaphore(%run_scoped3A : memref<!tpu.dma_semaphore, #tpu.memory_space<semaphore_mem>>) src(%dma_wait3A_133 : memref<64xi32, #tpu.memory_space<vmem>>) dst(%dma_wait3A_131 : memref<64xi32, #tpu.memory_space<hbm>>)
      tpu.yield
    }) : () -> ()
    "tpu.region"() ({
      %run_scoped3A = tpu.sem_alloc : memref<!tpu.dma_semaphore, #tpu.memory_space<semaphore_mem>>
      tpu.enqueue_dma source(%arg6 : memref<64xf32, #tpu.memory_space<hbm>>) target(%arg15 : memref<64xf32, #tpu.memory_space<vmem>>) target_semaphore(%run_scoped3A : memref<!tpu.dma_semaphore, #tpu.memory_space<semaphore_mem>>)
      tpu.wait_dma2 semaphore(%run_scoped3A : memref<!tpu.dma_semaphore, #tpu.memory_space<semaphore_mem>>) src(%arg6 : memref<64xf32, #tpu.memory_space<hbm>>) dst(%arg15 : memref<64xf32, #tpu.memory_space<vmem>>)
      tpu.yield
    }) : () -> ()
    %mul3A_24 = arith.constant 4 : i32
    %mul3A_25 = arith.muli %multiple_of3A, %mul3A_24 : i32
    %add3A_26 = arith.constant 0 : i32
    %add3A_27 = arith.addi %mul3A_25, %add3A_26 : i32
    %multiple_of3A_28 = tpu.assume_multiple %add3A_27, 8 : i32
    "tpu.region"() ({
      %run_scoped3A = tpu.sem_alloc : memref<!tpu.dma_semaphore, #tpu.memory_space<semaphore_mem>>
      %dma_start3A = tpu.memref_slice %arg9[%multiple_of3A_28] : memref<8192xf32, #tpu.memory_space<hbm>> -> memref<64xf32, #tpu.memory_space<hbm>>
      %dma_start3A_124 = tpu.memref_slice %arg9[%multiple_of3A_28] : memref<8192xf32, #tpu.memory_space<hbm>> -> memref<64xf32, #tpu.memory_space<hbm>>
      tpu.enqueue_dma source(%arg15 : memref<64xf32, #tpu.memory_space<vmem>>) target(%dma_start3A_124 : memref<64xf32, #tpu.memory_space<hbm>>) target_semaphore(%run_scoped3A : memref<!tpu.dma_semaphore, #tpu.memory_space<semaphore_mem>>)
      %dma_wait3A = tpu.memref_slice %arg9[%multiple_of3A_28] : memref<8192xf32, #tpu.memory_space<hbm>> -> memref<64xf32, #tpu.memory_space<hbm>>
      %dma_wait3A_125 = tpu.memref_slice %arg9[%multiple_of3A_28] : memref<8192xf32, #tpu.memory_space<hbm>> -> memref<64xf32, #tpu.memory_space<hbm>>
      tpu.wait_dma2 semaphore(%run_scoped3A : memref<!tpu.dma_semaphore, #tpu.memory_space<semaphore_mem>>) src(%arg15 : memref<64xf32, #tpu.memory_space<vmem>>) dst(%dma_wait3A_125 : memref<64xf32, #tpu.memory_space<hbm>>)
      tpu.yield
    }) : () -> ()
    "tpu.region"() ({
      %run_scoped3A = tpu.sem_alloc : memref<!tpu.dma_semaphore, #tpu.memory_space<semaphore_mem>>
      %dma_start3A = tpu.memref_slice %arg10[%multiple_of3A_28] : memref<8192xf32, #tpu.memory_space<hbm>> -> memref<64xf32, #tpu.memory_space<hbm>>
      %dma_start3A_124 = tpu.memref_slice %arg10[%multiple_of3A_28] : memref<8192xf32, #tpu.memory_space<hbm>> -> memref<64xf32, #tpu.memory_space<hbm>>
      tpu.enqueue_dma source(%arg15 : memref<64xf32, #tpu.memory_space<vmem>>) target(%dma_start3A_124 : memref<64xf32, #tpu.memory_space<hbm>>) target_semaphore(%run_scoped3A : memref<!tpu.dma_semaphore, #tpu.memory_space<semaphore_mem>>)
      %dma_wait3A = tpu.memref_slice %arg10[%multiple_of3A_28] : memref<8192xf32, #tpu.memory_space<hbm>> -> memref<64xf32, #tpu.memory_space<hbm>>
      %dma_wait3A_125 = tpu.memref_slice %arg10[%multiple_of3A_28] : memref<8192xf32, #tpu.memory_space<hbm>> -> memref<64xf32, #tpu.memory_space<hbm>>
      tpu.wait_dma2 semaphore(%run_scoped3A : memref<!tpu.dma_semaphore, #tpu.memory_space<semaphore_mem>>) src(%arg15 : memref<64xf32, #tpu.memory_space<vmem>>) dst(%dma_wait3A_125 : memref<64xf32, #tpu.memory_space<hbm>>)
      tpu.yield
    }) : () -> ()
    %mul3A_29 = arith.constant 4 : i32
    %mul3A_30 = arith.muli %multiple_of3A, %mul3A_29 : i32
    %add3A_31 = arith.constant 64 : i32
    %add3A_32 = arith.addi %mul3A_30, %add3A_31 : i32
    %multiple_of3A_33 = tpu.assume_multiple %add3A_32, 8 : i32
    "tpu.region"() ({
      %run_scoped3A = tpu.sem_alloc : memref<!tpu.dma_semaphore, #tpu.memory_space<semaphore_mem>>
      %dma_start3A = tpu.memref_slice %arg9[%multiple_of3A_33] : memref<8192xf32, #tpu.memory_space<hbm>> -> memref<64xf32, #tpu.memory_space<hbm>>
      %dma_start3A_124 = tpu.memref_slice %arg9[%multiple_of3A_33] : memref<8192xf32, #tpu.memory_space<hbm>> -> memref<64xf32, #tpu.memory_space<hbm>>
      tpu.enqueue_dma source(%arg15 : memref<64xf32, #tpu.memory_space<vmem>>) target(%dma_start3A_124 : memref<64xf32, #tpu.memory_space<hbm>>) target_semaphore(%run_scoped3A : memref<!tpu.dma_semaphore, #tpu.memory_space<semaphore_mem>>)
      %dma_wait3A = tpu.memref_slice %arg9[%multiple_of3A_33] : memref<8192xf32, #tpu.memory_space<hbm>> -> memref<64xf32, #tpu.memory_space<hbm>>
      %dma_wait3A_125 = tpu.memref_slice %arg9[%multiple_of3A_33] : memref<8192xf32, #tpu.memory_space<hbm>> -> memref<64xf32, #tpu.memory_space<hbm>>
      tpu.wait_dma2 semaphore(%run_scoped3A : memref<!tpu.dma_semaphore, #tpu.memory_space<semaphore_mem>>) src(%arg15 : memref<64xf32, #tpu.memory_space<vmem>>) dst(%dma_wait3A_125 : memref<64xf32, #tpu.memory_space<hbm>>)
      tpu.yield
    }) : () -> ()
    "tpu.region"() ({
      %run_scoped3A = tpu.sem_alloc : memref<!tpu.dma_semaphore, #tpu.memory_space<semaphore_mem>>
      %dma_start3A = tpu.memref_slice %arg10[%multiple_of3A_33] : memref<8192xf32, #tpu.memory_space<hbm>> -> memref<64xf32, #tpu.memory_space<hbm>>
      %dma_start3A_124 = tpu.memref_slice %arg10[%multiple_of3A_33] : memref<8192xf32, #tpu.memory_space<hbm>> -> memref<64xf32, #tpu.memory_space<hbm>>
      tpu.enqueue_dma source(%arg15 : memref<64xf32, #tpu.memory_space<vmem>>) target(%dma_start3A_124 : memref<64xf32, #tpu.memory_space<hbm>>) target_semaphore(%run_scoped3A : memref<!tpu.dma_semaphore, #tpu.memory_space<semaphore_mem>>)
      %dma_wait3A = tpu.memref_slice %arg10[%multiple_of3A_33] : memref<8192xf32, #tpu.memory_space<hbm>> -> memref<64xf32, #tpu.memory_space<hbm>>
      %dma_wait3A_125 = tpu.memref_slice %arg10[%multiple_of3A_33] : memref<8192xf32, #tpu.memory_space<hbm>> -> memref<64xf32, #tpu.memory_space<hbm>>
      tpu.wait_dma2 semaphore(%run_scoped3A : memref<!tpu.dma_semaphore, #tpu.memory_space<semaphore_mem>>) src(%arg15 : memref<64xf32, #tpu.memory_space<vmem>>) dst(%dma_wait3A_125 : memref<64xf32, #tpu.memory_space<hbm>>)
      tpu.yield
    }) : () -> ()
    %mul3A_34 = arith.constant 4 : i32
    %mul3A_35 = arith.muli %multiple_of3A, %mul3A_34 : i32
    %add3A_36 = arith.constant 128 : i32
    %add3A_37 = arith.addi %mul3A_35, %add3A_36 : i32
    %multiple_of3A_38 = tpu.assume_multiple %add3A_37, 8 : i32
    "tpu.region"() ({
      %run_scoped3A = tpu.sem_alloc : memref<!tpu.dma_semaphore, #tpu.memory_space<semaphore_mem>>
      %dma_start3A = tpu.memref_slice %arg9[%multiple_of3A_38] : memref<8192xf32, #tpu.memory_space<hbm>> -> memref<64xf32, #tpu.memory_space<hbm>>
      %dma_start3A_124 = tpu.memref_slice %arg9[%multiple_of3A_38] : memref<8192xf32, #tpu.memory_space<hbm>> -> memref<64xf32, #tpu.memory_space<hbm>>
      tpu.enqueue_dma source(%arg15 : memref<64xf32, #tpu.memory_space<vmem>>) target(%dma_start3A_124 : memref<64xf32, #tpu.memory_space<hbm>>) target_semaphore(%run_scoped3A : memref<!tpu.dma_semaphore, #tpu.memory_space<semaphore_mem>>)
      %dma_wait3A = tpu.memref_slice %arg9[%multiple_of3A_38] : memref<8192xf32, #tpu.memory_space<hbm>> -> memref<64xf32, #tpu.memory_space<hbm>>
      %dma_wait3A_125 = tpu.memref_slice %arg9[%multiple_of3A_38] : memref<8192xf32, #tpu.memory_space<hbm>> -> memref<64xf32, #tpu.memory_space<hbm>>
      tpu.wait_dma2 semaphore(%run_scoped3A : memref<!tpu.dma_semaphore, #tpu.memory_space<semaphore_mem>>) src(%arg15 : memref<64xf32, #tpu.memory_space<vmem>>) dst(%dma_wait3A_125 : memref<64xf32, #tpu.memory_space<hbm>>)
      tpu.yield
    }) : () -> ()
    "tpu.region"() ({
      %run_scoped3A = tpu.sem_alloc : memref<!tpu.dma_semaphore, #tpu.memory_space<semaphore_mem>>
      %dma_start3A = tpu.memref_slice %arg10[%multiple_of3A_38] : memref<8192xf32, #tpu.memory_space<hbm>> -> memref<64xf32, #tpu.memory_space<hbm>>
      %dma_start3A_124 = tpu.memref_slice %arg10[%multiple_of3A_38] : memref<8192xf32, #tpu.memory_space<hbm>> -> memref<64xf32, #tpu.memory_space<hbm>>
      tpu.enqueue_dma source(%arg15 : memref<64xf32, #tpu.memory_space<vmem>>) target(%dma_start3A_124 : memref<64xf32, #tpu.memory_space<hbm>>) target_semaphore(%run_scoped3A : memref<!tpu.dma_semaphore, #tpu.memory_space<semaphore_mem>>)
      %dma_wait3A = tpu.memref_slice %arg10[%multiple_of3A_38] : memref<8192xf32, #tpu.memory_space<hbm>> -> memref<64xf32, #tpu.memory_space<hbm>>
      %dma_wait3A_125 = tpu.memref_slice %arg10[%multiple_of3A_38] : memref<8192xf32, #tpu.memory_space<hbm>> -> memref<64xf32, #tpu.memory_space<hbm>>
      tpu.wait_dma2 semaphore(%run_scoped3A : memref<!tpu.dma_semaphore, #tpu.memory_space<semaphore_mem>>) src(%arg15 : memref<64xf32, #tpu.memory_space<vmem>>) dst(%dma_wait3A_125 : memref<64xf32, #tpu.memory_space<hbm>>)
      tpu.yield
    }) : () -> ()
    %mul3A_39 = arith.constant 4 : i32
    %mul3A_40 = arith.muli %multiple_of3A, %mul3A_39 : i32
    %add3A_41 = arith.constant 192 : i32
    %add3A_42 = arith.addi %mul3A_40, %add3A_41 : i32
    %multiple_of3A_43 = tpu.assume_multiple %add3A_42, 8 : i32
    "tpu.region"() ({
      %run_scoped3A = tpu.sem_alloc : memref<!tpu.dma_semaphore, #tpu.memory_space<semaphore_mem>>
      %dma_start3A = tpu.memref_slice %arg9[%multiple_of3A_43] : memref<8192xf32, #tpu.memory_space<hbm>> -> memref<64xf32, #tpu.memory_space<hbm>>
      %dma_start3A_124 = tpu.memref_slice %arg9[%multiple_of3A_43] : memref<8192xf32, #tpu.memory_space<hbm>> -> memref<64xf32, #tpu.memory_space<hbm>>
      tpu.enqueue_dma source(%arg15 : memref<64xf32, #tpu.memory_space<vmem>>) target(%dma_start3A_124 : memref<64xf32, #tpu.memory_space<hbm>>) target_semaphore(%run_scoped3A : memref<!tpu.dma_semaphore, #tpu.memory_space<semaphore_mem>>)
      %dma_wait3A = tpu.memref_slice %arg9[%multiple_of3A_43] : memref<8192xf32, #tpu.memory_space<hbm>> -> memref<64xf32, #tpu.memory_space<hbm>>
      %dma_wait3A_125 = tpu.memref_slice %arg9[%multiple_of3A_43] : memref<8192xf32, #tpu.memory_space<hbm>> -> memref<64xf32, #tpu.memory_space<hbm>>
      tpu.wait_dma2 semaphore(%run_scoped3A : memref<!tpu.dma_semaphore, #tpu.memory_space<semaphore_mem>>) src(%arg15 : memref<64xf32, #tpu.memory_space<vmem>>) dst(%dma_wait3A_125 : memref<64xf32, #tpu.memory_space<hbm>>)
      tpu.yield
    }) : () -> ()
    "tpu.region"() ({
      %run_scoped3A = tpu.sem_alloc : memref<!tpu.dma_semaphore, #tpu.memory_space<semaphore_mem>>
      %dma_start3A = tpu.memref_slice %arg10[%multiple_of3A_43] : memref<8192xf32, #tpu.memory_space<hbm>> -> memref<64xf32, #tpu.memory_space<hbm>>
      %dma_start3A_124 = tpu.memref_slice %arg10[%multiple_of3A_43] : memref<8192xf32, #tpu.memory_space<hbm>> -> memref<64xf32, #tpu.memory_space<hbm>>
      tpu.enqueue_dma source(%arg15 : memref<64xf32, #tpu.memory_space<vmem>>) target(%dma_start3A_124 : memref<64xf32, #tpu.memory_space<hbm>>) target_semaphore(%run_scoped3A : memref<!tpu.dma_semaphore, #tpu.memory_space<semaphore_mem>>)
      %dma_wait3A = tpu.memref_slice %arg10[%multiple_of3A_43] : memref<8192xf32, #tpu.memory_space<hbm>> -> memref<64xf32, #tpu.memory_space<hbm>>
      %dma_wait3A_125 = tpu.memref_slice %arg10[%multiple_of3A_43] : memref<8192xf32, #tpu.memory_space<hbm>> -> memref<64xf32, #tpu.memory_space<hbm>>
      tpu.wait_dma2 semaphore(%run_scoped3A : memref<!tpu.dma_semaphore, #tpu.memory_space<semaphore_mem>>) src(%arg15 : memref<64xf32, #tpu.memory_space<vmem>>) dst(%dma_wait3A_125 : memref<64xf32, #tpu.memory_space<hbm>>)
      tpu.yield
    }) : () -> ()
    %eq3A = arith.constant 0 : i32
    %eq3A_44 = arith.cmpi eq, %arg1, %eq3A : i32
    %convert_element_type3A = arith.extui %eq3A_44 : i1 to i32
    %cond3A = arith.constant 0 : i32
    %cond3A_45 = arith.cmpi ne, %convert_element_type3A, %cond3A : i32
    scf.if %cond3A_45 {
      %swap3A_124 = arith.constant 0 : i32
      %swap3A_125 = arith.constant 0 : i32
      %swap3A_126 = arith.index_cast %swap3A_125 : i32 to index
      %swap3A_127 = memref.load %arg20[%swap3A_126] : memref<1xi32, #tpu.memory_space<smem>>
      memref.store %swap3A_124, %arg20[%swap3A_126] : memref<1xi32, #tpu.memory_space<smem>>
    } else {
    }
    "tpu.region"() ({
      %run_scoped3A = tpu.sem_alloc : memref<!tpu.dma_semaphore, #tpu.memory_space<semaphore_mem>>
      tpu.enqueue_dma source(%arg3 : memref<16xi32, #tpu.memory_space<hbm>>) target(%arg14 : memref<16xi32, #tpu.memory_space<vmem>>) target_semaphore(%run_scoped3A : memref<!tpu.dma_semaphore, #tpu.memory_space<semaphore_mem>>)
      tpu.wait_dma2 semaphore(%run_scoped3A : memref<!tpu.dma_semaphore, #tpu.memory_space<semaphore_mem>>) src(%arg3 : memref<16xi32, #tpu.memory_space<hbm>>) dst(%arg14 : memref<16xi32, #tpu.memory_space<vmem>>)
      tpu.yield
    }) : () -> ()
    %mul3A_46 = arith.constant 50000 : i32
    %mul3A_47 = arith.muli %add3A, %mul3A_46 : i32
    %multiple_of3A_48 = tpu.assume_multiple %mul3A_47, 8 : i32
    "tpu.region"() ({
      %run_scoped3A = tpu.sem_alloc : memref<!tpu.dma_semaphore, #tpu.memory_space<semaphore_mem>>
      %dma_start3A = tpu.memref_slice %arg2[%multiple_of3A_48] : memref<1600000xf32, #tpu.memory_space<hbm>> -> memref<50000xf32, #tpu.memory_space<hbm>>
      %dma_start3A_124 = tpu.memref_slice %arg2[%multiple_of3A_48] : memref<1600000xf32, #tpu.memory_space<hbm>> -> memref<50000xf32, #tpu.memory_space<hbm>>
      tpu.enqueue_dma source(%dma_start3A_124 : memref<50000xf32, #tpu.memory_space<hbm>>) target(%arg11 : memref<50000xf32, #tpu.memory_space<vmem>>) target_semaphore(%run_scoped3A : memref<!tpu.dma_semaphore, #tpu.memory_space<semaphore_mem>>)
      %dma_wait3A = tpu.memref_slice %arg2[%multiple_of3A_48] : memref<1600000xf32, #tpu.memory_space<hbm>> -> memref<50000xf32, #tpu.memory_space<hbm>>
      %dma_wait3A_125 = tpu.memref_slice %arg2[%multiple_of3A_48] : memref<1600000xf32, #tpu.memory_space<hbm>> -> memref<50000xf32, #tpu.memory_space<hbm>>
      tpu.wait_dma2 semaphore(%run_scoped3A : memref<!tpu.dma_semaphore, #tpu.memory_space<semaphore_mem>>) src(%dma_wait3A_125 : memref<50000xf32, #tpu.memory_space<hbm>>) dst(%arg11 : memref<50000xf32, #tpu.memory_space<vmem>>)
      tpu.yield
    }) : () -> ()
    %barrier3A = arith.constant 0 : index
    tpu.barrier barrier_id(%barrier3A)
    %get3A = arith.constant 0 : index
    %get3A_49 = tpu.vector_load %arg14[%get3A] {strides = array<i32>} : memref<16xi32, #tpu.memory_space<vmem>>, vector<16xi32>,
    %iota3A = tpu.iota {dimensions = array<i32: 0>} : vector<16xi32>
    %broadcast_in_dim3A_50 = arith.constant 1024 : i32
    %broadcast_in_dim3A_51 = vector.broadcast %broadcast_in_dim3A_50 : i32 to vector<16xi32>
    %broadcast_in_dim3A_52 = arith.constant 0 : i32
    %broadcast_in_dim3A_53 = vector.broadcast %broadcast_in_dim3A_52 : i32 to vector<16xi32>
    %parallel_loop3A = arith.constant 0 : i32
    %parallel_loop3A_54 = arith.constant 3125 : i32
    %parallel_loop3A_55 = arith.constant 1 : i32
    %parallel_loop3A_56 = scf.for %parallel_loop3A_124 = %parallel_loop3A to %parallel_loop3A_54 step %parallel_loop3A_55 iter_args(%parallel_loop3A_125 = %broadcast_in_dim3A_53) -> (vector<16xi32>)  : i32 {
      %parallel_loop3A_126 = arith.constant 16 : i32
      %parallel_loop3A_127 = arith.muli %parallel_loop3A_124, %parallel_loop3A_126 : i32
      %parallel_loop3A_128 = arith.index_cast %parallel_loop3A_127 : i32 to index
      %parallel_loop3A_129 = tpu.vector_load %arg11[%parallel_loop3A_128] {strides = array<i32>} : memref<50000xf32, #tpu.memory_space<vmem>>, vector<16xf32>,
      %parallel_loop3A_130 = arith.constant 0.00999999977 : f32
      %parallel_loop3A_131 = vector.broadcast %parallel_loop3A_130 : f32 to vector<16xf32>
      %parallel_loop3A_132 = arith.subf %parallel_loop3A_129, %parallel_loop3A_131 : vector<16xf32>
      %parallel_loop3A_133 = arith.constant 2066.66675 : f32
      %parallel_loop3A_134 = vector.broadcast %parallel_loop3A_133 : f32 to vector<16xf32>
      %parallel_loop3A_135 = arith.mulf %parallel_loop3A_132, %parallel_loop3A_134 : vector<16xf32>
      %parallel_loop3A_136 = arith.fptosi %parallel_loop3A_135 : vector<16xf32> to vector<16xi32>
      %parallel_loop3A_137 = arith.constant 1 : i32
      %parallel_loop3A_138 = vector.broadcast %parallel_loop3A_137 : i32 to vector<16xi32>
      %parallel_loop3A_139 = arith.addi %parallel_loop3A_136, %parallel_loop3A_138 : vector<16xi32>
      %parallel_loop3A_140 = arith.constant 0 : i32
      %parallel_loop3A_141 = arith.constant 2047 : i32
      %parallel_loop3A_142 = vector.broadcast %parallel_loop3A_140 : i32 to vector<16xi32>
      %parallel_loop3A_143 = arith.maxsi %parallel_loop3A_142, %parallel_loop3A_139 : vector<16xi32>
      %parallel_loop3A_144 = vector.broadcast %parallel_loop3A_141 : i32 to vector<16xi32>
      %parallel_loop3A_145 = arith.minsi %parallel_loop3A_144, %parallel_loop3A_143 : vector<16xi32>
      %parallel_loop3A_146 = arith.cmpi sge, %parallel_loop3A_145, %get3A_49 : vector<16xi32>
      %parallel_loop3A_147 = arith.constant 1 : i32
      %parallel_loop3A_148 = arith.constant 0 : i32
      %parallel_loop3A_149 = vector.broadcast %parallel_loop3A_147 : i32 to vector<16xi32>
      %parallel_loop3A_150 = vector.broadcast %parallel_loop3A_148 : i32 to vector<16xi32>
      %parallel_loop3A_151 = arith.select %parallel_loop3A_146, %parallel_loop3A_149, %parallel_loop3A_150 : vector<16xi1>, vector<16xi32>
      %parallel_loop3A_152 = arith.constant true
      %parallel_loop3A_153 = vector.broadcast %parallel_loop3A_152 : i1 to vector<16xi1>
      %parallel_loop3A_154 = tpu.scan <sum>, %parallel_loop3A_151 masked %parallel_loop3A_153 : vector<16xi32>, vector<16xi1> -> vector<16xi32>
      %parallel_loop3A_155 = arith.addi %parallel_loop3A_125, %parallel_loop3A_154 : vector<16xi32>
      %parallel_loop3A_156 = arith.constant 1 : i32
      %parallel_loop3A_157 = vector.broadcast %parallel_loop3A_156 : i32 to vector<16xi32>
      %parallel_loop3A_158 = arith.subi %parallel_loop3A_155, %parallel_loop3A_157 : vector<16xi32>
      tpu.vector_store_idx %arg12[%parallel_loop3A_158], %parallel_loop3A_129 masked %parallel_loop3A_146 : memref<1040xf32, #tpu.memory_space<vmem>>[vector<16xi32>], vector<16xf32>, vector<16xi1>
      %parallel_loop3A_159 = arith.constant 16 : i32
      %parallel_loop3A_160 = arith.muli %parallel_loop3A_124, %parallel_loop3A_159 : i32
      %parallel_loop3A_161 = arith.addi %mul3A_47, %parallel_loop3A_160 : i32
      %parallel_loop3A_162 = vector.broadcast %parallel_loop3A_161 : i32 to vector<16xi32>
      %parallel_loop3A_163 = arith.addi %parallel_loop3A_162, %iota3A : vector<16xi32>
      tpu.vector_store_idx %arg13[%parallel_loop3A_158], %parallel_loop3A_163 masked %parallel_loop3A_146 : memref<1040xi32, #tpu.memory_space<vmem>>[vector<16xi32>], vector<16xi32>, vector<16xi1>
      %parallel_loop3A_164 = tpu.all_reduce %parallel_loop3A_146 {dim = 0 : i64, kind = #tpu.reduction_kind<sum>} : vector<16xi1> -> vector<16xi32>
      %parallel_loop3A_165 = arith.addi %parallel_loop3A_125, %parallel_loop3A_164 : vector<16xi32>
      %parallel_loop3A_166 = arith.minsi %parallel_loop3A_165, %broadcast_in_dim3A_51 : vector<16xi32>
      scf.yield %parallel_loop3A_166 : vector<16xi32>
    } {sc.loop_unroll_factor = 4 : i64, sc.parallel_access}
    %reduce_max3A = arith.constant true
    %reduce_max3A_57 = vector.broadcast %reduce_max3A : i1 to vector<16xi1>
    %reduce_max3A_58 = arith.constant -2147483648 : i32
    %reduce_max3A_59 = vector.broadcast %reduce_max3A_58 : i32 to vector<16xi32>
    %reduce_max3A_60 = arith.xori %parallel_loop3A_56, %reduce_max3A_59 : vector<16xi32>
    %reduce_max3A_61 = tpu.scan <max>, %reduce_max3A_60 masked %reduce_max3A_57 : vector<16xi32>, vector<16xi1> -> vector<16xi32>
    %reduce_max3A_62 = arith.xori %reduce_max3A_61, %reduce_max3A_59 : vector<16xi32>
    %reduce_max3A_63 = vector.extract %reduce_max3A_62[15] : i32 from vector<16xi32>
    %add3A_64 = vector.broadcast %reduce_max3A_63 : i32 to vector<16xi32>
    %add3A_65 = arith.addi %add3A_64, %iota3A : vector<16xi32>
    tpu.vector_store_idx %arg12[%add3A_65], %broadcast_in_dim3A_1 : memref<1040xf32, #tpu.memory_space<vmem>>[vector<16xi32>], vector<16xf32>,
    %add3A_66 = vector.broadcast %reduce_max3A_63 : i32 to vector<16xi32>
    %add3A_67 = arith.addi %add3A_66, %iota3A : vector<16xi32>
    tpu.vector_store_idx %arg13[%add3A_67], %broadcast_in_dim3A_3 : memref<1040xi32, #tpu.memory_space<vmem>>[vector<16xi32>], vector<16xi32>,
    %add3A_68 = arith.constant 15 : i32
    %add3A_69 = arith.addi %reduce_max3A_63, %add3A_68 : i32
    %jit3A = arith.constant 16 : i32
    %div3A = arith.divsi %add3A_69, %jit3A : i32
    %sign3A = arith.constant 0 : i32
    %sign3A_70 = arith.cmpi sgt, %add3A_69, %sign3A : i32
    %sign3A_71 = arith.extui %sign3A_70 : i1 to i32
    %sign3A_72 = arith.constant 0 : i32
    %sign3A_73 = arith.cmpi slt, %add3A_69, %sign3A_72 : i32
    %sign3A_74 = arith.extui %sign3A_73 : i1 to i32
    %sign3A_75 = arith.subi %sign3A_71, %sign3A_74 : i32
    %sign3A_76 = arith.constant 0 : i32
    %sign3A_77 = arith.cmpi sgt, %jit3A, %sign3A_76 : i32
    %sign3A_78 = arith.extui %sign3A_77 : i1 to i32
    %sign3A_79 = arith.constant 0 : i32
    %sign3A_80 = arith.cmpi slt, %jit3A, %sign3A_79 : i32
    %sign3A_81 = arith.extui %sign3A_80 : i1 to i32
    %sign3A_82 = arith.subi %sign3A_78, %sign3A_81 : i32
    %ne3A = arith.cmpi ne, %sign3A_75, %sign3A_82 : i32
    %rem3A = arith.remsi %add3A_69, %jit3A : i32
    %ne3A_83 = arith.constant 0 : i32
    %ne3A_84 = arith.cmpi ne, %rem3A, %ne3A_83 : i32
    %and3A = arith.andi %ne3A, %ne3A_84 : i1
    %sub3A = arith.constant 1 : i32
    %sub3A_85 = arith.subi %div3A, %sub3A : i32
    %select_n3A = arith.select %and3A, %sub3A_85, %div3A : i32
    %mul3A_86 = arith.constant 16 : i32
    %mul3A_87 = arith.muli %select_n3A, %mul3A_86 : i32
    %sc_fetch_and_add3A = arith.constant 0 : i32
    %sc_fetch_and_add3A_88 = arith.constant 0 : i32
    %sc_fetch_and_add3A_89 = tpu.fetch_and_add_sync %arg20[%sc_fetch_and_add3A], %mul3A_87, %sc_fetch_and_add3A_88 : memref<1xi32, #tpu.memory_space<smem>>, i32 -> i32
    %iota3A_90 = tpu.iota {dimensions = array<i32: 0>} : vector<16xi32>
    %jit3A_91 = arith.constant 16 : i32
    %div3A_92 = arith.divsi %mul3A_87, %jit3A_91 : i32
    %sign3A_93 = arith.constant 0 : i32
    %sign3A_94 = arith.cmpi sgt, %mul3A_87, %sign3A_93 : i32
    %sign3A_95 = arith.extui %sign3A_94 : i1 to i32
    %sign3A_96 = arith.constant 0 : i32
    %sign3A_97 = arith.cmpi slt, %mul3A_87, %sign3A_96 : i32
    %sign3A_98 = arith.extui %sign3A_97 : i1 to i32
    %sign3A_99 = arith.subi %sign3A_95, %sign3A_98 : i32
    %sign3A_100 = arith.constant 0 : i32
    %sign3A_101 = arith.cmpi sgt, %jit3A_91, %sign3A_100 : i32
    %sign3A_102 = arith.extui %sign3A_101 : i1 to i32
    %sign3A_103 = arith.constant 0 : i32
    %sign3A_104 = arith.cmpi slt, %jit3A_91, %sign3A_103 : i32
    %sign3A_105 = arith.extui %sign3A_104 : i1 to i32
    %sign3A_106 = arith.subi %sign3A_102, %sign3A_105 : i32
    %ne3A_107 = arith.cmpi ne, %sign3A_99, %sign3A_106 : i32
    %rem3A_108 = arith.remsi %mul3A_87, %jit3A_91 : i32
    %ne3A_109 = arith.constant 0 : i32
    %ne3A_110 = arith.cmpi ne, %rem3A_108, %ne3A_109 : i32
    %and3A_111 = arith.andi %ne3A_107, %ne3A_110 : i1
    %sub3A_112 = arith.constant 1 : i32
    %sub3A_113 = arith.subi %div3A_92, %sub3A_112 : i32
    %select_n3A_114 = arith.select %and3A_111, %sub3A_113, %div3A_92 : i32
    %while3A = arith.constant 0 : i32
    %while3A_115 = arith.constant 0 : i32
    %while3A_116 = arith.subi %select_n3A_114, %while3A_115 : i32
    %while3A_117 = arith.addi %while3A_115, %while3A_116 : i32
    %while3A_118 = arith.constant 1 : i32
    %while3A_119 = arith.divsi %while3A_116, %while3A_118 : i32
    %while3A_120 = arith.muli %while3A_119, %while3A_118 : i32
    %while3A_121 = arith.addi %while3A_115, %while3A_120 : i32
    %while3A_122 = arith.constant 1 : i32
    scf.for %while3A_124 = %while3A_115 to %while3A_121 step %while3A_122  : i32 {
      %mul3A_125 = arith.constant 16 : i32
      %mul3A_126 = arith.muli %while3A_124, %mul3A_125 : i32
      %add3A_127 = arith.addi %sc_fetch_and_add3A_89, %mul3A_126 : i32
      %le3A = arith.constant 1008 : i32
      %le3A_128 = arith.cmpi sle, %add3A_127, %le3A : i32
      %convert_element_type3A_129 = arith.extui %le3A_128 : i1 to i32
      %cond3A_130 = arith.constant 0 : i32
      %cond3A_131 = arith.cmpi ne, %convert_element_type3A_129, %cond3A_130 : i32
      scf.if %cond3A_131 {
        %mul3A_132 = arith.constant 1024 : i32
        %mul3A_133 = arith.muli %arg0, %mul3A_132 : i32
        %add3A_134 = arith.addi %mul3A_133, %add3A_127 : i32
        %multiple_of3A_135 = tpu.assume_multiple %add3A_134, 8 : i32
        %mul3A_136 = arith.constant 16 : i32
        %mul3A_137 = arith.muli %while3A_124, %mul3A_136 : i32
        "tpu.region"() ({
          %run_scoped3A = tpu.sem_alloc : memref<!tpu.dma_semaphore, #tpu.memory_space<semaphore_mem>>
          %dma_start3A_298 = tpu.memref_slice %arg12[%mul3A_137] : memref<1040xf32, #tpu.memory_space<vmem>> -> memref<16xf32, #tpu.memory_space<vmem>>
          %dma_start3A_299 = tpu.memref_slice %arg7[%multiple_of3A_135] : memref<2048xf32, #tpu.memory_space<hbm>> -> memref<16xf32, #tpu.memory_space<hbm>>
          %dma_start3A_300 = tpu.memref_slice %arg7[%multiple_of3A_135] : memref<2048xf32, #tpu.memory_space<hbm>> -> memref<16xf32, #tpu.memory_space<hbm>>
          %dma_start3A_301 = tpu.memref_slice %arg12[%mul3A_137] : memref<1040xf32, #tpu.memory_space<vmem>> -> memref<16xf32, #tpu.memory_space<vmem>>
          tpu.enqueue_dma source(%dma_start3A_301 : memref<16xf32, #tpu.memory_space<vmem>>) target(%dma_start3A_300 : memref<16xf32, #tpu.memory_space<hbm>>) target_semaphore(%run_scoped3A : memref<!tpu.dma_semaphore, #tpu.memory_space<semaphore_mem>>)
          %dma_wait3A_302 = tpu.memref_slice %arg12[%mul3A_137] : memref<1040xf32, #tpu.memory_space<vmem>> -> memref<16xf32, #tpu.memory_space<vmem>>
          %dma_wait3A_303 = tpu.memref_slice %arg7[%multiple_of3A_135] : memref<2048xf32, #tpu.memory_space<hbm>> -> memref<16xf32, #tpu.memory_space<hbm>>
          %dma_wait3A_304 = tpu.memref_slice %arg7[%multiple_of3A_135] : memref<2048xf32, #tpu.memory_space<hbm>> -> memref<16xf32, #tpu.memory_space<hbm>>
          %dma_wait3A_305 = tpu.memref_slice %arg12[%mul3A_137] : memref<1040xf32, #tpu.memory_space<vmem>> -> memref<16xf32, #tpu.memory_space<vmem>>
          tpu.wait_dma2 semaphore(%run_scoped3A : memref<!tpu.dma_semaphore, #tpu.memory_space<semaphore_mem>>) src(%dma_wait3A_305 : memref<16xf32, #tpu.memory_space<vmem>>) dst(%dma_wait3A_304 : memref<16xf32, #tpu.memory_space<hbm>>)
          tpu.yield
        }) : () -> ()
        %mul3A_138 = arith.constant 16 : i32
        %mul3A_139 = arith.muli %while3A_124, %mul3A_138 : i32
        "tpu.region"() ({
          %run_scoped3A = tpu.sem_alloc : memref<!tpu.dma_semaphore, #tpu.memory_space<semaphore_mem>>
          %dma_start3A_298 = tpu.memref_slice %arg13[%mul3A_139] : memref<1040xi32, #tpu.memory_space<vmem>> -> memref<16xi32, #tpu.memory_space<vmem>>
          %dma_start3A_299 = tpu.memref_slice %arg8[%multiple_of3A_135] : memref<2048xi32, #tpu.memory_space<hbm>> -> memref<16xi32, #tpu.memory_space<hbm>>
          %dma_start3A_300 = tpu.memref_slice %arg8[%multiple_of3A_135] : memref<2048xi32, #tpu.memory_space<hbm>> -> memref<16xi32, #tpu.memory_space<hbm>>
          %dma_start3A_301 = tpu.memref_slice %arg13[%mul3A_139] : memref<1040xi32, #tpu.memory_space<vmem>> -> memref<16xi32, #tpu.memory_space<vmem>>
          tpu.enqueue_dma source(%dma_start3A_301 : memref<16xi32, #tpu.memory_space<vmem>>) target(%dma_start3A_300 : memref<16xi32, #tpu.memory_space<hbm>>) target_semaphore(%run_scoped3A : memref<!tpu.dma_semaphore, #tpu.memory_space<semaphore_mem>>)
          %dma_wait3A_302 = tpu.memref_slice %arg13[%mul3A_139] : memref<1040xi32, #tpu.memory_space<vmem>> -> memref<16xi32, #tpu.memory_space<vmem>>
          %dma_wait3A_303 = tpu.memref_slice %arg8[%multiple_of3A_135] : memref<2048xi32, #tpu.memory_space<hbm>> -> memref<16xi32, #tpu.memory_space<hbm>>
          %dma_wait3A_304 = tpu.memref_slice %arg8[%multiple_of3A_135] : memref<2048xi32, #tpu.memory_space<hbm>> -> memref<16xi32, #tpu.memory_space<hbm>>
          %dma_wait3A_305 = tpu.memref_slice %arg13[%mul3A_139] : memref<1040xi32, #tpu.memory_space<vmem>> -> memref<16xi32, #tpu.memory_space<vmem>>
          tpu.wait_dma2 semaphore(%run_scoped3A : memref<!tpu.dma_semaphore, #tpu.memory_space<semaphore_mem>>) src(%dma_wait3A_305 : memref<16xi32, #tpu.memory_space<vmem>>) dst(%dma_wait3A_304 : memref<16xi32, #tpu.memory_space<hbm>>)
          tpu.yield
        }) : () -> ()
        %mul3A_140 = arith.constant 16 : i32
        %mul3A_141 = arith.muli %while3A_124, %mul3A_140 : i32
        %get3A_142 = arith.index_cast %mul3A_141 : i32 to index
        %get3A_143 = tpu.vector_load %arg13[%get3A_142] {strides = array<i32>} : memref<1040xi32, #tpu.memory_space<vmem>>, vector<16xi32>,
        %jit3A_144 = arith.constant 80 : i32
        %div3A_145 = vector.broadcast %jit3A_144 : i32 to vector<16xi32>
        %div3A_146 = arith.divsi %get3A_143, %div3A_145 : vector<16xi32>
        %sign3A_147 = arith.constant 0 : i32
        %sign3A_148 = vector.broadcast %sign3A_147 : i32 to vector<16xi32>
        %sign3A_149 = arith.cmpi sgt, %get3A_143, %sign3A_148 : vector<16xi32>
        %sign3A_150 = arith.extui %sign3A_149 : vector<16xi1> to vector<16xi32>
        %sign3A_151 = arith.constant 0 : i32
        %sign3A_152 = vector.broadcast %sign3A_151 : i32 to vector<16xi32>
        %sign3A_153 = arith.cmpi slt, %get3A_143, %sign3A_152 : vector<16xi32>
        %sign3A_154 = arith.extui %sign3A_153 : vector<16xi1> to vector<16xi32>
        %sign3A_155 = arith.subi %sign3A_150, %sign3A_154 : vector<16xi32>
        %sign3A_156 = arith.constant 0 : i32
        %sign3A_157 = arith.cmpi sgt, %jit3A_144, %sign3A_156 : i32
        %sign3A_158 = arith.extui %sign3A_157 : i1 to i32
        %sign3A_159 = arith.constant 0 : i32
        %sign3A_160 = arith.cmpi slt, %jit3A_144, %sign3A_159 : i32
        %sign3A_161 = arith.extui %sign3A_160 : i1 to i32
        %sign3A_162 = arith.subi %sign3A_158, %sign3A_161 : i32
        %ne3A_163 = vector.broadcast %sign3A_162 : i32 to vector<16xi32>
        %ne3A_164 = arith.cmpi ne, %sign3A_155, %ne3A_163 : vector<16xi32>
        %rem3A_165 = vector.broadcast %jit3A_144 : i32 to vector<16xi32>
        %rem3A_166 = arith.remsi %get3A_143, %rem3A_165 : vector<16xi32>
        %ne3A_167 = arith.constant 0 : i32
        %ne3A_168 = vector.broadcast %ne3A_167 : i32 to vector<16xi32>
        %ne3A_169 = arith.cmpi ne, %rem3A_166, %ne3A_168 : vector<16xi32>
        %and3A_170 = arith.andi %ne3A_164, %ne3A_169 : vector<16xi1>
        %sub3A_171 = arith.constant 1 : i32
        %sub3A_172 = vector.broadcast %sub3A_171 : i32 to vector<16xi32>
        %sub3A_173 = arith.subi %div3A_146, %sub3A_172 : vector<16xi32>
        %select_n3A_174 = arith.select %and3A_170, %sub3A_173, %div3A_146 : vector<16xi1>, vector<16xi32>
        %mul3A_175 = arith.constant 80 : i32
        %mul3A_176 = vector.broadcast %mul3A_175 : i32 to vector<16xi32>
        %mul3A_177 = arith.muli %select_n3A_174, %mul3A_176 : vector<16xi32>
        %sub3A_178 = arith.subi %get3A_143, %mul3A_177 : vector<16xi32>
        %mul3A_179 = arith.constant 324 : i32
        %mul3A_180 = vector.broadcast %mul3A_179 : i32 to vector<16xi32>
        %mul3A_181 = arith.muli %select_n3A_174, %mul3A_180 : vector<16xi32>
        %add3A_182 = arith.constant 1 : i32
        %add3A_183 = vector.broadcast %add3A_182 : i32 to vector<16xi32>
        %add3A_184 = arith.addi %sub3A_178, %add3A_183 : vector<16xi32>
        %mul3A_185 = arith.constant 4 : i32
        %mul3A_186 = vector.broadcast %mul3A_185 : i32 to vector<16xi32>
        %mul3A_187 = arith.muli %add3A_184, %mul3A_186 : vector<16xi32>
        %add3A_188 = arith.addi %mul3A_181, %mul3A_187 : vector<16xi32>
        %mul3A_189 = arith.constant 4 : i32
        %mul3A_190 = vector.broadcast %mul3A_189 : i32 to vector<16xi32>
        %mul3A_191 = arith.muli %select_n3A_174, %mul3A_190 : vector<16xi32>
        %shift_right_logical3A = arith.constant 7 : i32
        %shift_right_logical3A_192 = vector.broadcast %shift_right_logical3A : i32 to vector<16xi32>
        %shift_right_logical3A_193 = arith.shrui %add3A_188, %shift_right_logical3A_192 : vector<16xi32>
        %dma_start3A = arith.constant 0 : i32
        %dma_start3A_194 = arith.constant 0 : i32
        %dma_start3A_195 = tpu.memref_slice %arg4[%dma_start3A, %dma_start3A_194] : memref<50625x128xf32, #tpu.memory_space<hbm>> -> memref<50625x128xf32, #tpu.memory_space<hbm>>
        tpu.enqueue_indirect_dma source(%dma_start3A_195 : memref<50625x128xf32, #tpu.memory_space<hbm>>) target(%arg18 : memref<16x128xf32, #tpu.memory_space<vmem>>) offsets(%shift_right_logical3A_193 : vector<16xi32>) semaphore(%arg21 : memref<!tpu.dma_semaphore, #tpu.memory_space<semaphore_mem>>)
        %dma_wait3A = arith.constant 0 : i32
        %dma_wait3A_196 = arith.constant 0 : i32
        %dma_wait3A_197 = tpu.memref_slice %arg4[%dma_wait3A, %dma_wait3A_196] : memref<50625x128xf32, #tpu.memory_space<hbm>> -> memref<50625x128xf32, #tpu.memory_space<hbm>>
        tpu.wait_indirect_dma semaphore(%arg21 : memref<!tpu.dma_semaphore, #tpu.memory_space<semaphore_mem>>) src(%dma_wait3A_197 : memref<50625x128xf32, #tpu.memory_space<hbm>>) dst(%arg18 : memref<16x128xf32, #tpu.memory_space<vmem>>)
        %shift_right_logical3A_198 = arith.constant 7 : i32
        %shift_right_logical3A_199 = vector.broadcast %shift_right_logical3A_198 : i32 to vector<16xi32>
        %shift_right_logical3A_200 = arith.shrui %mul3A_191, %shift_right_logical3A_199 : vector<16xi32>
        %dma_start3A_201 = arith.constant 0 : i32
        %dma_start3A_202 = arith.constant 0 : i32
        %dma_start3A_203 = tpu.memref_slice %arg5[%dma_start3A_201, %dma_start3A_202] : memref<625x128xf32, #tpu.memory_space<hbm>> -> memref<625x128xf32, #tpu.memory_space<hbm>>
        tpu.enqueue_indirect_dma source(%dma_start3A_203 : memref<625x128xf32, #tpu.memory_space<hbm>>) target(%arg19 : memref<16x128xf32, #tpu.memory_space<vmem>>) offsets(%shift_right_logical3A_200 : vector<16xi32>) semaphore(%arg21 : memref<!tpu.dma_semaphore, #tpu.memory_space<semaphore_mem>>)
        %dma_wait3A_204 = arith.constant 0 : i32
        %dma_wait3A_205 = arith.constant 0 : i32
        %dma_wait3A_206 = tpu.memref_slice %arg5[%dma_wait3A_204, %dma_wait3A_205] : memref<625x128xf32, #tpu.memory_space<hbm>> -> memref<625x128xf32, #tpu.memory_space<hbm>>
        tpu.wait_indirect_dma semaphore(%arg21 : memref<!tpu.dma_semaphore, #tpu.memory_space<semaphore_mem>>) src(%dma_wait3A_206 : memref<625x128xf32, #tpu.memory_space<hbm>>) dst(%arg19 : memref<16x128xf32, #tpu.memory_space<vmem>>)
        %and3A_207 = arith.constant 127 : i32
        %and3A_208 = vector.broadcast %and3A_207 : i32 to vector<16xi32>
        %and3A_209 = arith.andi %add3A_188, %and3A_208 : vector<16xi32>
        %and3A_210 = arith.constant 127 : i32
        %and3A_211 = vector.broadcast %and3A_210 : i32 to vector<16xi32>
        %and3A_212 = arith.andi %mul3A_191, %and3A_211 : vector<16xi32>
        %add3A_213 = arith.constant 0 : i32
        %add3A_214 = vector.broadcast %add3A_213 : i32 to vector<16xi32>
        %add3A_215 = arith.addi %and3A_209, %add3A_214 : vector<16xi32>
        %gather3A = tpu.vector_load_idx %arg18[%iota3A_90, %add3A_215] : memref<16x128xf32, #tpu.memory_space<vmem>>[vector<16xi32>, vector<16xi32>], vector<16xf32>,
        %add3A_216 = arith.constant 0 : i32
        %add3A_217 = vector.broadcast %add3A_216 : i32 to vector<16xi32>
        %add3A_218 = arith.addi %and3A_212, %add3A_217 : vector<16xi32>
        %gather3A_219 = tpu.vector_load_idx %arg19[%iota3A_90, %add3A_218] : memref<16x128xf32, #tpu.memory_space<vmem>>[vector<16xi32>, vector<16xi32>], vector<16xf32>,
        %mul3A_220 = arith.constant 4 : i32
        %mul3A_221 = vector.broadcast %mul3A_220 : i32 to vector<16xi32>
        %mul3A_222 = arith.muli %iota3A_90, %mul3A_221 : vector<16xi32>
        %add3A_223 = arith.constant 0 : i32
        %add3A_224 = vector.broadcast %add3A_223 : i32 to vector<16xi32>
        %add3A_225 = arith.addi %mul3A_222, %add3A_224 : vector<16xi32>
        tpu.vector_store_idx %arg16[%add3A_225], %gather3A : memref<64xf32, #tpu.memory_space<vmem>>[vector<16xi32>], vector<16xf32>,
        %mul3A_226 = arith.constant 4 : i32
        %mul3A_227 = vector.broadcast %mul3A_226 : i32 to vector<16xi32>
        %mul3A_228 = arith.muli %iota3A_90, %mul3A_227 : vector<16xi32>
        %add3A_229 = arith.constant 0 : i32
        %add3A_230 = vector.broadcast %add3A_229 : i32 to vector<16xi32>
        %add3A_231 = arith.addi %mul3A_228, %add3A_230 : vector<16xi32>
        tpu.vector_store_idx %arg17[%add3A_231], %gather3A_219 : memref<64xf32, #tpu.memory_space<vmem>>[vector<16xi32>], vector<16xf32>,
        %add3A_232 = arith.constant 1 : i32
        %add3A_233 = vector.broadcast %add3A_232 : i32 to vector<16xi32>
        %add3A_234 = arith.addi %and3A_209, %add3A_233 : vector<16xi32>
        %gather3A_235 = tpu.vector_load_idx %arg18[%iota3A_90, %add3A_234] : memref<16x128xf32, #tpu.memory_space<vmem>>[vector<16xi32>, vector<16xi32>], vector<16xf32>,
        %add3A_236 = arith.constant 1 : i32
        %add3A_237 = vector.broadcast %add3A_236 : i32 to vector<16xi32>
        %add3A_238 = arith.addi %and3A_212, %add3A_237 : vector<16xi32>
        %gather3A_239 = tpu.vector_load_idx %arg19[%iota3A_90, %add3A_238] : memref<16x128xf32, #tpu.memory_space<vmem>>[vector<16xi32>, vector<16xi32>], vector<16xf32>,
        %mul3A_240 = arith.constant 4 : i32
        %mul3A_241 = vector.broadcast %mul3A_240 : i32 to vector<16xi32>
        %mul3A_242 = arith.muli %iota3A_90, %mul3A_241 : vector<16xi32>
        %add3A_243 = arith.constant 1 : i32
        %add3A_244 = vector.broadcast %add3A_243 : i32 to vector<16xi32>
        %add3A_245 = arith.addi %mul3A_242, %add3A_244 : vector<16xi32>
        tpu.vector_store_idx %arg16[%add3A_245], %gather3A_235 : memref<64xf32, #tpu.memory_space<vmem>>[vector<16xi32>], vector<16xf32>,
        %mul3A_246 = arith.constant 4 : i32
        %mul3A_247 = vector.broadcast %mul3A_246 : i32 to vector<16xi32>
        %mul3A_248 = arith.muli %iota3A_90, %mul3A_247 : vector<16xi32>
        %add3A_249 = arith.constant 1 : i32
        %add3A_250 = vector.broadcast %add3A_249 : i32 to vector<16xi32>
        %add3A_251 = arith.addi %mul3A_248, %add3A_250 : vector<16xi32>
        tpu.vector_store_idx %arg17[%add3A_251], %gather3A_239 : memref<64xf32, #tpu.memory_space<vmem>>[vector<16xi32>], vector<16xf32>,
        %add3A_252 = arith.constant 2 : i32
        %add3A_253 = vector.broadcast %add3A_252 : i32 to vector<16xi32>
        %add3A_254 = arith.addi %and3A_209, %add3A_253 : vector<16xi32>
        %gather3A_255 = tpu.vector_load_idx %arg18[%iota3A_90, %add3A_254] : memref<16x128xf32, #tpu.memory_space<vmem>>[vector<16xi32>, vector<16xi32>], vector<16xf32>,
        %add3A_256 = arith.constant 2 : i32
        %add3A_257 = vector.broadcast %add3A_256 : i32 to vector<16xi32>
        %add3A_258 = arith.addi %and3A_212, %add3A_257 : vector<16xi32>
        %gather3A_259 = tpu.vector_load_idx %arg19[%iota3A_90, %add3A_258] : memref<16x128xf32, #tpu.memory_space<vmem>>[vector<16xi32>, vector<16xi32>], vector<16xf32>,
        %mul3A_260 = arith.constant 4 : i32
        %mul3A_261 = vector.broadcast %mul3A_260 : i32 to vector<16xi32>
        %mul3A_262 = arith.muli %iota3A_90, %mul3A_261 : vector<16xi32>
        %add3A_263 = arith.constant 2 : i32
        %add3A_264 = vector.broadcast %add3A_263 : i32 to vector<16xi32>
        %add3A_265 = arith.addi %mul3A_262, %add3A_264 : vector<16xi32>
        tpu.vector_store_idx %arg16[%add3A_265], %gather3A_255 : memref<64xf32, #tpu.memory_space<vmem>>[vector<16xi32>], vector<16xf32>,
        %mul3A_266 = arith.constant 4 : i32
        %mul3A_267 = vector.broadcast %mul3A_266 : i32 to vector<16xi32>
        %mul3A_268 = arith.muli %iota3A_90, %mul3A_267 : vector<16xi32>
        %add3A_269 = arith.constant 2 : i32
        %add3A_270 = vector.broadcast %add3A_269 : i32 to vector<16xi32>
        %add3A_271 = arith.addi %mul3A_268, %add3A_270 : vector<16xi32>
        tpu.vector_store_idx %arg17[%add3A_271], %gather3A_259 : memref<64xf32, #tpu.memory_space<vmem>>[vector<16xi32>], vector<16xf32>,
        %add3A_272 = arith.constant 3 : i32
        %add3A_273 = vector.broadcast %add3A_272 : i32 to vector<16xi32>
        %add3A_274 = arith.addi %and3A_209, %add3A_273 : vector<16xi32>
        %gather3A_275 = tpu.vector_load_idx %arg18[%iota3A_90, %add3A_274] : memref<16x128xf32, #tpu.memory_space<vmem>>[vector<16xi32>, vector<16xi32>], vector<16xf32>,
        %add3A_276 = arith.constant 3 : i32
        %add3A_277 = vector.broadcast %add3A_276 : i32 to vector<16xi32>
        %add3A_278 = arith.addi %and3A_212, %add3A_277 : vector<16xi32>
        %gather3A_279 = tpu.vector_load_idx %arg19[%iota3A_90, %add3A_278] : memref<16x128xf32, #tpu.memory_space<vmem>>[vector<16xi32>, vector<16xi32>], vector<16xf32>,
        %mul3A_280 = arith.constant 4 : i32
        %mul3A_281 = vector.broadcast %mul3A_280 : i32 to vector<16xi32>
        %mul3A_282 = arith.muli %iota3A_90, %mul3A_281 : vector<16xi32>
        %add3A_283 = arith.constant 3 : i32
        %add3A_284 = vector.broadcast %add3A_283 : i32 to vector<16xi32>
        %add3A_285 = arith.addi %mul3A_282, %add3A_284 : vector<16xi32>
        tpu.vector_store_idx %arg16[%add3A_285], %gather3A_275 : memref<64xf32, #tpu.memory_space<vmem>>[vector<16xi32>], vector<16xf32>,
        %mul3A_286 = arith.constant 4 : i32
        %mul3A_287 = vector.broadcast %mul3A_286 : i32 to vector<16xi32>
        %mul3A_288 = arith.muli %iota3A_90, %mul3A_287 : vector<16xi32>
        %add3A_289 = arith.constant 3 : i32
        %add3A_290 = vector.broadcast %add3A_289 : i32 to vector<16xi32>
        %add3A_291 = arith.addi %mul3A_288, %add3A_290 : vector<16xi32>
        tpu.vector_store_idx %arg17[%add3A_291], %gather3A_279 : memref<64xf32, #tpu.memory_space<vmem>>[vector<16xi32>], vector<16xf32>,
        %mul3A_292 = arith.constant 4 : i32
        %mul3A_293 = arith.muli %multiple_of3A_135, %mul3A_292 : i32
        %multiple_of3A_294 = tpu.assume_multiple %mul3A_293, 8 : i32
        "tpu.region"() ({
          %run_scoped3A = tpu.sem_alloc : memref<!tpu.dma_semaphore, #tpu.memory_space<semaphore_mem>>
          %dma_start3A_298 = tpu.memref_slice %arg9[%multiple_of3A_294] : memref<8192xf32, #tpu.memory_space<hbm>> -> memref<64xf32, #tpu.memory_space<hbm>>
          %dma_start3A_299 = tpu.memref_slice %arg9[%multiple_of3A_294] : memref<8192xf32, #tpu.memory_space<hbm>> -> memref<64xf32, #tpu.memory_space<hbm>>
          tpu.enqueue_dma source(%arg16 : memref<64xf32, #tpu.memory_space<vmem>>) target(%dma_start3A_299 : memref<64xf32, #tpu.memory_space<hbm>>) target_semaphore(%run_scoped3A : memref<!tpu.dma_semaphore, #tpu.memory_space<semaphore_mem>>)
          %dma_wait3A_300 = tpu.memref_slice %arg9[%multiple_of3A_294] : memref<8192xf32, #tpu.memory_space<hbm>> -> memref<64xf32, #tpu.memory_space<hbm>>
          %dma_wait3A_301 = tpu.memref_slice %arg9[%multiple_of3A_294] : memref<8192xf32, #tpu.memory_space<hbm>> -> memref<64xf32, #tpu.memory_space<hbm>>
          tpu.wait_dma2 semaphore(%run_scoped3A : memref<!tpu.dma_semaphore, #tpu.memory_space<semaphore_mem>>) src(%arg16 : memref<64xf32, #tpu.memory_space<vmem>>) dst(%dma_wait3A_301 : memref<64xf32, #tpu.memory_space<hbm>>)
          tpu.yield
        }) : () -> ()
        %mul3A_295 = arith.constant 4 : i32
        %mul3A_296 = arith.muli %multiple_of3A_135, %mul3A_295 : i32
        %multiple_of3A_297 = tpu.assume_multiple %mul3A_296, 8 : i32
        "tpu.region"() ({
          %run_scoped3A = tpu.sem_alloc : memref<!tpu.dma_semaphore, #tpu.memory_space<semaphore_mem>>
          %dma_start3A_298 = tpu.memref_slice %arg10[%multiple_of3A_297] : memref<8192xf32, #tpu.memory_space<hbm>> -> memref<64xf32, #tpu.memory_space<hbm>>
          %dma_start3A_299 = tpu.memref_slice %arg10[%multiple_of3A_297] : memref<8192xf32, #tpu.memory_space<hbm>> -> memref<64xf32, #tpu.memory_space<hbm>>
          tpu.enqueue_dma source(%arg17 : memref<64xf32, #tpu.memory_space<vmem>>) target(%dma_start3A_299 : memref<64xf32, #tpu.memory_space<hbm>>) target_semaphore(%run_scoped3A : memref<!tpu.dma_semaphore, #tpu.memory_space<semaphore_mem>>)
          %dma_wait3A_300 = tpu.memref_slice %arg10[%multiple_of3A_297] : memref<8192xf32, #tpu.memory_space<hbm>> -> memref<64xf32, #tpu.memory_space<hbm>>
          %dma_wait3A_301 = tpu.memref_slice %arg10[%multiple_of3A_297] : memref<8192xf32, #tpu.memory_space<hbm>> -> memref<64xf32, #tpu.memory_space<hbm>>
          tpu.wait_dma2 semaphore(%run_scoped3A : memref<!tpu.dma_semaphore, #tpu.memory_space<semaphore_mem>>) src(%arg17 : memref<64xf32, #tpu.memory_space<vmem>>) dst(%dma_wait3A_301 : memref<64xf32, #tpu.memory_space<hbm>>)
          tpu.yield
        }) : () -> ()
      } else {
      }
    }
    %while3A_123 = arith.constant 1 : i32
    scf.for %while3A_124 = %while3A_121 to %while3A_117 step %while3A_123  : i32 {
      %mul3A_125 = arith.constant 16 : i32
      %mul3A_126 = arith.muli %while3A_124, %mul3A_125 : i32
      %add3A_127 = arith.addi %sc_fetch_and_add3A_89, %mul3A_126 : i32
      %le3A = arith.constant 1008 : i32
      %le3A_128 = arith.cmpi sle, %add3A_127, %le3A : i32
      %convert_element_type3A_129 = arith.extui %le3A_128 : i1 to i32
      %cond3A_130 = arith.constant 0 : i32
      %cond3A_131 = arith.cmpi ne, %convert_element_type3A_129, %cond3A_130 : i32
      scf.if %cond3A_131 {
        %mul3A_132 = arith.constant 1024 : i32
        %mul3A_133 = arith.muli %arg0, %mul3A_132 : i32
        %add3A_134 = arith.addi %mul3A_133, %add3A_127 : i32
        %multiple_of3A_135 = tpu.assume_multiple %add3A_134, 8 : i32
        %mul3A_136 = arith.constant 16 : i32
        %mul3A_137 = arith.muli %while3A_124, %mul3A_136 : i32
        "tpu.region"() ({
          %run_scoped3A = tpu.sem_alloc : memref<!tpu.dma_semaphore, #tpu.memory_space<semaphore_mem>>
          %dma_start3A_298 = tpu.memref_slice %arg12[%mul3A_137] : memref<1040xf32, #tpu.memory_space<vmem>> -> memref<16xf32, #tpu.memory_space<vmem>>
          %dma_start3A_299 = tpu.memref_slice %arg7[%multiple_of3A_135] : memref<2048xf32, #tpu.memory_space<hbm>> -> memref<16xf32, #tpu.memory_space<hbm>>
          %dma_start3A_300 = tpu.memref_slice %arg7[%multiple_of3A_135] : memref<2048xf32, #tpu.memory_space<hbm>> -> memref<16xf32, #tpu.memory_space<hbm>>
          %dma_start3A_301 = tpu.memref_slice %arg12[%mul3A_137] : memref<1040xf32, #tpu.memory_space<vmem>> -> memref<16xf32, #tpu.memory_space<vmem>>
          tpu.enqueue_dma source(%dma_start3A_301 : memref<16xf32, #tpu.memory_space<vmem>>) target(%dma_start3A_300 : memref<16xf32, #tpu.memory_space<hbm>>) target_semaphore(%run_scoped3A : memref<!tpu.dma_semaphore, #tpu.memory_space<semaphore_mem>>)
          %dma_wait3A_302 = tpu.memref_slice %arg12[%mul3A_137] : memref<1040xf32, #tpu.memory_space<vmem>> -> memref<16xf32, #tpu.memory_space<vmem>>
          %dma_wait3A_303 = tpu.memref_slice %arg7[%multiple_of3A_135] : memref<2048xf32, #tpu.memory_space<hbm>> -> memref<16xf32, #tpu.memory_space<hbm>>
          %dma_wait3A_304 = tpu.memref_slice %arg7[%multiple_of3A_135] : memref<2048xf32, #tpu.memory_space<hbm>> -> memref<16xf32, #tpu.memory_space<hbm>>
          %dma_wait3A_305 = tpu.memref_slice %arg12[%mul3A_137] : memref<1040xf32, #tpu.memory_space<vmem>> -> memref<16xf32, #tpu.memory_space<vmem>>
          tpu.wait_dma2 semaphore(%run_scoped3A : memref<!tpu.dma_semaphore, #tpu.memory_space<semaphore_mem>>) src(%dma_wait3A_305 : memref<16xf32, #tpu.memory_space<vmem>>) dst(%dma_wait3A_304 : memref<16xf32, #tpu.memory_space<hbm>>)
          tpu.yield
        }) : () -> ()
        %mul3A_138 = arith.constant 16 : i32
        %mul3A_139 = arith.muli %while3A_124, %mul3A_138 : i32
        "tpu.region"() ({
          %run_scoped3A = tpu.sem_alloc : memref<!tpu.dma_semaphore, #tpu.memory_space<semaphore_mem>>
          %dma_start3A_298 = tpu.memref_slice %arg13[%mul3A_139] : memref<1040xi32, #tpu.memory_space<vmem>> -> memref<16xi32, #tpu.memory_space<vmem>>
          %dma_start3A_299 = tpu.memref_slice %arg8[%multiple_of3A_135] : memref<2048xi32, #tpu.memory_space<hbm>> -> memref<16xi32, #tpu.memory_space<hbm>>
          %dma_start3A_300 = tpu.memref_slice %arg8[%multiple_of3A_135] : memref<2048xi32, #tpu.memory_space<hbm>> -> memref<16xi32, #tpu.memory_space<hbm>>
          %dma_start3A_301 = tpu.memref_slice %arg13[%mul3A_139] : memref<1040xi32, #tpu.memory_space<vmem>> -> memref<16xi32, #tpu.memory_space<vmem>>
          tpu.enqueue_dma source(%dma_start3A_301 : memref<16xi32, #tpu.memory_space<vmem>>) target(%dma_start3A_300 : memref<16xi32, #tpu.memory_space<hbm>>) target_semaphore(%run_scoped3A : memref<!tpu.dma_semaphore, #tpu.memory_space<semaphore_mem>>)
          %dma_wait3A_302 = tpu.memref_slice %arg13[%mul3A_139] : memref<1040xi32, #tpu.memory_space<vmem>> -> memref<16xi32, #tpu.memory_space<vmem>>
          %dma_wait3A_303 = tpu.memref_slice %arg8[%multiple_of3A_135] : memref<2048xi32, #tpu.memory_space<hbm>> -> memref<16xi32, #tpu.memory_space<hbm>>
          %dma_wait3A_304 = tpu.memref_slice %arg8[%multiple_of3A_135] : memref<2048xi32, #tpu.memory_space<hbm>> -> memref<16xi32, #tpu.memory_space<hbm>>
          %dma_wait3A_305 = tpu.memref_slice %arg13[%mul3A_139] : memref<1040xi32, #tpu.memory_space<vmem>> -> memref<16xi32, #tpu.memory_space<vmem>>
          tpu.wait_dma2 semaphore(%run_scoped3A : memref<!tpu.dma_semaphore, #tpu.memory_space<semaphore_mem>>) src(%dma_wait3A_305 : memref<16xi32, #tpu.memory_space<vmem>>) dst(%dma_wait3A_304 : memref<16xi32, #tpu.memory_space<hbm>>)
          tpu.yield
        }) : () -> ()
        %mul3A_140 = arith.constant 16 : i32
        %mul3A_141 = arith.muli %while3A_124, %mul3A_140 : i32
        %get3A_142 = arith.index_cast %mul3A_141 : i32 to index
        %get3A_143 = tpu.vector_load %arg13[%get3A_142] {strides = array<i32>} : memref<1040xi32, #tpu.memory_space<vmem>>, vector<16xi32>,
        %jit3A_144 = arith.constant 80 : i32
        %div3A_145 = vector.broadcast %jit3A_144 : i32 to vector<16xi32>
        %div3A_146 = arith.divsi %get3A_143, %div3A_145 : vector<16xi32>
        %sign3A_147 = arith.constant 0 : i32
        %sign3A_148 = vector.broadcast %sign3A_147 : i32 to vector<16xi32>
        %sign3A_149 = arith.cmpi sgt, %get3A_143, %sign3A_148 : vector<16xi32>
        %sign3A_150 = arith.extui %sign3A_149 : vector<16xi1> to vector<16xi32>
        %sign3A_151 = arith.constant 0 : i32
        %sign3A_152 = vector.broadcast %sign3A_151 : i32 to vector<16xi32>
        %sign3A_153 = arith.cmpi slt, %get3A_143, %sign3A_152 : vector<16xi32>
        %sign3A_154 = arith.extui %sign3A_153 : vector<16xi1> to vector<16xi32>
        %sign3A_155 = arith.subi %sign3A_150, %sign3A_154 : vector<16xi32>
        %sign3A_156 = arith.constant 0 : i32
        %sign3A_157 = arith.cmpi sgt, %jit3A_144, %sign3A_156 : i32
        %sign3A_158 = arith.extui %sign3A_157 : i1 to i32
        %sign3A_159 = arith.constant 0 : i32
        %sign3A_160 = arith.cmpi slt, %jit3A_144, %sign3A_159 : i32
        %sign3A_161 = arith.extui %sign3A_160 : i1 to i32
        %sign3A_162 = arith.subi %sign3A_158, %sign3A_161 : i32
        %ne3A_163 = vector.broadcast %sign3A_162 : i32 to vector<16xi32>
        %ne3A_164 = arith.cmpi ne, %sign3A_155, %ne3A_163 : vector<16xi32>
        %rem3A_165 = vector.broadcast %jit3A_144 : i32 to vector<16xi32>
        %rem3A_166 = arith.remsi %get3A_143, %rem3A_165 : vector<16xi32>
        %ne3A_167 = arith.constant 0 : i32
        %ne3A_168 = vector.broadcast %ne3A_167 : i32 to vector<16xi32>
        %ne3A_169 = arith.cmpi ne, %rem3A_166, %ne3A_168 : vector<16xi32>
        %and3A_170 = arith.andi %ne3A_164, %ne3A_169 : vector<16xi1>
        %sub3A_171 = arith.constant 1 : i32
        %sub3A_172 = vector.broadcast %sub3A_171 : i32 to vector<16xi32>
        %sub3A_173 = arith.subi %div3A_146, %sub3A_172 : vector<16xi32>
        %select_n3A_174 = arith.select %and3A_170, %sub3A_173, %div3A_146 : vector<16xi1>, vector<16xi32>
        %mul3A_175 = arith.constant 80 : i32
        %mul3A_176 = vector.broadcast %mul3A_175 : i32 to vector<16xi32>
        %mul3A_177 = arith.muli %select_n3A_174, %mul3A_176 : vector<16xi32>
        %sub3A_178 = arith.subi %get3A_143, %mul3A_177 : vector<16xi32>
        %mul3A_179 = arith.constant 324 : i32
        %mul3A_180 = vector.broadcast %mul3A_179 : i32 to vector<16xi32>
        %mul3A_181 = arith.muli %select_n3A_174, %mul3A_180 : vector<16xi32>
        %add3A_182 = arith.constant 1 : i32
        %add3A_183 = vector.broadcast %add3A_182 : i32 to vector<16xi32>
        %add3A_184 = arith.addi %sub3A_178, %add3A_183 : vector<16xi32>
        %mul3A_185 = arith.constant 4 : i32
        %mul3A_186 = vector.broadcast %mul3A_185 : i32 to vector<16xi32>
        %mul3A_187 = arith.muli %add3A_184, %mul3A_186 : vector<16xi32>
        %add3A_188 = arith.addi %mul3A_181, %mul3A_187 : vector<16xi32>
        %mul3A_189 = arith.constant 4 : i32
        %mul3A_190 = vector.broadcast %mul3A_189 : i32 to vector<16xi32>
        %mul3A_191 = arith.muli %select_n3A_174, %mul3A_190 : vector<16xi32>
        %shift_right_logical3A = arith.constant 7 : i32
        %shift_right_logical3A_192 = vector.broadcast %shift_right_logical3A : i32 to vector<16xi32>
        %shift_right_logical3A_193 = arith.shrui %add3A_188, %shift_right_logical3A_192 : vector<16xi32>
        %dma_start3A = arith.constant 0 : i32
        %dma_start3A_194 = arith.constant 0 : i32
        %dma_start3A_195 = tpu.memref_slice %arg4[%dma_start3A, %dma_start3A_194] : memref<50625x128xf32, #tpu.memory_space<hbm>> -> memref<50625x128xf32, #tpu.memory_space<hbm>>
        tpu.enqueue_indirect_dma source(%dma_start3A_195 : memref<50625x128xf32, #tpu.memory_space<hbm>>) target(%arg18 : memref<16x128xf32, #tpu.memory_space<vmem>>) offsets(%shift_right_logical3A_193 : vector<16xi32>) semaphore(%arg21 : memref<!tpu.dma_semaphore, #tpu.memory_space<semaphore_mem>>)
        %dma_wait3A = arith.constant 0 : i32
        %dma_wait3A_196 = arith.constant 0 : i32
        %dma_wait3A_197 = tpu.memref_slice %arg4[%dma_wait3A, %dma_wait3A_196] : memref<50625x128xf32, #tpu.memory_space<hbm>> -> memref<50625x128xf32, #tpu.memory_space<hbm>>
        tpu.wait_indirect_dma semaphore(%arg21 : memref<!tpu.dma_semaphore, #tpu.memory_space<semaphore_mem>>) src(%dma_wait3A_197 : memref<50625x128xf32, #tpu.memory_space<hbm>>) dst(%arg18 : memref<16x128xf32, #tpu.memory_space<vmem>>)
        %shift_right_logical3A_198 = arith.constant 7 : i32
        %shift_right_logical3A_199 = vector.broadcast %shift_right_logical3A_198 : i32 to vector<16xi32>
        %shift_right_logical3A_200 = arith.shrui %mul3A_191, %shift_right_logical3A_199 : vector<16xi32>
        %dma_start3A_201 = arith.constant 0 : i32
        %dma_start3A_202 = arith.constant 0 : i32
        %dma_start3A_203 = tpu.memref_slice %arg5[%dma_start3A_201, %dma_start3A_202] : memref<625x128xf32, #tpu.memory_space<hbm>> -> memref<625x128xf32, #tpu.memory_space<hbm>>
        tpu.enqueue_indirect_dma source(%dma_start3A_203 : memref<625x128xf32, #tpu.memory_space<hbm>>) target(%arg19 : memref<16x128xf32, #tpu.memory_space<vmem>>) offsets(%shift_right_logical3A_200 : vector<16xi32>) semaphore(%arg21 : memref<!tpu.dma_semaphore, #tpu.memory_space<semaphore_mem>>)
        %dma_wait3A_204 = arith.constant 0 : i32
        %dma_wait3A_205 = arith.constant 0 : i32
        %dma_wait3A_206 = tpu.memref_slice %arg5[%dma_wait3A_204, %dma_wait3A_205] : memref<625x128xf32, #tpu.memory_space<hbm>> -> memref<625x128xf32, #tpu.memory_space<hbm>>
        tpu.wait_indirect_dma semaphore(%arg21 : memref<!tpu.dma_semaphore, #tpu.memory_space<semaphore_mem>>) src(%dma_wait3A_206 : memref<625x128xf32, #tpu.memory_space<hbm>>) dst(%arg19 : memref<16x128xf32, #tpu.memory_space<vmem>>)
        %and3A_207 = arith.constant 127 : i32
        %and3A_208 = vector.broadcast %and3A_207 : i32 to vector<16xi32>
        %and3A_209 = arith.andi %add3A_188, %and3A_208 : vector<16xi32>
        %and3A_210 = arith.constant 127 : i32
        %and3A_211 = vector.broadcast %and3A_210 : i32 to vector<16xi32>
        %and3A_212 = arith.andi %mul3A_191, %and3A_211 : vector<16xi32>
        %add3A_213 = arith.constant 0 : i32
        %add3A_214 = vector.broadcast %add3A_213 : i32 to vector<16xi32>
        %add3A_215 = arith.addi %and3A_209, %add3A_214 : vector<16xi32>
        %gather3A = tpu.vector_load_idx %arg18[%iota3A_90, %add3A_215] : memref<16x128xf32, #tpu.memory_space<vmem>>[vector<16xi32>, vector<16xi32>], vector<16xf32>,
        %add3A_216 = arith.constant 0 : i32
        %add3A_217 = vector.broadcast %add3A_216 : i32 to vector<16xi32>
        %add3A_218 = arith.addi %and3A_212, %add3A_217 : vector<16xi32>
        %gather3A_219 = tpu.vector_load_idx %arg19[%iota3A_90, %add3A_218] : memref<16x128xf32, #tpu.memory_space<vmem>>[vector<16xi32>, vector<16xi32>], vector<16xf32>,
        %mul3A_220 = arith.constant 4 : i32
        %mul3A_221 = vector.broadcast %mul3A_220 : i32 to vector<16xi32>
        %mul3A_222 = arith.muli %iota3A_90, %mul3A_221 : vector<16xi32>
        %add3A_223 = arith.constant 0 : i32
        %add3A_224 = vector.broadcast %add3A_223 : i32 to vector<16xi32>
        %add3A_225 = arith.addi %mul3A_222, %add3A_224 : vector<16xi32>
        tpu.vector_store_idx %arg16[%add3A_225], %gather3A : memref<64xf32, #tpu.memory_space<vmem>>[vector<16xi32>], vector<16xf32>,
        %mul3A_226 = arith.constant 4 : i32
        %mul3A_227 = vector.broadcast %mul3A_226 : i32 to vector<16xi32>
        %mul3A_228 = arith.muli %iota3A_90, %mul3A_227 : vector<16xi32>
        %add3A_229 = arith.constant 0 : i32
        %add3A_230 = vector.broadcast %add3A_229 : i32 to vector<16xi32>
        %add3A_231 = arith.addi %mul3A_228, %add3A_230 : vector<16xi32>
        tpu.vector_store_idx %arg17[%add3A_231], %gather3A_219 : memref<64xf32, #tpu.memory_space<vmem>>[vector<16xi32>], vector<16xf32>,
        %add3A_232 = arith.constant 1 : i32
        %add3A_233 = vector.broadcast %add3A_232 : i32 to vector<16xi32>
        %add3A_234 = arith.addi %and3A_209, %add3A_233 : vector<16xi32>
        %gather3A_235 = tpu.vector_load_idx %arg18[%iota3A_90, %add3A_234] : memref<16x128xf32, #tpu.memory_space<vmem>>[vector<16xi32>, vector<16xi32>], vector<16xf32>,
        %add3A_236 = arith.constant 1 : i32
        %add3A_237 = vector.broadcast %add3A_236 : i32 to vector<16xi32>
        %add3A_238 = arith.addi %and3A_212, %add3A_237 : vector<16xi32>
        %gather3A_239 = tpu.vector_load_idx %arg19[%iota3A_90, %add3A_238] : memref<16x128xf32, #tpu.memory_space<vmem>>[vector<16xi32>, vector<16xi32>], vector<16xf32>,
        %mul3A_240 = arith.constant 4 : i32
        %mul3A_241 = vector.broadcast %mul3A_240 : i32 to vector<16xi32>
        %mul3A_242 = arith.muli %iota3A_90, %mul3A_241 : vector<16xi32>
        %add3A_243 = arith.constant 1 : i32
        %add3A_244 = vector.broadcast %add3A_243 : i32 to vector<16xi32>
        %add3A_245 = arith.addi %mul3A_242, %add3A_244 : vector<16xi32>
        tpu.vector_store_idx %arg16[%add3A_245], %gather3A_235 : memref<64xf32, #tpu.memory_space<vmem>>[vector<16xi32>], vector<16xf32>,
        %mul3A_246 = arith.constant 4 : i32
        %mul3A_247 = vector.broadcast %mul3A_246 : i32 to vector<16xi32>
        %mul3A_248 = arith.muli %iota3A_90, %mul3A_247 : vector<16xi32>
        %add3A_249 = arith.constant 1 : i32
        %add3A_250 = vector.broadcast %add3A_249 : i32 to vector<16xi32>
        %add3A_251 = arith.addi %mul3A_248, %add3A_250 : vector<16xi32>
        tpu.vector_store_idx %arg17[%add3A_251], %gather3A_239 : memref<64xf32, #tpu.memory_space<vmem>>[vector<16xi32>], vector<16xf32>,
        %add3A_252 = arith.constant 2 : i32
        %add3A_253 = vector.broadcast %add3A_252 : i32 to vector<16xi32>
        %add3A_254 = arith.addi %and3A_209, %add3A_253 : vector<16xi32>
        %gather3A_255 = tpu.vector_load_idx %arg18[%iota3A_90, %add3A_254] : memref<16x128xf32, #tpu.memory_space<vmem>>[vector<16xi32>, vector<16xi32>], vector<16xf32>,
        %add3A_256 = arith.constant 2 : i32
        %add3A_257 = vector.broadcast %add3A_256 : i32 to vector<16xi32>
        %add3A_258 = arith.addi %and3A_212, %add3A_257 : vector<16xi32>
        %gather3A_259 = tpu.vector_load_idx %arg19[%iota3A_90, %add3A_258] : memref<16x128xf32, #tpu.memory_space<vmem>>[vector<16xi32>, vector<16xi32>], vector<16xf32>,
        %mul3A_260 = arith.constant 4 : i32
        %mul3A_261 = vector.broadcast %mul3A_260 : i32 to vector<16xi32>
        %mul3A_262 = arith.muli %iota3A_90, %mul3A_261 : vector<16xi32>
        %add3A_263 = arith.constant 2 : i32
        %add3A_264 = vector.broadcast %add3A_263 : i32 to vector<16xi32>
        %add3A_265 = arith.addi %mul3A_262, %add3A_264 : vector<16xi32>
        tpu.vector_store_idx %arg16[%add3A_265], %gather3A_255 : memref<64xf32, #tpu.memory_space<vmem>>[vector<16xi32>], vector<16xf32>,
        %mul3A_266 = arith.constant 4 : i32
        %mul3A_267 = vector.broadcast %mul3A_266 : i32 to vector<16xi32>
        %mul3A_268 = arith.muli %iota3A_90, %mul3A_267 : vector<16xi32>
        %add3A_269 = arith.constant 2 : i32
        %add3A_270 = vector.broadcast %add3A_269 : i32 to vector<16xi32>
        %add3A_271 = arith.addi %mul3A_268, %add3A_270 : vector<16xi32>
        tpu.vector_store_idx %arg17[%add3A_271], %gather3A_259 : memref<64xf32, #tpu.memory_space<vmem>>[vector<16xi32>], vector<16xf32>,
        %add3A_272 = arith.constant 3 : i32
        %add3A_273 = vector.broadcast %add3A_272 : i32 to vector<16xi32>
        %add3A_274 = arith.addi %and3A_209, %add3A_273 : vector<16xi32>
        %gather3A_275 = tpu.vector_load_idx %arg18[%iota3A_90, %add3A_274] : memref<16x128xf32, #tpu.memory_space<vmem>>[vector<16xi32>, vector<16xi32>], vector<16xf32>,
        %add3A_276 = arith.constant 3 : i32
        %add3A_277 = vector.broadcast %add3A_276 : i32 to vector<16xi32>
        %add3A_278 = arith.addi %and3A_212, %add3A_277 : vector<16xi32>
        %gather3A_279 = tpu.vector_load_idx %arg19[%iota3A_90, %add3A_278] : memref<16x128xf32, #tpu.memory_space<vmem>>[vector<16xi32>, vector<16xi32>], vector<16xf32>,
        %mul3A_280 = arith.constant 4 : i32
        %mul3A_281 = vector.broadcast %mul3A_280 : i32 to vector<16xi32>
        %mul3A_282 = arith.muli %iota3A_90, %mul3A_281 : vector<16xi32>
        %add3A_283 = arith.constant 3 : i32
        %add3A_284 = vector.broadcast %add3A_283 : i32 to vector<16xi32>
        %add3A_285 = arith.addi %mul3A_282, %add3A_284 : vector<16xi32>
        tpu.vector_store_idx %arg16[%add3A_285], %gather3A_275 : memref<64xf32, #tpu.memory_space<vmem>>[vector<16xi32>], vector<16xf32>,
        %mul3A_286 = arith.constant 4 : i32
        %mul3A_287 = vector.broadcast %mul3A_286 : i32 to vector<16xi32>
        %mul3A_288 = arith.muli %iota3A_90, %mul3A_287 : vector<16xi32>
        %add3A_289 = arith.constant 3 : i32
        %add3A_290 = vector.broadcast %add3A_289 : i32 to vector<16xi32>
        %add3A_291 = arith.addi %mul3A_288, %add3A_290 : vector<16xi32>
        tpu.vector_store_idx %arg17[%add3A_291], %gather3A_279 : memref<64xf32, #tpu.memory_space<vmem>>[vector<16xi32>], vector<16xf32>,
        %mul3A_292 = arith.constant 4 : i32
        %mul3A_293 = arith.muli %multiple_of3A_135, %mul3A_292 : i32
        %multiple_of3A_294 = tpu.assume_multiple %mul3A_293, 8 : i32
        "tpu.region"() ({
          %run_scoped3A = tpu.sem_alloc : memref<!tpu.dma_semaphore, #tpu.memory_space<semaphore_mem>>
          %dma_start3A_298 = tpu.memref_slice %arg9[%multiple_of3A_294] : memref<8192xf32, #tpu.memory_space<hbm>> -> memref<64xf32, #tpu.memory_space<hbm>>
          %dma_start3A_299 = tpu.memref_slice %arg9[%multiple_of3A_294] : memref<8192xf32, #tpu.memory_space<hbm>> -> memref<64xf32, #tpu.memory_space<hbm>>
          tpu.enqueue_dma source(%arg16 : memref<64xf32, #tpu.memory_space<vmem>>) target(%dma_start3A_299 : memref<64xf32, #tpu.memory_space<hbm>>) target_semaphore(%run_scoped3A : memref<!tpu.dma_semaphore, #tpu.memory_space<semaphore_mem>>)
          %dma_wait3A_300 = tpu.memref_slice %arg9[%multiple_of3A_294] : memref<8192xf32, #tpu.memory_space<hbm>> -> memref<64xf32, #tpu.memory_space<hbm>>
          %dma_wait3A_301 = tpu.memref_slice %arg9[%multiple_of3A_294] : memref<8192xf32, #tpu.memory_space<hbm>> -> memref<64xf32, #tpu.memory_space<hbm>>
          tpu.wait_dma2 semaphore(%run_scoped3A : memref<!tpu.dma_semaphore, #tpu.memory_space<semaphore_mem>>) src(%arg16 : memref<64xf32, #tpu.memory_space<vmem>>) dst(%dma_wait3A_301 : memref<64xf32, #tpu.memory_space<hbm>>)
          tpu.yield
        }) : () -> ()
        %mul3A_295 = arith.constant 4 : i32
        %mul3A_296 = arith.muli %multiple_of3A_135, %mul3A_295 : i32
        %multiple_of3A_297 = tpu.assume_multiple %mul3A_296, 8 : i32
        "tpu.region"() ({
          %run_scoped3A = tpu.sem_alloc : memref<!tpu.dma_semaphore, #tpu.memory_space<semaphore_mem>>
          %dma_start3A_298 = tpu.memref_slice %arg10[%multiple_of3A_297] : memref<8192xf32, #tpu.memory_space<hbm>> -> memref<64xf32, #tpu.memory_space<hbm>>
          %dma_start3A_299 = tpu.memref_slice %arg10[%multiple_of3A_297] : memref<8192xf32, #tpu.memory_space<hbm>> -> memref<64xf32, #tpu.memory_space<hbm>>
          tpu.enqueue_dma source(%arg17 : memref<64xf32, #tpu.memory_space<vmem>>) target(%dma_start3A_299 : memref<64xf32, #tpu.memory_space<hbm>>) target_semaphore(%run_scoped3A : memref<!tpu.dma_semaphore, #tpu.memory_space<semaphore_mem>>)
          %dma_wait3A_300 = tpu.memref_slice %arg10[%multiple_of3A_297] : memref<8192xf32, #tpu.memory_space<hbm>> -> memref<64xf32, #tpu.memory_space<hbm>>
          %dma_wait3A_301 = tpu.memref_slice %arg10[%multiple_of3A_297] : memref<8192xf32, #tpu.memory_space<hbm>> -> memref<64xf32, #tpu.memory_space<hbm>>
          tpu.wait_dma2 semaphore(%run_scoped3A : memref<!tpu.dma_semaphore, #tpu.memory_space<semaphore_mem>>) src(%arg17 : memref<64xf32, #tpu.memory_space<vmem>>) dst(%dma_wait3A_301 : memref<64xf32, #tpu.memory_space<hbm>>)
          tpu.yield
        }) : () -> ()
      } else {
      }
    }
    return
  }
}

module attributes {stable_mosaic.version = 14 : i64} {
  func.func @_scores_kernel(%arg0: i32, %arg1: memref<1000x81xf32, #tpu.memory_space<vmem>>, %arg2: memref<1000x324xf32, #tpu.memory_space<vmem>>, %arg3: memref<1000x4xf32, #tpu.memory_space<vmem>>, %arg4: memref<1000x80xf32, #tpu.memory_space<vmem>>) attributes {dimension_semantics = [#tpu.dimension_semantics<arbitrary>], iteration_bounds = array<i64: 20>, scalar_prefetch = 0 : i64, scratch_operands = 0 : i64, tpu.core_type = #tpu.core_type<tc>, window_params = [{transform_indices = @transform_0, window_bounds = array<i64: 1000, 81>}, {transform_indices = @transform_1, window_bounds = array<i64: 1000, 324>}, {transform_indices = @transform_2, window_bounds = array<i64: 1000, 4>}, {transform_indices = @transform_3, window_bounds = array<i64: 1000, 80>}]} {
    %get3A = arith.constant 0 : index
    %get3A_0 = arith.constant 0 : index
    %get3A_1 = vector.load %arg1[%get3A, %get3A_0] : memref<1000x81xf32, #tpu.memory_space<vmem>>, vector<1000x81xf32>
    %reduce_max3A = arith.constant dense<0xFF800000> : vector<1000xf32>
    %reduce_max3A_2 = vector.multi_reduction <maximumf>, %get3A_1, %reduce_max3A [1] : vector<1000x81xf32> to vector<1000xf32>
    %broadcast_in_dim3A = vector.shape_cast %reduce_max3A_2 : vector<1000xf32> to vector<1000x1xf32>
    %sub3A = vector.broadcast %broadcast_in_dim3A : vector<1000x1xf32> to vector<1000x81xf32>
    %sub3A_3 = arith.subf %get3A_1, %sub3A : vector<1000x81xf32>
    %exp3A = math.exp %sub3A_3 : vector<1000x81xf32>
    %reduce_sum3A = arith.constant dense<0.000000e+00> : vector<1000xf32>
    %reduce_sum3A_4 = vector.multi_reduction <add>, %exp3A, %reduce_sum3A [1] : vector<1000x81xf32> to vector<1000xf32>
    %broadcast_in_dim3A_5 = vector.shape_cast %reduce_sum3A_4 : vector<1000xf32> to vector<1000x1xf32>
    %div3A = vector.broadcast %broadcast_in_dim3A_5 : vector<1000x1xf32> to vector<1000x81xf32>
    %div3A_6 = arith.divf %exp3A, %div3A : vector<1000x81xf32>
    %slice3A = vector.extract_strided_slice %div3A_6 {offsets = [0, 1], sizes = [1000, 80], strides = [1, 1]} : vector<1000x81xf32> to vector<1000x80xf32>
    %get3A_7 = arith.constant 0 : index
    %get3A_8 = arith.constant 0 : index
    %get3A_9 = vector.load %arg2[%get3A_7, %get3A_8] : memref<1000x324xf32, #tpu.memory_space<vmem>>, vector<1000x324xf32>
    %iota3A = tpu.iota {dimensions = array<i32: 0>} : vector<324x80xi32>
    %iota3A_10 = tpu.iota {dimensions = array<i32: 1>} : vector<324x80xi32>
    %bitcast_convert_type3A = tpu.bitcast %get3A_9 : vector<1000x324xf32> -> vector<1000x324xi32>
    %and3A = arith.constant -65536 : i32
    %and3A_11 = vector.broadcast %and3A : i32 to vector<1000x324xi32>
    %and3A_12 = arith.andi %bitcast_convert_type3A, %and3A_11 : vector<1000x324xi32>
    %bitcast_convert_type3A_13 = tpu.bitcast %and3A_12 : vector<1000x324xi32> -> vector<1000x324xf32>
    %sub3A_14 = arith.subf %get3A_9, %bitcast_convert_type3A_13 : vector<1000x324xf32>
    %bitcast_convert_type3A_15 = tpu.bitcast %sub3A_14 : vector<1000x324xf32> -> vector<1000x324xi32>
    %and3A_16 = arith.constant -65536 : i32
    %and3A_17 = vector.broadcast %and3A_16 : i32 to vector<1000x324xi32>
    %and3A_18 = arith.andi %bitcast_convert_type3A_15, %and3A_17 : vector<1000x324xi32>
    %bitcast_convert_type3A_19 = tpu.bitcast %and3A_18 : vector<1000x324xi32> -> vector<1000x324xf32>
    %sub3A_20 = arith.subf %sub3A_14, %bitcast_convert_type3A_19 : vector<1000x324xf32>
    %convert_element_type3A = arith.truncf %bitcast_convert_type3A_13 : vector<1000x324xf32> to vector<1000x324xbf16>
    %convert_element_type3A_21 = arith.truncf %bitcast_convert_type3A_19 : vector<1000x324xf32> to vector<1000x324xbf16>
    %convert_element_type3A_22 = arith.truncf %sub3A_20 : vector<1000x324xf32> to vector<1000x324xbf16>
    %add3A = arith.constant 1 : i32
    %add3A_23 = vector.broadcast %add3A : i32 to vector<324x80xi32>
    %add3A_24 = arith.addi %iota3A_10, %add3A_23 : vector<324x80xi32>
    %mul3A = arith.constant 4 : i32
    %mul3A_25 = vector.broadcast %mul3A : i32 to vector<324x80xi32>
    %mul3A_26 = arith.muli %add3A_24, %mul3A_25 : vector<324x80xi32>
    %add3A_27 = arith.constant 0 : i32
    %add3A_28 = vector.broadcast %add3A_27 : i32 to vector<324x80xi32>
    %add3A_29 = arith.addi %mul3A_26, %add3A_28 : vector<324x80xi32>
    %eq3A = arith.cmpi eq, %iota3A, %add3A_29 : vector<324x80xi32>
    %convert_element_type3A_30 = arith.extui %eq3A : vector<324x80xi1> to vector<324x80xi32>
    %convert_element_type3A_31 = arith.sitofp %convert_element_type3A_30 : vector<324x80xi32> to vector<324x80xf32>
    %convert_element_type3A_32 = arith.truncf %convert_element_type3A_31 : vector<324x80xf32> to vector<324x80xbf16>
    %broadcast_in_dim3A_33 = arith.constant 0.000000e+00 : f32
    %broadcast_in_dim3A_34 = vector.broadcast %broadcast_in_dim3A_33 : f32 to vector<1000x80xf32>
    %dot_general3A = arith.constant dense<0.000000e+00> : vector<1000x80xf32>
    %dot_general3A_35 = tpu.matmul %convert_element_type3A, %convert_element_type3A_32, %dot_general3A {dimension_numbers = #tpu.dot_dimension_numbers<[1], [0], [0], [1], [0, 0, 1, 1], [], []>, transpose_lhs_hint = false} : vector<1000x324xbf16>, vector<324x80xbf16>, vector<1000x80xf32> -> vector<1000x80xf32>
    %add3A_36 = arith.addf %broadcast_in_dim3A_34, %dot_general3A_35 : vector<1000x80xf32>
    %dot_general3A_37 = arith.constant dense<0.000000e+00> : vector<1000x80xf32>
    %dot_general3A_38 = tpu.matmul %convert_element_type3A_21, %convert_element_type3A_32, %dot_general3A_37 {dimension_numbers = #tpu.dot_dimension_numbers<[1], [0], [0], [1], [0, 0, 1, 1], [], []>, transpose_lhs_hint = false} : vector<1000x324xbf16>, vector<324x80xbf16>, vector<1000x80xf32> -> vector<1000x80xf32>
    %add3A_39 = arith.addf %add3A_36, %dot_general3A_38 : vector<1000x80xf32>
    %dot_general3A_40 = arith.constant dense<0.000000e+00> : vector<1000x80xf32>
    %dot_general3A_41 = tpu.matmul %convert_element_type3A_22, %convert_element_type3A_32, %dot_general3A_40 {dimension_numbers = #tpu.dot_dimension_numbers<[1], [0], [0], [1], [0, 0, 1, 1], [], []>, transpose_lhs_hint = false} : vector<1000x324xbf16>, vector<324x80xbf16>, vector<1000x80xf32> -> vector<1000x80xf32>
    %add3A_42 = arith.addf %add3A_39, %dot_general3A_41 : vector<1000x80xf32>
    %add3A_43 = arith.constant 1 : i32
    %add3A_44 = vector.broadcast %add3A_43 : i32 to vector<324x80xi32>
    %add3A_45 = arith.addi %iota3A_10, %add3A_44 : vector<324x80xi32>
    %mul3A_46 = arith.constant 4 : i32
    %mul3A_47 = vector.broadcast %mul3A_46 : i32 to vector<324x80xi32>
    %mul3A_48 = arith.muli %add3A_45, %mul3A_47 : vector<324x80xi32>
    %add3A_49 = arith.constant 1 : i32
    %add3A_50 = vector.broadcast %add3A_49 : i32 to vector<324x80xi32>
    %add3A_51 = arith.addi %mul3A_48, %add3A_50 : vector<324x80xi32>
    %eq3A_52 = arith.cmpi eq, %iota3A, %add3A_51 : vector<324x80xi32>
    %convert_element_type3A_53 = arith.extui %eq3A_52 : vector<324x80xi1> to vector<324x80xi32>
    %convert_element_type3A_54 = arith.sitofp %convert_element_type3A_53 : vector<324x80xi32> to vector<324x80xf32>
    %convert_element_type3A_55 = arith.truncf %convert_element_type3A_54 : vector<324x80xf32> to vector<324x80xbf16>
    %broadcast_in_dim3A_56 = arith.constant 0.000000e+00 : f32
    %broadcast_in_dim3A_57 = vector.broadcast %broadcast_in_dim3A_56 : f32 to vector<1000x80xf32>
    %dot_general3A_58 = arith.constant dense<0.000000e+00> : vector<1000x80xf32>
    %dot_general3A_59 = tpu.matmul %convert_element_type3A, %convert_element_type3A_55, %dot_general3A_58 {dimension_numbers = #tpu.dot_dimension_numbers<[1], [0], [0], [1], [0, 0, 1, 1], [], []>, transpose_lhs_hint = false} : vector<1000x324xbf16>, vector<324x80xbf16>, vector<1000x80xf32> -> vector<1000x80xf32>
    %add3A_60 = arith.addf %broadcast_in_dim3A_57, %dot_general3A_59 : vector<1000x80xf32>
    %dot_general3A_61 = arith.constant dense<0.000000e+00> : vector<1000x80xf32>
    %dot_general3A_62 = tpu.matmul %convert_element_type3A_21, %convert_element_type3A_55, %dot_general3A_61 {dimension_numbers = #tpu.dot_dimension_numbers<[1], [0], [0], [1], [0, 0, 1, 1], [], []>, transpose_lhs_hint = false} : vector<1000x324xbf16>, vector<324x80xbf16>, vector<1000x80xf32> -> vector<1000x80xf32>
    %add3A_63 = arith.addf %add3A_60, %dot_general3A_62 : vector<1000x80xf32>
    %dot_general3A_64 = arith.constant dense<0.000000e+00> : vector<1000x80xf32>
    %dot_general3A_65 = tpu.matmul %convert_element_type3A_22, %convert_element_type3A_55, %dot_general3A_64 {dimension_numbers = #tpu.dot_dimension_numbers<[1], [0], [0], [1], [0, 0, 1, 1], [], []>, transpose_lhs_hint = false} : vector<1000x324xbf16>, vector<324x80xbf16>, vector<1000x80xf32> -> vector<1000x80xf32>
    %add3A_66 = arith.addf %add3A_63, %dot_general3A_65 : vector<1000x80xf32>
    %add3A_67 = arith.constant 1 : i32
    %add3A_68 = vector.broadcast %add3A_67 : i32 to vector<324x80xi32>
    %add3A_69 = arith.addi %iota3A_10, %add3A_68 : vector<324x80xi32>
    %mul3A_70 = arith.constant 4 : i32
    %mul3A_71 = vector.broadcast %mul3A_70 : i32 to vector<324x80xi32>
    %mul3A_72 = arith.muli %add3A_69, %mul3A_71 : vector<324x80xi32>
    %add3A_73 = arith.constant 2 : i32
    %add3A_74 = vector.broadcast %add3A_73 : i32 to vector<324x80xi32>
    %add3A_75 = arith.addi %mul3A_72, %add3A_74 : vector<324x80xi32>
    %eq3A_76 = arith.cmpi eq, %iota3A, %add3A_75 : vector<324x80xi32>
    %convert_element_type3A_77 = arith.extui %eq3A_76 : vector<324x80xi1> to vector<324x80xi32>
    %convert_element_type3A_78 = arith.sitofp %convert_element_type3A_77 : vector<324x80xi32> to vector<324x80xf32>
    %convert_element_type3A_79 = arith.truncf %convert_element_type3A_78 : vector<324x80xf32> to vector<324x80xbf16>
    %broadcast_in_dim3A_80 = arith.constant 0.000000e+00 : f32
    %broadcast_in_dim3A_81 = vector.broadcast %broadcast_in_dim3A_80 : f32 to vector<1000x80xf32>
    %dot_general3A_82 = arith.constant dense<0.000000e+00> : vector<1000x80xf32>
    %dot_general3A_83 = tpu.matmul %convert_element_type3A, %convert_element_type3A_79, %dot_general3A_82 {dimension_numbers = #tpu.dot_dimension_numbers<[1], [0], [0], [1], [0, 0, 1, 1], [], []>, transpose_lhs_hint = false} : vector<1000x324xbf16>, vector<324x80xbf16>, vector<1000x80xf32> -> vector<1000x80xf32>
    %add3A_84 = arith.addf %broadcast_in_dim3A_81, %dot_general3A_83 : vector<1000x80xf32>
    %dot_general3A_85 = arith.constant dense<0.000000e+00> : vector<1000x80xf32>
    %dot_general3A_86 = tpu.matmul %convert_element_type3A_21, %convert_element_type3A_79, %dot_general3A_85 {dimension_numbers = #tpu.dot_dimension_numbers<[1], [0], [0], [1], [0, 0, 1, 1], [], []>, transpose_lhs_hint = false} : vector<1000x324xbf16>, vector<324x80xbf16>, vector<1000x80xf32> -> vector<1000x80xf32>
    %add3A_87 = arith.addf %add3A_84, %dot_general3A_86 : vector<1000x80xf32>
    %dot_general3A_88 = arith.constant dense<0.000000e+00> : vector<1000x80xf32>
    %dot_general3A_89 = tpu.matmul %convert_element_type3A_22, %convert_element_type3A_79, %dot_general3A_88 {dimension_numbers = #tpu.dot_dimension_numbers<[1], [0], [0], [1], [0, 0, 1, 1], [], []>, transpose_lhs_hint = false} : vector<1000x324xbf16>, vector<324x80xbf16>, vector<1000x80xf32> -> vector<1000x80xf32>
    %add3A_90 = arith.addf %add3A_87, %dot_general3A_89 : vector<1000x80xf32>
    %min3A = arith.constant 4.13516665 : f32
    %min3A_91 = vector.broadcast %min3A : f32 to vector<1000x80xf32>
    %min3A_92 = arith.minimumf %add3A_90, %min3A_91 : vector<1000x80xf32>
    %add3A_93 = arith.constant 1 : i32
    %add3A_94 = vector.broadcast %add3A_93 : i32 to vector<324x80xi32>
    %add3A_95 = arith.addi %iota3A_10, %add3A_94 : vector<324x80xi32>
    %mul3A_96 = arith.constant 4 : i32
    %mul3A_97 = vector.broadcast %mul3A_96 : i32 to vector<324x80xi32>
    %mul3A_98 = arith.muli %add3A_95, %mul3A_97 : vector<324x80xi32>
    %add3A_99 = arith.constant 3 : i32
    %add3A_100 = vector.broadcast %add3A_99 : i32 to vector<324x80xi32>
    %add3A_101 = arith.addi %mul3A_98, %add3A_100 : vector<324x80xi32>
    %eq3A_102 = arith.cmpi eq, %iota3A, %add3A_101 : vector<324x80xi32>
    %convert_element_type3A_103 = arith.extui %eq3A_102 : vector<324x80xi1> to vector<324x80xi32>
    %convert_element_type3A_104 = arith.sitofp %convert_element_type3A_103 : vector<324x80xi32> to vector<324x80xf32>
    %convert_element_type3A_105 = arith.truncf %convert_element_type3A_104 : vector<324x80xf32> to vector<324x80xbf16>
    %broadcast_in_dim3A_106 = arith.constant 0.000000e+00 : f32
    %broadcast_in_dim3A_107 = vector.broadcast %broadcast_in_dim3A_106 : f32 to vector<1000x80xf32>
    %dot_general3A_108 = arith.constant dense<0.000000e+00> : vector<1000x80xf32>
    %dot_general3A_109 = tpu.matmul %convert_element_type3A, %convert_element_type3A_105, %dot_general3A_108 {dimension_numbers = #tpu.dot_dimension_numbers<[1], [0], [0], [1], [0, 0, 1, 1], [], []>, transpose_lhs_hint = false} : vector<1000x324xbf16>, vector<324x80xbf16>, vector<1000x80xf32> -> vector<1000x80xf32>
    %add3A_110 = arith.addf %broadcast_in_dim3A_107, %dot_general3A_109 : vector<1000x80xf32>
    %dot_general3A_111 = arith.constant dense<0.000000e+00> : vector<1000x80xf32>
    %dot_general3A_112 = tpu.matmul %convert_element_type3A_21, %convert_element_type3A_105, %dot_general3A_111 {dimension_numbers = #tpu.dot_dimension_numbers<[1], [0], [0], [1], [0, 0, 1, 1], [], []>, transpose_lhs_hint = false} : vector<1000x324xbf16>, vector<324x80xbf16>, vector<1000x80xf32> -> vector<1000x80xf32>
    %add3A_113 = arith.addf %add3A_110, %dot_general3A_112 : vector<1000x80xf32>
    %dot_general3A_114 = arith.constant dense<0.000000e+00> : vector<1000x80xf32>
    %dot_general3A_115 = tpu.matmul %convert_element_type3A_22, %convert_element_type3A_105, %dot_general3A_114 {dimension_numbers = #tpu.dot_dimension_numbers<[1], [0], [0], [1], [0, 0, 1, 1], [], []>, transpose_lhs_hint = false} : vector<1000x324xbf16>, vector<324x80xbf16>, vector<1000x80xf32> -> vector<1000x80xf32>
    %add3A_116 = arith.addf %add3A_113, %dot_general3A_115 : vector<1000x80xf32>
    %min3A_117 = arith.constant 4.13516665 : f32
    %min3A_118 = vector.broadcast %min3A_117 : f32 to vector<1000x80xf32>
    %min3A_119 = arith.minimumf %add3A_116, %min3A_118 : vector<1000x80xf32>
    %get3A_120 = arith.constant 0 : index
    %get3A_121 = arith.constant 0 : index
    %get3A_122 = vector.load %arg3[%get3A_120, %get3A_121] : memref<1000x4xf32, #tpu.memory_space<vmem>>, vector<1000x4xf32>
    %slice3A_123 = vector.extract_strided_slice %get3A_122 {offsets = [0, 2], sizes = [1000, 1], strides = [1, 1]} : vector<1000x4xf32> to vector<1000x1xf32>
    %slice3A_124 = vector.extract_strided_slice %get3A_122 {offsets = [0, 0], sizes = [1000, 1], strides = [1, 1]} : vector<1000x4xf32> to vector<1000x1xf32>
    %sub3A_125 = arith.subf %slice3A_123, %slice3A_124 : vector<1000x1xf32>
    %slice3A_126 = vector.extract_strided_slice %get3A_122 {offsets = [0, 3], sizes = [1000, 1], strides = [1, 1]} : vector<1000x4xf32> to vector<1000x1xf32>
    %slice3A_127 = vector.extract_strided_slice %get3A_122 {offsets = [0, 1], sizes = [1000, 1], strides = [1, 1]} : vector<1000x4xf32> to vector<1000x1xf32>
    %sub3A_128 = arith.subf %slice3A_126, %slice3A_127 : vector<1000x1xf32>
    %slice3A_129 = vector.extract_strided_slice %get3A_122 {offsets = [0, 0], sizes = [1000, 1], strides = [1, 1]} : vector<1000x4xf32> to vector<1000x1xf32>
    %mul3A_130 = arith.constant 5.000000e-01 : f32
    %mul3A_131 = vector.broadcast %mul3A_130 : f32 to vector<1000x1xf32>
    %mul3A_132 = arith.mulf %mul3A_131, %sub3A_125 : vector<1000x1xf32>
    %add3A_133 = arith.addf %slice3A_129, %mul3A_132 : vector<1000x1xf32>
    %slice3A_134 = vector.extract_strided_slice %get3A_122 {offsets = [0, 1], sizes = [1000, 1], strides = [1, 1]} : vector<1000x4xf32> to vector<1000x1xf32>
    %mul3A_135 = arith.constant 5.000000e-01 : f32
    %mul3A_136 = vector.broadcast %mul3A_135 : f32 to vector<1000x1xf32>
    %mul3A_137 = arith.mulf %mul3A_136, %sub3A_128 : vector<1000x1xf32>
    %add3A_138 = arith.addf %slice3A_134, %mul3A_137 : vector<1000x1xf32>
    %mul3A_139 = vector.broadcast %sub3A_125 : vector<1000x1xf32> to vector<1000x80xf32>
    %mul3A_140 = arith.mulf %add3A_42, %mul3A_139 : vector<1000x80xf32>
    %add3A_141 = vector.broadcast %add3A_133 : vector<1000x1xf32> to vector<1000x80xf32>
    %add3A_142 = arith.addf %mul3A_140, %add3A_141 : vector<1000x80xf32>
    %mul3A_143 = vector.broadcast %sub3A_128 : vector<1000x1xf32> to vector<1000x80xf32>
    %mul3A_144 = arith.mulf %add3A_66, %mul3A_143 : vector<1000x80xf32>
    %add3A_145 = vector.broadcast %add3A_138 : vector<1000x1xf32> to vector<1000x80xf32>
    %add3A_146 = arith.addf %mul3A_144, %add3A_145 : vector<1000x80xf32>
    %exp3A_147 = math.exp %min3A_92 : vector<1000x80xf32>
    %mul3A_148 = vector.broadcast %sub3A_125 : vector<1000x1xf32> to vector<1000x80xf32>
    %mul3A_149 = arith.mulf %exp3A_147, %mul3A_148 : vector<1000x80xf32>
    %exp3A_150 = math.exp %min3A_119 : vector<1000x80xf32>
    %mul3A_151 = vector.broadcast %sub3A_128 : vector<1000x1xf32> to vector<1000x80xf32>
    %mul3A_152 = arith.mulf %exp3A_150, %mul3A_151 : vector<1000x80xf32>
    %mul3A_153 = arith.constant 5.000000e-01 : f32
    %mul3A_154 = vector.broadcast %mul3A_153 : f32 to vector<1000x80xf32>
    %mul3A_155 = arith.mulf %mul3A_154, %mul3A_149 : vector<1000x80xf32>
    %sub3A_156 = arith.subf %add3A_142, %mul3A_155 : vector<1000x80xf32>
    %mul3A_157 = arith.constant 5.000000e-01 : f32
    %mul3A_158 = vector.broadcast %mul3A_157 : f32 to vector<1000x80xf32>
    %mul3A_159 = arith.mulf %mul3A_158, %mul3A_152 : vector<1000x80xf32>
    %sub3A_160 = arith.subf %add3A_146, %mul3A_159 : vector<1000x80xf32>
    %mul3A_161 = arith.constant 5.000000e-01 : f32
    %mul3A_162 = vector.broadcast %mul3A_161 : f32 to vector<1000x80xf32>
    %mul3A_163 = arith.mulf %mul3A_162, %mul3A_149 : vector<1000x80xf32>
    %add3A_164 = arith.addf %add3A_142, %mul3A_163 : vector<1000x80xf32>
    %mul3A_165 = arith.constant 5.000000e-01 : f32
    %mul3A_166 = vector.broadcast %mul3A_165 : f32 to vector<1000x80xf32>
    %mul3A_167 = arith.mulf %mul3A_166, %mul3A_152 : vector<1000x80xf32>
    %add3A_168 = arith.addf %add3A_146, %mul3A_167 : vector<1000x80xf32>
    %sub3A_169 = arith.subf %add3A_168, %sub3A_160 : vector<1000x80xf32>
    %sub3A_170 = arith.subf %add3A_164, %sub3A_156 : vector<1000x80xf32>
    %mul3A_171 = arith.mulf %sub3A_169, %sub3A_170 : vector<1000x80xf32>
    %gt3A = arith.constant 0.00999999977 : f32
    %gt3A_172 = vector.broadcast %gt3A : f32 to vector<1000x80xf32>
    %gt3A_173 = arith.cmpf ogt, %slice3A, %gt3A_172 : vector<1000x80xf32>
    %gt3A_174 = arith.constant 1.000000e-01 : f32
    %gt3A_175 = vector.broadcast %gt3A_174 : f32 to vector<1000x80xf32>
    %gt3A_176 = arith.cmpf ogt, %mul3A_171, %gt3A_175 : vector<1000x80xf32>
    %and3A_177 = arith.andi %gt3A_173, %gt3A_176 : vector<1000x80xi1>
    %jit3A = arith.constant -1.000000e+00 : f32
    %broadcast_in_dim3A_178 = vector.broadcast %jit3A : f32 to vector<1000x80xf32>
    %select_n3A = arith.select %and3A_177, %slice3A, %broadcast_in_dim3A_178 : vector<1000x80xi1>, vector<1000x80xf32>
    %swap3A = arith.constant 0 : index
    %swap3A_179 = arith.constant 0 : index
    %swap3A_180 = vector.load %arg4[%swap3A, %swap3A_179] : memref<1000x80xf32, #tpu.memory_space<vmem>>, vector<1000x80xf32>
    tpu.vector_store %arg4[%swap3A, %swap3A_179], %select_n3A {strides = array<i32>} : memref<1000x80xf32, #tpu.memory_space<vmem>>, vector<1000x80xf32>,
    return
  }
  func.func @transform_0(%arg0: i32) -> (i32, i32) {
    %c0_i32 = arith.constant 0 : i32
    %c0_i32_0 = arith.constant 0 : i32
    return %arg0, %c0_i32 : i32, i32
  }
  func.func @transform_1(%arg0: i32) -> (i32, i32) {
    %c0_i32 = arith.constant 0 : i32
    %c0_i32_0 = arith.constant 0 : i32
    return %arg0, %c0_i32 : i32, i32
  }
  func.func @transform_2(%arg0: i32) -> (i32, i32) {
    %c0_i32 = arith.constant 0 : i32
    %c0_i32_0 = arith.constant 0 : i32
    return %arg0, %c0_i32 : i32, i32
  }
  func.func @transform_3(%arg0: i32) -> (i32, i32) {
    %c0_i32 = arith.constant 0 : i32
    %c0_i32_0 = arith.constant 0 : i32
    return %arg0, %c0_i32 : i32, i32
  }
}

module attributes {stable_mosaic.version = 14 : i64} {
  func.func @_nms_kernel(%arg0: memref<16x128xf32, #tpu.memory_space<vmem>>, %arg1: memref<16x128xi32, #tpu.memory_space<vmem>>, %arg2: memref<16x128xf32, #tpu.memory_space<vmem>>, %arg3: memref<16x128xf32, #tpu.memory_space<vmem>>, %arg4: memref<16x128xf32, #tpu.memory_space<vmem>>, %arg5: memref<16x128xf32, #tpu.memory_space<vmem>>, %arg6: memref<16x128xf32, #tpu.memory_space<vmem>>, %arg7: memref<16x128xf32, #tpu.memory_space<vmem>>, %arg8: memref<16x128xf32, #tpu.memory_space<vmem>>, %arg9: memref<16x128xf32, #tpu.memory_space<vmem>>, %arg10: memref<100x5xf32, #tpu.memory_space<vmem>>) attributes {dimension_semantics = [], scalar_prefetch = 0 : i64, scratch_operands = 0 : i64, tpu.core_type = #tpu.core_type<tc>} {
    %get3A = arith.constant 0 : index
    %get3A_0 = arith.constant 0 : index
    %get3A_1 = vector.load %arg0[%get3A, %get3A_0] : memref<16x128xf32, #tpu.memory_space<vmem>>, vector<16x128xf32>
    %get3A_2 = arith.constant 0 : index
    %get3A_3 = arith.constant 0 : index
    %get3A_4 = vector.load %arg1[%get3A_2, %get3A_3] : memref<16x128xi32, #tpu.memory_space<vmem>>, vector<16x128xi32>
    %scan3A = arith.constant -2.000000e+00 : f32
    %scan3A_5 = arith.constant 2.000000e+00 : f32
    %scan3A_6 = arith.constant 0 : i32
    %scan3A_7 = arith.constant 64 : i32
    %scan3A_8 = arith.addi %scan3A_6, %scan3A_7 : i32
    %scan3A_9 = arith.constant 1 : i32
    %scan3A_10:2 = scf.for %scan3A_188 = %scan3A_6 to %scan3A_8 step %scan3A_9 iter_args(%scan3A_189 = %scan3A, %scan3A_190 = %scan3A_5) -> (f32, f32)  : i32 {
      %add3A_191 = arith.addf %scan3A_189, %scan3A_190 : f32
      %mul3A_192 = arith.constant 5.000000e-01 : f32
      %mul3A_193 = arith.mulf %mul3A_192, %add3A_191 : f32
      %ge3A = vector.broadcast %mul3A_193 : f32 to vector<16x128xf32>
      %ge3A_194 = arith.cmpf oge, %get3A_1, %ge3A : vector<16x128xf32>
      %jit3A_195 = arith.constant 1 : i32
      %jit3A_196 = arith.constant 0 : i32
      %broadcast_in_dim3A_197 = vector.broadcast %jit3A_195 : i32 to vector<16x128xi32>
      %broadcast_in_dim3A_198 = vector.broadcast %jit3A_196 : i32 to vector<16x128xi32>
      %select_n3A_199 = arith.select %ge3A_194, %broadcast_in_dim3A_197, %broadcast_in_dim3A_198 : vector<16x128xi1>, vector<16x128xi32>
      %reduce_sum3A_200 = vector.shape_cast %select_n3A_199 : vector<16x128xi32> to vector<1x16x128xi32>
      %reduce_sum3A_201 = arith.constant dense<0> : vector<1xi32>
      %reduce_sum3A_202 = vector.multi_reduction <add>, %reduce_sum3A_200, %reduce_sum3A_201 [1, 2] : vector<1x16x128xi32> to vector<1xi32>
      %reduce_sum3A_203 = vector.shape_cast %reduce_sum3A_202 : vector<1xi32> to vector<1x1x1xi32>
      %reduce_sum3A_204 = vector.extract %reduce_sum3A_203[0, 0, 0] : i32 from vector<1x1x1xi32>
      %ge3A_205 = arith.constant 1000 : i32
      %ge3A_206 = arith.cmpi sge, %reduce_sum3A_204, %ge3A_205 : i32
      %select_n3A_207 = arith.select %ge3A_206, %mul3A_193, %scan3A_189 : f32
      %select_n3A_208 = arith.select %ge3A_206, %scan3A_190, %mul3A_193 : f32
      scf.yield %select_n3A_207, %select_n3A_208 : f32, f32
    }
    %gt3A = vector.broadcast %scan3A_10#0 : f32 to vector<16x128xf32>
    %gt3A_11 = arith.cmpf ogt, %get3A_1, %gt3A : vector<16x128xf32>
    %eq3A = vector.broadcast %scan3A_10#0 : f32 to vector<16x128xf32>
    %eq3A_12 = arith.cmpf oeq, %get3A_1, %eq3A : vector<16x128xf32>
    %jit3A = arith.constant 1 : i32
    %jit3A_13 = arith.constant 0 : i32
    %broadcast_in_dim3A = vector.broadcast %jit3A : i32 to vector<16x128xi32>
    %broadcast_in_dim3A_14 = vector.broadcast %jit3A_13 : i32 to vector<16x128xi32>
    %select_n3A = arith.select %gt3A_11, %broadcast_in_dim3A, %broadcast_in_dim3A_14 : vector<16x128xi1>, vector<16x128xi32>
    %reduce_sum3A = vector.shape_cast %select_n3A : vector<16x128xi32> to vector<1x16x128xi32>
    %reduce_sum3A_15 = arith.constant dense<0> : vector<1xi32>
    %reduce_sum3A_16 = vector.multi_reduction <add>, %reduce_sum3A, %reduce_sum3A_15 [1, 2] : vector<1x16x128xi32> to vector<1xi32>
    %reduce_sum3A_17 = vector.shape_cast %reduce_sum3A_16 : vector<1xi32> to vector<1x1x1xi32>
    %reduce_sum3A_18 = vector.extract %reduce_sum3A_17[0, 0, 0] : i32 from vector<1x1x1xi32>
    %sub3A = arith.constant 1000 : i32
    %sub3A_19 = arith.subi %sub3A, %reduce_sum3A_18 : i32
    %scan3A_20 = arith.constant 0 : i32
    %scan3A_21 = arith.constant 0 : i32
    %scan3A_22 = arith.constant 21 : i32
    %scan3A_23 = arith.addi %scan3A_21, %scan3A_22 : i32
    %scan3A_24 = arith.constant 1 : i32
    %scan3A_25 = scf.for %scan3A_188 = %scan3A_21 to %scan3A_23 step %scan3A_24 iter_args(%scan3A_189 = %scan3A_20) -> (i32)  : i32 {
      %sub3A_190 = arith.constant 20 : i32
      %sub3A_191 = arith.subi %sub3A_190, %scan3A_188 : i32
      %shift_left3A = arith.constant 1 : i32
      %shift_left3A_192 = arith.shli %shift_left3A, %sub3A_191 : i32
      %add3A_193 = arith.addi %scan3A_189, %shift_left3A_192 : i32
      %lt3A_194 = vector.broadcast %add3A_193 : i32 to vector<16x128xi32>
      %lt3A_195 = arith.cmpi slt, %get3A_4, %lt3A_194 : vector<16x128xi32>
      %and3A_196 = arith.andi %eq3A_12, %lt3A_195 : vector<16x128xi1>
      %jit3A_197 = arith.constant 1 : i32
      %jit3A_198 = arith.constant 0 : i32
      %broadcast_in_dim3A_199 = vector.broadcast %jit3A_197 : i32 to vector<16x128xi32>
      %broadcast_in_dim3A_200 = vector.broadcast %jit3A_198 : i32 to vector<16x128xi32>
      %select_n3A_201 = arith.select %and3A_196, %broadcast_in_dim3A_199, %broadcast_in_dim3A_200 : vector<16x128xi1>, vector<16x128xi32>
      %reduce_sum3A_202 = vector.shape_cast %select_n3A_201 : vector<16x128xi32> to vector<1x16x128xi32>
      %reduce_sum3A_203 = arith.constant dense<0> : vector<1xi32>
      %reduce_sum3A_204 = vector.multi_reduction <add>, %reduce_sum3A_202, %reduce_sum3A_203 [1, 2] : vector<1x16x128xi32> to vector<1xi32>
      %reduce_sum3A_205 = vector.shape_cast %reduce_sum3A_204 : vector<1xi32> to vector<1x1x1xi32>
      %reduce_sum3A_206 = vector.extract %reduce_sum3A_205[0, 0, 0] : i32 from vector<1x1x1xi32>
      %le3A = arith.cmpi sle, %reduce_sum3A_206, %sub3A_19 : i32
      %select_n3A_207 = arith.select %le3A, %add3A_193, %scan3A_189 : i32
      scf.yield %select_n3A_207 : i32
    }
    %scan3A_26 = arith.constant 21 : i32
    %lt3A = vector.broadcast %scan3A_25 : i32 to vector<16x128xi32>
    %lt3A_27 = arith.cmpi slt, %get3A_4, %lt3A : vector<16x128xi32>
    %and3A = arith.andi %eq3A_12, %lt3A_27 : vector<16x128xi1>
    %or3A = arith.ori %gt3A_11, %and3A : vector<16x128xi1>
    %get3A_28 = arith.constant 0 : index
    %get3A_29 = arith.constant 0 : index
    %get3A_30 = vector.load %arg8[%get3A_28, %get3A_29] : memref<16x128xf32, #tpu.memory_space<vmem>>, vector<16x128xf32>
    %get3A_31 = arith.constant 0 : index
    %get3A_32 = arith.constant 0 : index
    %get3A_33 = vector.load %arg6[%get3A_31, %get3A_32] : memref<16x128xf32, #tpu.memory_space<vmem>>, vector<16x128xf32>
    %sub3A_34 = arith.subf %get3A_30, %get3A_33 : vector<16x128xf32>
    %get3A_35 = arith.constant 0 : index
    %get3A_36 = arith.constant 0 : index
    %get3A_37 = vector.load %arg9[%get3A_35, %get3A_36] : memref<16x128xf32, #tpu.memory_space<vmem>>, vector<16x128xf32>
    %get3A_38 = arith.constant 0 : index
    %get3A_39 = arith.constant 0 : index
    %get3A_40 = vector.load %arg7[%get3A_38, %get3A_39] : memref<16x128xf32, #tpu.memory_space<vmem>>, vector<16x128xf32>
    %sub3A_41 = arith.subf %get3A_37, %get3A_40 : vector<16x128xf32>
    %get3A_42 = arith.constant 0 : index
    %get3A_43 = arith.constant 0 : index
    %get3A_44 = vector.load %arg6[%get3A_42, %get3A_43] : memref<16x128xf32, #tpu.memory_space<vmem>>, vector<16x128xf32>
    %mul3A = arith.constant 5.000000e-01 : f32
    %mul3A_45 = vector.broadcast %mul3A : f32 to vector<16x128xf32>
    %mul3A_46 = arith.mulf %mul3A_45, %sub3A_34 : vector<16x128xf32>
    %add3A = arith.addf %get3A_44, %mul3A_46 : vector<16x128xf32>
    %get3A_47 = arith.constant 0 : index
    %get3A_48 = arith.constant 0 : index
    %get3A_49 = vector.load %arg7[%get3A_47, %get3A_48] : memref<16x128xf32, #tpu.memory_space<vmem>>, vector<16x128xf32>
    %mul3A_50 = arith.constant 5.000000e-01 : f32
    %mul3A_51 = vector.broadcast %mul3A_50 : f32 to vector<16x128xf32>
    %mul3A_52 = arith.mulf %mul3A_51, %sub3A_41 : vector<16x128xf32>
    %add3A_53 = arith.addf %get3A_49, %mul3A_52 : vector<16x128xf32>
    %get3A_54 = arith.constant 0 : index
    %get3A_55 = arith.constant 0 : index
    %get3A_56 = vector.load %arg4[%get3A_54, %get3A_55] : memref<16x128xf32, #tpu.memory_space<vmem>>, vector<16x128xf32>
    %min3A = arith.constant 4.13516665 : f32
    %min3A_57 = vector.broadcast %min3A : f32 to vector<16x128xf32>
    %min3A_58 = arith.minimumf %get3A_56, %min3A_57 : vector<16x128xf32>
    %get3A_59 = arith.constant 0 : index
    %get3A_60 = arith.constant 0 : index
    %get3A_61 = vector.load %arg5[%get3A_59, %get3A_60] : memref<16x128xf32, #tpu.memory_space<vmem>>, vector<16x128xf32>
    %min3A_62 = arith.constant 4.13516665 : f32
    %min3A_63 = vector.broadcast %min3A_62 : f32 to vector<16x128xf32>
    %min3A_64 = arith.minimumf %get3A_61, %min3A_63 : vector<16x128xf32>
    %get3A_65 = arith.constant 0 : index
    %get3A_66 = arith.constant 0 : index
    %get3A_67 = vector.load %arg2[%get3A_65, %get3A_66] : memref<16x128xf32, #tpu.memory_space<vmem>>, vector<16x128xf32>
    %mul3A_68 = arith.mulf %get3A_67, %sub3A_34 : vector<16x128xf32>
    %add3A_69 = arith.addf %mul3A_68, %add3A : vector<16x128xf32>
    %get3A_70 = arith.constant 0 : index
    %get3A_71 = arith.constant 0 : index
    %get3A_72 = vector.load %arg3[%get3A_70, %get3A_71] : memref<16x128xf32, #tpu.memory_space<vmem>>, vector<16x128xf32>
    %mul3A_73 = arith.mulf %get3A_72, %sub3A_41 : vector<16x128xf32>
    %add3A_74 = arith.addf %mul3A_73, %add3A_53 : vector<16x128xf32>
    %exp3A = math.exp %min3A_58 : vector<16x128xf32>
    %mul3A_75 = arith.mulf %exp3A, %sub3A_34 : vector<16x128xf32>
    %exp3A_76 = math.exp %min3A_64 : vector<16x128xf32>
    %mul3A_77 = arith.mulf %exp3A_76, %sub3A_41 : vector<16x128xf32>
    %mul3A_78 = arith.constant 5.000000e-01 : f32
    %mul3A_79 = vector.broadcast %mul3A_78 : f32 to vector<16x128xf32>
    %mul3A_80 = arith.mulf %mul3A_79, %mul3A_75 : vector<16x128xf32>
    %sub3A_81 = arith.subf %add3A_69, %mul3A_80 : vector<16x128xf32>
    %mul3A_82 = arith.constant 5.000000e-01 : f32
    %mul3A_83 = vector.broadcast %mul3A_82 : f32 to vector<16x128xf32>
    %mul3A_84 = arith.mulf %mul3A_83, %mul3A_77 : vector<16x128xf32>
    %sub3A_85 = arith.subf %add3A_74, %mul3A_84 : vector<16x128xf32>
    %mul3A_86 = arith.constant 5.000000e-01 : f32
    %mul3A_87 = vector.broadcast %mul3A_86 : f32 to vector<16x128xf32>
    %mul3A_88 = arith.mulf %mul3A_87, %mul3A_75 : vector<16x128xf32>
    %add3A_89 = arith.addf %add3A_69, %mul3A_88 : vector<16x128xf32>
    %mul3A_90 = arith.constant 5.000000e-01 : f32
    %mul3A_91 = vector.broadcast %mul3A_90 : f32 to vector<16x128xf32>
    %mul3A_92 = arith.mulf %mul3A_91, %mul3A_77 : vector<16x128xf32>
    %add3A_93 = arith.addf %add3A_74, %mul3A_92 : vector<16x128xf32>
    %jit3A_94 = arith.constant 0xFF800000 : f32
    %broadcast_in_dim3A_95 = vector.broadcast %jit3A_94 : f32 to vector<16x128xf32>
    %select_n3A_96 = arith.select %or3A, %sub3A_81, %broadcast_in_dim3A_95 : vector<16x128xi1>, vector<16x128xf32>
    %reduce_max3A = vector.shape_cast %select_n3A_96 : vector<16x128xf32> to vector<1x16x128xf32>
    %reduce_max3A_97 = arith.constant dense<0xFF800000> : vector<1xf32>
    %reduce_max3A_98 = vector.multi_reduction <maximumf>, %reduce_max3A, %reduce_max3A_97 [1, 2] : vector<1x16x128xf32> to vector<1xf32>
    %reduce_max3A_99 = vector.shape_cast %reduce_max3A_98 : vector<1xf32> to vector<1x1x1xf32>
    %reduce_max3A_100 = vector.extract %reduce_max3A_99[0, 0, 0] : f32 from vector<1x1x1xf32>
    %jit3A_101 = arith.constant 0xFF800000 : f32
    %broadcast_in_dim3A_102 = vector.broadcast %jit3A_101 : f32 to vector<16x128xf32>
    %select_n3A_103 = arith.select %or3A, %sub3A_85, %broadcast_in_dim3A_102 : vector<16x128xi1>, vector<16x128xf32>
    %reduce_max3A_104 = vector.shape_cast %select_n3A_103 : vector<16x128xf32> to vector<1x16x128xf32>
    %reduce_max3A_105 = arith.constant dense<0xFF800000> : vector<1xf32>
    %reduce_max3A_106 = vector.multi_reduction <maximumf>, %reduce_max3A_104, %reduce_max3A_105 [1, 2] : vector<1x16x128xf32> to vector<1xf32>
    %reduce_max3A_107 = vector.shape_cast %reduce_max3A_106 : vector<1xf32> to vector<1x1x1xf32>
    %reduce_max3A_108 = vector.extract %reduce_max3A_107[0, 0, 0] : f32 from vector<1x1x1xf32>
    %jit3A_109 = arith.constant 0xFF800000 : f32
    %broadcast_in_dim3A_110 = vector.broadcast %jit3A_109 : f32 to vector<16x128xf32>
    %select_n3A_111 = arith.select %or3A, %add3A_89, %broadcast_in_dim3A_110 : vector<16x128xi1>, vector<16x128xf32>
    %reduce_max3A_112 = vector.shape_cast %select_n3A_111 : vector<16x128xf32> to vector<1x16x128xf32>
    %reduce_max3A_113 = arith.constant dense<0xFF800000> : vector<1xf32>
    %reduce_max3A_114 = vector.multi_reduction <maximumf>, %reduce_max3A_112, %reduce_max3A_113 [1, 2] : vector<1x16x128xf32> to vector<1xf32>
    %reduce_max3A_115 = vector.shape_cast %reduce_max3A_114 : vector<1xf32> to vector<1x1x1xf32>
    %reduce_max3A_116 = vector.extract %reduce_max3A_115[0, 0, 0] : f32 from vector<1x1x1xf32>
    %jit3A_117 = arith.constant 0xFF800000 : f32
    %broadcast_in_dim3A_118 = vector.broadcast %jit3A_117 : f32 to vector<16x128xf32>
    %select_n3A_119 = arith.select %or3A, %add3A_93, %broadcast_in_dim3A_118 : vector<16x128xi1>, vector<16x128xf32>
    %reduce_max3A_120 = vector.shape_cast %select_n3A_119 : vector<16x128xf32> to vector<1x16x128xf32>
    %reduce_max3A_121 = arith.constant dense<0xFF800000> : vector<1xf32>
    %reduce_max3A_122 = vector.multi_reduction <maximumf>, %reduce_max3A_120, %reduce_max3A_121 [1, 2] : vector<1x16x128xf32> to vector<1xf32>
    %reduce_max3A_123 = vector.shape_cast %reduce_max3A_122 : vector<1xf32> to vector<1x1x1xf32>
    %reduce_max3A_124 = vector.extract %reduce_max3A_123[0, 0, 0] : f32 from vector<1x1x1xf32>
    %max3A = arith.maximumf %reduce_max3A_116, %reduce_max3A_124 : f32
    %max3A_125 = arith.maximumf %reduce_max3A_108, %max3A : f32
    %max3A_126 = arith.maximumf %reduce_max3A_100, %max3A_125 : f32
    %add3A_127 = arith.constant 1.000000e+00 : f32
    %add3A_128 = arith.addf %max3A_126, %add3A_127 : f32
    %jit3A_129 = arith.constant 80 : i32
    %div3A = vector.broadcast %jit3A_129 : i32 to vector<16x128xi32>
    %div3A_130 = arith.divsi %get3A_4, %div3A : vector<16x128xi32>
    %sign3A = arith.constant 0 : i32
    %sign3A_131 = vector.broadcast %sign3A : i32 to vector<16x128xi32>
    %sign3A_132 = arith.cmpi sgt, %get3A_4, %sign3A_131 : vector<16x128xi32>
    %sign3A_133 = arith.extui %sign3A_132 : vector<16x128xi1> to vector<16x128xi32>
    %sign3A_134 = arith.constant 0 : i32
    %sign3A_135 = vector.broadcast %sign3A_134 : i32 to vector<16x128xi32>
    %sign3A_136 = arith.cmpi slt, %get3A_4, %sign3A_135 : vector<16x128xi32>
    %sign3A_137 = arith.extui %sign3A_136 : vector<16x128xi1> to vector<16x128xi32>
    %sign3A_138 = arith.subi %sign3A_133, %sign3A_137 : vector<16x128xi32>
    %sign3A_139 = arith.constant 0 : i32
    %sign3A_140 = arith.cmpi sgt, %jit3A_129, %sign3A_139 : i32
    %sign3A_141 = arith.extui %sign3A_140 : i1 to i32
    %sign3A_142 = arith.constant 0 : i32
    %sign3A_143 = arith.cmpi slt, %jit3A_129, %sign3A_142 : i32
    %sign3A_144 = arith.extui %sign3A_143 : i1 to i32
    %sign3A_145 = arith.subi %sign3A_141, %sign3A_144 : i32
    %ne3A = vector.broadcast %sign3A_145 : i32 to vector<16x128xi32>
    %ne3A_146 = arith.cmpi ne, %sign3A_138, %ne3A : vector<16x128xi32>
    %rem3A = vector.broadcast %jit3A_129 : i32 to vector<16x128xi32>
    %rem3A_147 = arith.remsi %get3A_4, %rem3A : vector<16x128xi32>
    %ne3A_148 = arith.constant 0 : i32
    %ne3A_149 = vector.broadcast %ne3A_148 : i32 to vector<16x128xi32>
    %ne3A_150 = arith.cmpi ne, %rem3A_147, %ne3A_149 : vector<16x128xi32>
    %and3A_151 = arith.andi %ne3A_146, %ne3A_150 : vector<16x128xi1>
    %sub3A_152 = arith.constant 1 : i32
    %sub3A_153 = vector.broadcast %sub3A_152 : i32 to vector<16x128xi32>
    %sub3A_154 = arith.subi %div3A_130, %sub3A_153 : vector<16x128xi32>
    %select_n3A_155 = arith.select %and3A_151, %sub3A_154, %div3A_130 : vector<16x128xi1>, vector<16x128xi32>
    %mul3A_156 = arith.constant 80 : i32
    %mul3A_157 = vector.broadcast %mul3A_156 : i32 to vector<16x128xi32>
    %mul3A_158 = arith.muli %select_n3A_155, %mul3A_157 : vector<16x128xi32>
    %sub3A_159 = arith.subi %get3A_4, %mul3A_158 : vector<16x128xi32>
    %add3A_160 = arith.constant 1 : i32
    %add3A_161 = vector.broadcast %add3A_160 : i32 to vector<16x128xi32>
    %add3A_162 = arith.addi %sub3A_159, %add3A_161 : vector<16x128xi32>
    %convert_element_type3A = arith.sitofp %add3A_162 : vector<16x128xi32> to vector<16x128xf32>
    %mul3A_163 = vector.broadcast %add3A_128 : f32 to vector<16x128xf32>
    %mul3A_164 = arith.mulf %convert_element_type3A, %mul3A_163 : vector<16x128xf32>
    %add3A_165 = arith.addf %sub3A_81, %mul3A_164 : vector<16x128xf32>
    %add3A_166 = arith.addf %sub3A_85, %mul3A_164 : vector<16x128xf32>
    %add3A_167 = arith.addf %add3A_89, %mul3A_164 : vector<16x128xf32>
    %add3A_168 = arith.addf %add3A_93, %mul3A_164 : vector<16x128xf32>
    %sub3A_169 = arith.subf %add3A_167, %add3A_165 : vector<16x128xf32>
    %sub3A_170 = arith.subf %add3A_168, %add3A_166 : vector<16x128xf32>
    %mul3A_171 = arith.mulf %sub3A_169, %sub3A_170 : vector<16x128xf32>
    %jit3A_172 = arith.constant 0xFF800000 : f32
    %broadcast_in_dim3A_173 = vector.broadcast %jit3A_172 : f32 to vector<16x128xf32>
    %select_n3A_174 = arith.select %or3A, %get3A_1, %broadcast_in_dim3A_173 : vector<16x128xi1>, vector<16x128xf32>
    %broadcast_in_dim3A_175 = arith.constant 0.000000e+00 : f32
    %broadcast_in_dim3A_176 = vector.broadcast %broadcast_in_dim3A_175 : f32 to vector<128x8xf32>
    %iota3A = tpu.iota {dimensions = array<i32: 0>} : vector<128x8xi32>
    %iota3A_177 = tpu.iota {dimensions = array<i32: 1>} : vector<128x8xi32>
    %scan3A_178 = arith.constant 1073741824 : i32
    %scan3A_179 = arith.constant 0xFF800000 : f32
    %scan3A_180 = arith.constant 0 : i32
    %scan3A_181 = arith.constant 100 : i32
    %scan3A_182 = arith.addi %scan3A_180, %scan3A_181 : i32
    %scan3A_183 = arith.constant 1 : i32
    %scan3A_184:2 = scf.for %scan3A_188 = %scan3A_180 to %scan3A_182 step %scan3A_183 iter_args(%scan3A_189 = %select_n3A_174, %scan3A_190 = %broadcast_in_dim3A_176) -> (vector<16x128xf32>, vector<128x8xf32>)  : i32 {
      %reduce_max3A_191 = vector.shape_cast %scan3A_189 : vector<16x128xf32> to vector<1x16x128xf32>
      %reduce_max3A_192 = arith.constant dense<0xFF800000> : vector<1xf32>
      %reduce_max3A_193 = vector.multi_reduction <maximumf>, %reduce_max3A_191, %reduce_max3A_192 [1, 2] : vector<1x16x128xf32> to vector<1xf32>
      %reduce_max3A_194 = vector.shape_cast %reduce_max3A_193 : vector<1xf32> to vector<1x1x1xf32>
      %reduce_max3A_195 = vector.extract %reduce_max3A_194[0, 0, 0] : f32 from vector<1x1x1xf32>
      %eq3A_196 = vector.broadcast %reduce_max3A_195 : f32 to vector<16x128xf32>
      %eq3A_197 = arith.cmpf oeq, %scan3A_189, %eq3A_196 : vector<16x128xf32>
      %broadcast_in_dim3A_198 = vector.broadcast %scan3A_178 : i32 to vector<16x128xi32>
      %select_n3A_199 = arith.select %eq3A_197, %get3A_4, %broadcast_in_dim3A_198 : vector<16x128xi1>, vector<16x128xi32>
      %reduce_min3A = vector.shape_cast %select_n3A_199 : vector<16x128xi32> to vector<1x16x128xi32>
      %reduce_min3A_200 = arith.constant dense<2147483647> : vector<1xi32>
      %reduce_min3A_201 = vector.multi_reduction <minsi>, %reduce_min3A, %reduce_min3A_200 [1, 2] : vector<1x16x128xi32> to vector<1xi32>
      %reduce_min3A_202 = vector.shape_cast %reduce_min3A_201 : vector<1xi32> to vector<1x1x1xi32>
      %reduce_min3A_203 = vector.extract %reduce_min3A_202[0, 0, 0] : i32 from vector<1x1x1xi32>
      %eq3A_204 = vector.broadcast %reduce_max3A_195 : f32 to vector<16x128xf32>
      %eq3A_205 = arith.cmpf oeq, %scan3A_189, %eq3A_204 : vector<16x128xf32>
      %eq3A_206 = vector.broadcast %reduce_min3A_203 : i32 to vector<16x128xi32>
      %eq3A_207 = arith.cmpi eq, %get3A_4, %eq3A_206 : vector<16x128xi32>
      %and3A_208 = arith.andi %eq3A_205, %eq3A_207 : vector<16x128xi1>
      %jit3A_209 = arith.constant 0.000000e+00 : f32
      %broadcast_in_dim3A_210 = vector.broadcast %jit3A_209 : f32 to vector<16x128xf32>
      %select_n3A_211 = arith.select %and3A_208, %add3A_165, %broadcast_in_dim3A_210 : vector<16x128xi1>, vector<16x128xf32>
      %reduce_sum3A_212 = vector.shape_cast %select_n3A_211 : vector<16x128xf32> to vector<1x16x128xf32>
      %reduce_sum3A_213 = arith.constant dense<0.000000e+00> : vector<1xf32>
      %reduce_sum3A_214 = vector.multi_reduction <add>, %reduce_sum3A_212, %reduce_sum3A_213 [1, 2] : vector<1x16x128xf32> to vector<1xf32>
      %reduce_sum3A_215 = vector.shape_cast %reduce_sum3A_214 : vector<1xf32> to vector<1x1x1xf32>
      %reduce_sum3A_216 = vector.extract %reduce_sum3A_215[0, 0, 0] : f32 from vector<1x1x1xf32>
      %jit3A_217 = arith.constant 0.000000e+00 : f32
      %broadcast_in_dim3A_218 = vector.broadcast %jit3A_217 : f32 to vector<16x128xf32>
      %select_n3A_219 = arith.select %and3A_208, %add3A_166, %broadcast_in_dim3A_218 : vector<16x128xi1>, vector<16x128xf32>
      %reduce_sum3A_220 = vector.shape_cast %select_n3A_219 : vector<16x128xf32> to vector<1x16x128xf32>
      %reduce_sum3A_221 = arith.constant dense<0.000000e+00> : vector<1xf32>
      %reduce_sum3A_222 = vector.multi_reduction <add>, %reduce_sum3A_220, %reduce_sum3A_221 [1, 2] : vector<1x16x128xf32> to vector<1xf32>
      %reduce_sum3A_223 = vector.shape_cast %reduce_sum3A_222 : vector<1xf32> to vector<1x1x1xf32>
      %reduce_sum3A_224 = vector.extract %reduce_sum3A_223[0, 0, 0] : f32 from vector<1x1x1xf32>
      %jit3A_225 = arith.constant 0.000000e+00 : f32
      %broadcast_in_dim3A_226 = vector.broadcast %jit3A_225 : f32 to vector<16x128xf32>
      %select_n3A_227 = arith.select %and3A_208, %add3A_167, %broadcast_in_dim3A_226 : vector<16x128xi1>, vector<16x128xf32>
      %reduce_sum3A_228 = vector.shape_cast %select_n3A_227 : vector<16x128xf32> to vector<1x16x128xf32>
      %reduce_sum3A_229 = arith.constant dense<0.000000e+00> : vector<1xf32>
      %reduce_sum3A_230 = vector.multi_reduction <add>, %reduce_sum3A_228, %reduce_sum3A_229 [1, 2] : vector<1x16x128xf32> to vector<1xf32>
      %reduce_sum3A_231 = vector.shape_cast %reduce_sum3A_230 : vector<1xf32> to vector<1x1x1xf32>
      %reduce_sum3A_232 = vector.extract %reduce_sum3A_231[0, 0, 0] : f32 from vector<1x1x1xf32>
      %jit3A_233 = arith.constant 0.000000e+00 : f32
      %broadcast_in_dim3A_234 = vector.broadcast %jit3A_233 : f32 to vector<16x128xf32>
      %select_n3A_235 = arith.select %and3A_208, %add3A_168, %broadcast_in_dim3A_234 : vector<16x128xi1>, vector<16x128xf32>
      %reduce_sum3A_236 = vector.shape_cast %select_n3A_235 : vector<16x128xf32> to vector<1x16x128xf32>
      %reduce_sum3A_237 = arith.constant dense<0.000000e+00> : vector<1xf32>
      %reduce_sum3A_238 = vector.multi_reduction <add>, %reduce_sum3A_236, %reduce_sum3A_237 [1, 2] : vector<1x16x128xf32> to vector<1xf32>
      %reduce_sum3A_239 = vector.shape_cast %reduce_sum3A_238 : vector<1xf32> to vector<1x1x1xf32>
      %reduce_sum3A_240 = vector.extract %reduce_sum3A_239[0, 0, 0] : f32 from vector<1x1x1xf32>
      %jit3A_241 = arith.constant 0.000000e+00 : f32
      %broadcast_in_dim3A_242 = vector.broadcast %jit3A_241 : f32 to vector<16x128xf32>
      %select_n3A_243 = arith.select %and3A_208, %mul3A_171, %broadcast_in_dim3A_242 : vector<16x128xi1>, vector<16x128xf32>
      %reduce_sum3A_244 = vector.shape_cast %select_n3A_243 : vector<16x128xf32> to vector<1x16x128xf32>
      %reduce_sum3A_245 = arith.constant dense<0.000000e+00> : vector<1xf32>
      %reduce_sum3A_246 = vector.multi_reduction <add>, %reduce_sum3A_244, %reduce_sum3A_245 [1, 2] : vector<1x16x128xf32> to vector<1xf32>
      %reduce_sum3A_247 = vector.shape_cast %reduce_sum3A_246 : vector<1xf32> to vector<1x1x1xf32>
      %reduce_sum3A_248 = vector.extract %reduce_sum3A_247[0, 0, 0] : f32 from vector<1x1x1xf32>
      %jit3A_249 = arith.constant 0.000000e+00 : f32
      %broadcast_in_dim3A_250 = vector.broadcast %jit3A_249 : f32 to vector<16x128xf32>
      %select_n3A_251 = arith.select %and3A_208, %sub3A_81, %broadcast_in_dim3A_250 : vector<16x128xi1>, vector<16x128xf32>
      %reduce_sum3A_252 = vector.shape_cast %select_n3A_251 : vector<16x128xf32> to vector<1x16x128xf32>
      %reduce_sum3A_253 = arith.constant dense<0.000000e+00> : vector<1xf32>
      %reduce_sum3A_254 = vector.multi_reduction <add>, %reduce_sum3A_252, %reduce_sum3A_253 [1, 2] : vector<1x16x128xf32> to vector<1xf32>
      %reduce_sum3A_255 = vector.shape_cast %reduce_sum3A_254 : vector<1xf32> to vector<1x1x1xf32>
      %reduce_sum3A_256 = vector.extract %reduce_sum3A_255[0, 0, 0] : f32 from vector<1x1x1xf32>
      %jit3A_257 = arith.constant 0.000000e+00 : f32
      %broadcast_in_dim3A_258 = vector.broadcast %jit3A_257 : f32 to vector<16x128xf32>
      %select_n3A_259 = arith.select %and3A_208, %sub3A_85, %broadcast_in_dim3A_258 : vector<16x128xi1>, vector<16x128xf32>
      %reduce_sum3A_260 = vector.shape_cast %select_n3A_259 : vector<16x128xf32> to vector<1x16x128xf32>
      %reduce_sum3A_261 = arith.constant dense<0.000000e+00> : vector<1xf32>
      %reduce_sum3A_262 = vector.multi_reduction <add>, %reduce_sum3A_260, %reduce_sum3A_261 [1, 2] : vector<1x16x128xf32> to vector<1xf32>
      %reduce_sum3A_263 = vector.shape_cast %reduce_sum3A_262 : vector<1xf32> to vector<1x1x1xf32>
      %reduce_sum3A_264 = vector.extract %reduce_sum3A_263[0, 0, 0] : f32 from vector<1x1x1xf32>
      %jit3A_265 = arith.constant 0.000000e+00 : f32
      %broadcast_in_dim3A_266 = vector.broadcast %jit3A_265 : f32 to vector<16x128xf32>
      %select_n3A_267 = arith.select %and3A_208, %add3A_89, %broadcast_in_dim3A_266 : vector<16x128xi1>, vector<16x128xf32>
      %reduce_sum3A_268 = vector.shape_cast %select_n3A_267 : vector<16x128xf32> to vector<1x16x128xf32>
      %reduce_sum3A_269 = arith.constant dense<0.000000e+00> : vector<1xf32>
      %reduce_sum3A_270 = vector.multi_reduction <add>, %reduce_sum3A_268, %reduce_sum3A_269 [1, 2] : vector<1x16x128xf32> to vector<1xf32>
      %reduce_sum3A_271 = vector.shape_cast %reduce_sum3A_270 : vector<1xf32> to vector<1x1x1xf32>
      %reduce_sum3A_272 = vector.extract %reduce_sum3A_271[0, 0, 0] : f32 from vector<1x1x1xf32>
      %jit3A_273 = arith.constant 0.000000e+00 : f32
      %broadcast_in_dim3A_274 = vector.broadcast %jit3A_273 : f32 to vector<16x128xf32>
      %select_n3A_275 = arith.select %and3A_208, %add3A_93, %broadcast_in_dim3A_274 : vector<16x128xi1>, vector<16x128xf32>
      %reduce_sum3A_276 = vector.shape_cast %select_n3A_275 : vector<16x128xf32> to vector<1x16x128xf32>
      %reduce_sum3A_277 = arith.constant dense<0.000000e+00> : vector<1xf32>
      %reduce_sum3A_278 = vector.multi_reduction <add>, %reduce_sum3A_276, %reduce_sum3A_277 [1, 2] : vector<1x16x128xf32> to vector<1xf32>
      %reduce_sum3A_279 = vector.shape_cast %reduce_sum3A_278 : vector<1xf32> to vector<1x1x1xf32>
      %reduce_sum3A_280 = vector.extract %reduce_sum3A_279[0, 0, 0] : f32 from vector<1x1x1xf32>
      %gt3A_281 = arith.constant 0.000000e+00 : f32
      %gt3A_282 = arith.cmpf ogt, %reduce_max3A_195, %gt3A_281 : f32
      %eq3A_283 = arith.constant 0 : i32
      %eq3A_284 = vector.broadcast %eq3A_283 : i32 to vector<128x8xi32>
      %eq3A_285 = arith.cmpi eq, %iota3A_177, %eq3A_284 : vector<128x8xi32>
      %jit3A_286 = arith.constant 0.000000e+00 : f32
      %select_n3A_287 = arith.select %gt3A_282, %reduce_sum3A_256, %jit3A_286 : f32
      %jit3A_288 = arith.constant 0.000000e+00 : f32
      %broadcast_in_dim3A_289 = vector.broadcast %select_n3A_287 : f32 to vector<128x8xf32>
      %broadcast_in_dim3A_290 = vector.broadcast %jit3A_288 : f32 to vector<128x8xf32>
      %select_n3A_291 = arith.select %eq3A_285, %broadcast_in_dim3A_289, %broadcast_in_dim3A_290 : vector<128x8xi1>, vector<128x8xf32>
      %eq3A_292 = arith.constant 1 : i32
      %eq3A_293 = vector.broadcast %eq3A_292 : i32 to vector<128x8xi32>
      %eq3A_294 = arith.cmpi eq, %iota3A_177, %eq3A_293 : vector<128x8xi32>
      %jit3A_295 = arith.constant 0.000000e+00 : f32
      %select_n3A_296 = arith.select %gt3A_282, %reduce_sum3A_264, %jit3A_295 : f32
      %jit3A_297 = arith.constant 0.000000e+00 : f32
      %broadcast_in_dim3A_298 = vector.broadcast %select_n3A_296 : f32 to vector<128x8xf32>
      %broadcast_in_dim3A_299 = vector.broadcast %jit3A_297 : f32 to vector<128x8xf32>
      %select_n3A_300 = arith.select %eq3A_294, %broadcast_in_dim3A_298, %broadcast_in_dim3A_299 : vector<128x8xi1>, vector<128x8xf32>
      %add3A_301 = arith.addf %select_n3A_291, %select_n3A_300 : vector<128x8xf32>
      %eq3A_302 = arith.constant 2 : i32
      %eq3A_303 = vector.broadcast %eq3A_302 : i32 to vector<128x8xi32>
      %eq3A_304 = arith.cmpi eq, %iota3A_177, %eq3A_303 : vector<128x8xi32>
      %jit3A_305 = arith.constant 0.000000e+00 : f32
      %select_n3A_306 = arith.select %gt3A_282, %reduce_sum3A_272, %jit3A_305 : f32
      %jit3A_307 = arith.constant 0.000000e+00 : f32
      %broadcast_in_dim3A_308 = vector.broadcast %select_n3A_306 : f32 to vector<128x8xf32>
      %broadcast_in_dim3A_309 = vector.broadcast %jit3A_307 : f32 to vector<128x8xf32>
      %select_n3A_310 = arith.select %eq3A_304, %broadcast_in_dim3A_308, %broadcast_in_dim3A_309 : vector<128x8xi1>, vector<128x8xf32>
      %add3A_311 = arith.addf %add3A_301, %select_n3A_310 : vector<128x8xf32>
      %eq3A_312 = arith.constant 3 : i32
      %eq3A_313 = vector.broadcast %eq3A_312 : i32 to vector<128x8xi32>
      %eq3A_314 = arith.cmpi eq, %iota3A_177, %eq3A_313 : vector<128x8xi32>
      %jit3A_315 = arith.constant 0.000000e+00 : f32
      %select_n3A_316 = arith.select %gt3A_282, %reduce_sum3A_280, %jit3A_315 : f32
      %jit3A_317 = arith.constant 0.000000e+00 : f32
      %broadcast_in_dim3A_318 = vector.broadcast %select_n3A_316 : f32 to vector<128x8xf32>
      %broadcast_in_dim3A_319 = vector.broadcast %jit3A_317 : f32 to vector<128x8xf32>
      %select_n3A_320 = arith.select %eq3A_314, %broadcast_in_dim3A_318, %broadcast_in_dim3A_319 : vector<128x8xi1>, vector<128x8xf32>
      %add3A_321 = arith.addf %add3A_311, %select_n3A_320 : vector<128x8xf32>
      %eq3A_322 = arith.constant 4 : i32
      %eq3A_323 = vector.broadcast %eq3A_322 : i32 to vector<128x8xi32>
      %eq3A_324 = arith.cmpi eq, %iota3A_177, %eq3A_323 : vector<128x8xi32>
      %jit3A_325 = arith.constant 0.000000e+00 : f32
      %select_n3A_326 = arith.select %gt3A_282, %reduce_max3A_195, %jit3A_325 : f32
      %jit3A_327 = arith.constant 0.000000e+00 : f32
      %broadcast_in_dim3A_328 = vector.broadcast %select_n3A_326 : f32 to vector<128x8xf32>
      %broadcast_in_dim3A_329 = vector.broadcast %jit3A_327 : f32 to vector<128x8xf32>
      %select_n3A_330 = arith.select %eq3A_324, %broadcast_in_dim3A_328, %broadcast_in_dim3A_329 : vector<128x8xi1>, vector<128x8xf32>
      %add3A_331 = arith.addf %add3A_321, %select_n3A_330 : vector<128x8xf32>
      %eq3A_332 = vector.broadcast %scan3A_188 : i32 to vector<128x8xi32>
      %eq3A_333 = arith.cmpi eq, %iota3A, %eq3A_332 : vector<128x8xi32>
      %select_n3A_334 = arith.select %eq3A_333, %add3A_331, %scan3A_190 : vector<128x8xi1>, vector<128x8xf32>
      %max3A_335 = vector.broadcast %reduce_sum3A_216 : f32 to vector<16x128xf32>
      %max3A_336 = arith.maximumf %add3A_165, %max3A_335 : vector<16x128xf32>
      %max3A_337 = vector.broadcast %reduce_sum3A_224 : f32 to vector<16x128xf32>
      %max3A_338 = arith.maximumf %add3A_166, %max3A_337 : vector<16x128xf32>
      %min3A_339 = vector.broadcast %reduce_sum3A_232 : f32 to vector<16x128xf32>
      %min3A_340 = arith.minimumf %add3A_167, %min3A_339 : vector<16x128xf32>
      %min3A_341 = vector.broadcast %reduce_sum3A_240 : f32 to vector<16x128xf32>
      %min3A_342 = arith.minimumf %add3A_168, %min3A_341 : vector<16x128xf32>
      %sub3A_343 = arith.subf %min3A_340, %max3A_336 : vector<16x128xf32>
      %jit3A_344 = arith.constant 0.000000e+00 : f32
      %max3A_345 = vector.broadcast %jit3A_344 : f32 to vector<16x128xf32>
      %max3A_346 = arith.maximumf %max3A_345, %sub3A_343 : vector<16x128xf32>
      %sub3A_347 = arith.subf %min3A_342, %max3A_338 : vector<16x128xf32>
      %jit3A_348 = arith.constant 0.000000e+00 : f32
      %max3A_349 = vector.broadcast %jit3A_348 : f32 to vector<16x128xf32>
      %max3A_350 = arith.maximumf %max3A_349, %sub3A_347 : vector<16x128xf32>
      %mul3A_351 = arith.mulf %max3A_346, %max3A_350 : vector<16x128xf32>
      %add3A_352 = vector.broadcast %reduce_sum3A_248 : f32 to vector<16x128xf32>
      %add3A_353 = arith.addf %mul3A_171, %add3A_352 : vector<16x128xf32>
      %sub3A_354 = arith.subf %add3A_353, %mul3A_351 : vector<16x128xf32>
      %add3A_355 = arith.constant 9.99999971E-10 : f32
      %add3A_356 = vector.broadcast %add3A_355 : f32 to vector<16x128xf32>
      %add3A_357 = arith.addf %sub3A_354, %add3A_356 : vector<16x128xf32>
      %div3A_358 = arith.divf %mul3A_351, %add3A_357 : vector<16x128xf32>
      %gt3A_359 = arith.constant 5.000000e-01 : f32
      %gt3A_360 = vector.broadcast %gt3A_359 : f32 to vector<16x128xf32>
      %gt3A_361 = arith.cmpf ogt, %div3A_358, %gt3A_360 : vector<16x128xf32>
      %broadcast_in_dim3A_362 = vector.broadcast %scan3A_179 : f32 to vector<16x128xf32>
      %select_n3A_363 = arith.select %gt3A_361, %broadcast_in_dim3A_362, %scan3A_189 : vector<16x128xi1>, vector<16x128xf32>
      scf.yield %select_n3A_363, %select_n3A_334 : vector<16x128xf32>, vector<128x8xf32>
    }
    %scan3A_185 = arith.constant 100 : i32
    %slice3A = vector.extract_strided_slice %scan3A_184#1 {offsets = [0, 0], sizes = [100, 5], strides = [1, 1]} : vector<128x8xf32> to vector<100x5xf32>
    %swap3A = arith.constant 0 : index
    %swap3A_186 = arith.constant 0 : index
    %swap3A_187 = vector.load %arg10[%swap3A, %swap3A_186] : memref<100x5xf32, #tpu.memory_space<vmem>>, vector<100x5xf32>
    tpu.vector_store %arg10[%swap3A, %swap3A_186], %slice3A {strides = array<i32>} : memref<100x5xf32, #tpu.memory_space<vmem>>, vector<100x5xf32>,
    return
  }
}

</mosaic_0001>

<sc_bundles>
// kernel: kernel.6.cloned.1.call-start
scs
__scs_entry_jumppad:
0x0: {  	(pc) =	sbr.rel $0x88, $3  }
0x1: {  	(tag) =	ssettag $0x0;
	lr =	simm.s32 $0x1  }
0x2: {  	[smem:$0x3F9E] =	sst lr;
	_ =	strace $0xD0000000  }
0x3: {  	_ = 	snop  }
0x4: {  	_ = 	snop  }
0x5: {  	_ = 	snop  }
0x6: {  	_ = 	snop  }
0x7: {  	_ = 	snop  }
__scs_overlays_trampoline_lowered:
0x8: {  	[smem:$0x3FAD] =	sst s0  }
0x9: {  	[smem:$0x3FAE] =	sst s1  }
0xa: {  	[smem:$0x3FAF] =	sst s2  }
0xb: {  	[smem:$0x3FB0] =	sst s3  }
0xc: {  	[smem:$0x3FB1] =	sst s4  }
0xd: {  	[smem:$0x3FB2] =	sst s5  }
0xe: {  	[smem:$0x3FB3] =	sst s6  }
0xf: {  	[smem:$0x3FB4] =	sst s7  }
0x10: {  	[smem:$0x3FB5] =	sst s8  }
0x11: {  	[smem:$0x3FB6] =	sst s9;
	s0 =	simm.s32 @!p0 $0x0  }
0x12: {  	s1 =	sld [smem:$0x3F9C];
	s0 =	simm.s32 @p0 $0x1  }
0x13: {  	[smem:$0x3FB7] =	sst s0;
	s0 =	simm.s32 @!p1 $0x0  }
0x14: {  	s2 =	sld [smem:$0x3F9B];
	s0 =	simm.s32 @p1 $0x1  }
0x15: {  	[smem:$0x3FB8] =	sst s0;
	s0 =	simm.s32 @!p2 $0x0  }
0x16: {  	s3 =	sld [smem:$0x3FDB];
	s0 =	simm.s32 @p2 $0x1  }
0x17: {  	s4 =	simm.s32 $0x1BF5;
	[smem:$0x3FBA] =	sst s0  }
0x18: {  	s0 =	sld [smem:$0x3F9D];
	_ =	swait.ge [sflag:s4], $0x0  }
0x19: {  	s7 =	sld [smem:$0x3F9E]  }
0x1a: {  	s8 =	sadd.s32 $0xFFFFE003, lr  }
0x1b: {  	s9 =	sadd.s32 $0xFFFFFEF7, lr;
	s5 =	simm.s32 $0xFFFFFFFF;
	p2 =	slt.u32 s8, $0xFFFFF086  }
0x1c: {  	p1 =	slt.u32 s9, $0xF7A;
	s5 =	simm.s32 @!p2 $0x0  }
0x1d: {  	s5 =	simm.s32 @p1 $0x1;
	p0 =	seq.s32 s7, s2  }
0x1e: {  	s7 =	smul.u32 @!p0 $0xF7A, s2;
	p2 =	seq.s32 @!p0 s5, $0x0  }
0x1f: {  	s9 =	smul.u32 $0xF7A, s1;
	s8 =	simm.s32 @!p0 $0x1BF5;
	p2 =	por !p2, p0  }
0x20: {  	[sflag:s8] =	ssyncset.s32 @!p0 $0xFFFFF086;
	s6 =	sadd.s32 @!p0 s3, s7;
	s7 =	simm.s32 @!p0 $0x108  }
0x21: {  	s3 =	sadd.s32 s3, s9;
	s6 =	sadd.s32 @!p0 $0x88, s6;
	s7 =	simm.s32 @p2 $0x1082  }
0x22: {  	[simem:s7], [sflag:s8] =	dma.local @!p0 [hbm:s6], $0xF7A  }
0x23: {  	s9 =	sor.u32 $0xD0000000, s2;
	s6 =	simm.s32 $0x108;
	_ =	swait.ge @!p0 [sflag:s8], $0x0  }
0x24: {  	s3 =	sadd.s32 $0x88, s3;
	s6 =	simm.s32 @!p1 $0x1082;
	[sflag:s4] =	ssyncset.s32 $0xFFFFF086  }
0x25: {  	[simem:s6], [sflag:s4] =	dma.local [hbm:s3], $0xF7A  }
0x26: {  	[smem:$0x3F9E] =	sst s1;
	(tag) =	ssettag s2;
	_ =	strace s9  }
0x27: {  	s1 =	sld [smem:$0x3FAE]  }
0x28: {  	s2 =	sld [smem:$0x3FAF]  }
0x29: {  	s4 =	sld [smem:$0x3FB1]  }
0x2a: {  	p0 =	seq.s32 s5, $0x0;
	s5 =	sld [smem:$0x3FB2]  }
0x2b: {  	s6 =	sld [smem:$0x3FB3]  }
0x2c: {  	s7 =	sld [smem:$0x3FB4]  }
0x2d: {  	s3 =	simm.s32 $0x108;
	s8 =	sld [smem:$0x3FB5]  }
0x2e: {  	s3 =	simm.s32 @!p0 $0x1082;
	s9 =	sld [smem:$0x3FB6]  }
0x2f: {  	lr =	sadd.s32 s0, s3;
	s0 =	sld [smem:$0x3FAD]  }
0x30: {  	s3 =	sld [smem:$0x3FB0]  }
0x31: {  	[smem:$0x3FB9] =	sst s10  }
0x32: {  	s10 =	sld [smem:$0x3FB7];
	_ =	sdelay $0x3  }
0x33: {  	p0 =	seq.s32 s10, $0x1;
	s10 =	sld [smem:$0x3FB9];
	_ =	sdelay $0x3  }
0x34: {  	[smem:$0x3FB9] =	sst s10  }
0x35: {  	s10 =	sld [smem:$0x3FB8];
	_ =	sdelay $0x3  }
0x36: {  	p1 =	seq.s32 s10, $0x1;
	s10 =	sld [smem:$0x3FB9];
	_ =	sdelay $0x3  }
0x37: {  	[smem:$0x3FB9] =	sst s10  }
0x38: {  	s10 =	sld [smem:$0x3FBA]  }
0x39: {  	_ = 	snop;
	(pc) =	sbr.ind lr, $3  }
0x3a: {  	_ = 	snop  }
0x3b: {  	_ = 	snop  }
0x3c: {  	p2 =	seq.s32 s10, $0x1;
	s10 =	sld [smem:$0x3FB9]  }
0x3d: {  	_ =	shalt  }
0x3e: {  	_ =	shalt  }
0x3f: {  	_ =	shalt  }
0x40: {  	_ =	shalt  }
0x41: {  	_ =	shalt  }
0x42: {  	_ =	shalt  }
0x43: {  	_ =	shalt  }
0x44: {  	_ =	shalt  }
0x45: {  	_ =	shalt  }
0x46: {  	_ =	shalt  }
0x47: {  	_ =	shalt  }
0x48: {  	_ =	shalt  }
0x49: {  	_ =	shalt  }
0x4a: {  	_ =	shalt  }
0x4b: {  	_ =	shalt  }
0x4c: {  	_ =	shalt  }
0x4d: {  	_ =	shalt  }
0x4e: {  	_ =	shalt  }
0x4f: {  	_ =	shalt  }
0x50: {  	_ =	shalt  }
0x51: {  	_ =	shalt  }
0x52: {  	_ =	shalt  }
0x53: {  	_ =	shalt  }
0x54: {  	_ =	shalt  }
0x55: {  	_ =	shalt  }
0x56: {  	_ =	shalt  }
0x57: {  	_ =	shalt  }
0x58: {  	_ =	shalt  }
0x59: {  	_ =	shalt  }
0x5a: {  	_ =	shalt  }
0x5b: {  	_ =	shalt  }
0x5c: {  	_ =	shalt  }
0x5d: {  	_ =	shalt  }
0x5e: {  	_ =	shalt  }
0x5f: {  	_ =	shalt  }
0x60: {  	_ =	shalt  }
0x61: {  	_ =	shalt  }
0x62: {  	_ =	shalt  }
0x63: {  	_ =	shalt  }
0x64: {  	_ =	shalt  }
0x65: {  	_ =	shalt  }
0x66: {  	_ =	shalt  }
0x67: {  	_ =	shalt  }
0x68: {  	_ =	shalt  }
0x69: {  	_ =	shalt  }
0x6a: {  	_ =	shalt  }
0x6b: {  	_ =	shalt  }
0x6c: {  	_ =	shalt  }
0x6d: {  	_ =	shalt  }
0x6e: {  	_ =	shalt  }
0x6f: {  	_ =	shalt  }
0x70: {  	_ =	shalt  }
0x71: {  	_ =	shalt  }
0x72: {  	_ =	shalt  }
0x73: {  	_ =	shalt  }
0x74: {  	_ =	shalt  }
0x75: {  	_ =	shalt  }
0x76: {  	_ =	shalt  }
0x77: {  	_ =	shalt  }
0x78: {  	_ =	shalt  }
0x79: {  	_ =	shalt  }
0x7a: {  	_ =	shalt  }
0x7b: {  	_ =	shalt  }
0x7c: {  	_ =	shalt  }
0x7d: {  	_ =	shalt  }
0x7e: {  	_ =	shalt  }
0x7f: {  	_ =	shalt  }
0x80: {  	_ =	shalt  }
0x81: {  	_ =	shalt  }
0x82: {  	_ =	shalt  }
0x83: {  	_ =	shalt  }
0x84: {  	_ =	shalt  }
0x85: {  	_ =	shalt  }
0x86: {  	_ =	shalt  }
0x87: {  	_ =	shalt  }
.Lfunc_end0:
.L_simem_size_0:
called_computation_lowered:
.L_overlay_start_0:
0x88: {  	s2 =	sld [smem:$0x3FD9]  }
0x89: {  	s3 =	sld [smem:$0x3FFE];
	_ =	sdelay $0x1  }
0x8a: {  	s1 =	srdreg.scid  }
0x8b: {  	s0 =	sand.u32 $0x1, s1  }
0x8c: {  	s16 =	sshll.u32 s0, $0xA;
	s2 =	sadd.s32 s3, s2  }
0x8d: {  	s2 =	sadd.s32 s2, s16  }
0x8e: {  	[smem:$0x3FC5] =	sst s2  }
0x8f: {  	_ = 	snop  }
0x90: {  	(tm) =	ssettm $0x1  }
0x91: {  	s17 =	sld [smem:$0x3FFB];
	_ =	sdelay $0x3  }
0x92: {  	_ =	strace s17  }
0x93: {  	s2 =	sld [smem:$0x3FFC];
	_ =	sdelay $0x3  }
0x94: {  	_ =	strace s2  }
0x95: {  	s2 =	sld [smem:$0x3FFD];
	_ =	sdelay $0x3  }
0x96: {  	_ =	strace s2  }
0x97: {  	_ =	strace $0x8FFFFFFF  }
0x98: {  	s18 =	sld [smem:$0x3FDB];
	_ =	sdelay $0x1  }
0x99: {  	s19 =	simm.s32 $_scs_section_size  }
0x9a: {  	s4 =	simm.s32 $_size__tile_overlayer_lowered;
	s5 =	simm.s32 $_tile_overlayer_lowered  }
0x9b: {  	s22 =	simm.s32 $0x1BFF;
	s21 =	sshll.u32 s5, $0x1;
	s2 =	sadd.s32 s19, s18  }
0x9c: {  	s6 =	simm.s32 $0x0;
	s20 =	sshll.u32 s4, $0x1;
	s4 =	sadd.s32 s21, s2  }
0x9d: {  	[timem:s6], [sflag:s22] =	dma.local [hbm:s4], s20  }
0x9e: {  	_ =	swait.ge [sflag:s22], s20  }
0x9f: {  	s3 =	ssub.s32 $0x0, s20;
	[sflag:s22] =	ssyncset.done $0x0  }
0xa0: {  	[sflag:s22] =	ssyncadd.s32 s3;
	_ =	sdelay $0x1  }
0xa1: {  	s23 =	simm.s32 $0x1B8B  }
0xa2: {  	_ =	swait.ge [sflag:s23], $0x1  }
0xa3: {  	[sflag:s23] =	ssyncset.done $0x0  }
0xa4: {  	s25 =	simm.s32 $0x1B8E;
	s24 =	sld [smem:$0x3FFE];
	[sflag:s23] =	ssyncadd.s32 $0xFFFFFFFF  }
0xa5: {  	s26 =	simm.s32 $execute0_lowered;
	[smem:$0x3FD2] =	sst s25  }
0xa6: {  	s4 =	sshll.u32 s26, $0x1;
	_ =	strace $0x80000046;
	[dreg:$0x1] =	wrdreg $0xFFFFFFFF  }
0xa7: {  	s28 =	simm.s32 $_size_execute0_lowered;
	s2 =	sadd.s32 s2, s4;
	[dreg:$0x0] =	wrdreg $0x0  }
0xa8: {  	s4 =	sshll.u32 s28, $0x1;
	[dreg:$0x2] =	wrdreg s2  }
0xa9: {  	[dreg:$0x3] =	wrdreg s4  }
0xaa: {  	[dreg:$0x4] =	wrdreg $0xC0  }
0xab: {  	_ =	task [dreg:s6], $0x5FFFF  }
0xac: {  	[dreg:$0x1] =	wrdreg $0xFFFFFFFF  }
0xad: {  	[dreg:$0x0] =	wrdreg $0x60  }
0xae: {  	[dreg:$0x2] =	wrdreg s24  }
0xaf: {  	[dreg:$0x3] =	wrdreg $0x9  }
0xb0: {  	_ =	task.clear_ibuf [dreg:s6], $0x4FFFF;
	_ =	strace $0x90000046  }
0xb1: {  	s29 =	simm.s32 $0x9;
	_ =	strace $0x80000048  }
0xb2: {  	_ =	swait.ge [sflag:s29], $0x1  }
0xb3: {  	[sflag:s29] =	ssyncadd.s32 $0xFFFFFFFF  }
0xb4: {  	_ =	strace $0x90000048  }
0xb5: {  	_ =	sfence  }
0xb6: {  	s30 =	sld [smem:$0x0];
	_ =	sdelay $0x2  }
0xb7: {  	s31 =	sshll.u32 s1, $0xD;
	s1 =	sshrl.u32 s1, $0x2  }
0xb8: {  	s3 =	sand.u32 $0x4000, s31;
	s1 =	sadd.s32 s1, s30  }
0xb9: {  	s0 =	sor.u32 s3, s0;
	s1 =	sshll.u32 s1, $0x11  }
0xba: {  	s0 =	sor.u32 s1, s0  }
0xbb: {  	s0 =	sadd.s32 $0x8F2B, s0  }
0xbc: {  	[sflag:s0] =	ssyncadd.remote.s32 $0x1  }
0xbd: {  	_ =	sfence.sel $0xFFFF  }
0xbe: {  	[dreg:$0x0] =	wrdreg $0xFFFFFFFF;
	(pc) =	sbr.abs _section_cstart, $3  }
0xbf: {  	[dreg:$0x1] =	wrdreg $0xFFFFFFFF  }
0xc0: {  	_ =	task.clear_ibuf [dreg:s6], $0x2FFFF;
	_ =	strace $0x9FFFFFFF  }
0xc1: {  	(tm) =	ssettm $0x7FFFFFFF  }
tec
execute0_lowered:
.L_overlay_start_1:
0x0: {  	(tag) =	ssettag $0x1  }
0x1: {  	s3 =	rddreg [dreg:$0x0]  }
0x2: {  	s0 =	rddreg [dreg:$0x1]  }
0x3: {  	s2 =	simm.s32 $0x0;
	s4 =	srdreg.scid;
	s1 =	stileid.u32  }
0x4: {  	s8 =	simm.s32 $0x80;
	s9 =	simm.s32 $0x400;
	s10 =	simm.s32 $0x0  }
0x5: {  	[smem:$0x7FF] =	sst s2;
	s4 =	sand.u32 $0x1, s4;
	s5 =	sshll.u32 s1, $0x1  }
0x6: {  	s6 =	sshll.u32 s1, $0xD;
	_ =	strace $0x80000047;
	s5 =	sor.u32 s4, s5  }
0x7: {  	s6 =	sand.u32 $0x18000, s6;
	s4 =	ssub.s32 $0x2, s4;
	s7 =	smul.u32 $0x186A, s5  }
0x8: {  	s5 =	sshll.u32 s5, $0x4;
	s6 =	sadd.s32 s6, s3;
	s30 =	sshrl.u32 s4, $0x1  }
0x9: {  	s5 =	sand.u32 $0x70, s5;
	s31 =	ssub.s32 s4, s30;
	s3 =	sadd.s32 s7, s3  }
0xa: {  	s5 =	sadd.s32 s5, s6;
	s6 =	simm.s32 $0x1;
	s7 =	simm.s32 $0xC380  }
0xb: {  	v0 =	vimm.s32 $0x0;
	v1 =	vimm.s32 $0x1;
	v2 =	vlaneseq.u32;
	s3 =	sadd.s32 $0x138800, s3;
	s4 =	sadd.s32 $0x169600, s5;
	s5 =	smax.u32 s31, $0x1  }
.LBB2_1:
0xc: {  	[tilespmem:s2], [sflag:$0x1] =	stream.linear.gather [hbm4b:s3+s2], $0xC350, $0x38;
	[tilespmem:$0x14380] =	vst v63  }
0xd: {  	_ =	swait.ge [sflag:s6], $0xC350  }
0xe: {  	[sflag:s6] =	ssyncset.done $0x0  }
0xf: {  	s11 =	simm.s32 $0x0;
	[sflag:s6] =	ssyncadd.s32 $0xFFFF3CB0  }
.LBB2_2:
0x10: {  	p0 =	sne.s32 s11, $0x1FFC0  }
.Ltmp0:
0x11: {  	_ = 	snop;
	(pc) =	sbr.rel @p0 .LBB2_2-.Ltmp0, $3  }
0x12: {  	_ =	sdelay $0x1  }
0x13: {  	s12 =	sshra.s32 s11, $0x2  }
0x14: {  	s11 =	sadd.s32 $0x40, s11;
	[tilespmem:s12+$0xC380] =	vst v0  }
0x15: {  	s11 =	simm.s32 $0x40  }
0x16: {  	v3 =	vld [tilespmem:s11+$0x30]  }
0x17: {  	v4 =	vld [tilespmem:s11+$0xFFFFFFD0]  }
0x18: {  	v5 =	vld [tilespmem:s11+$0xFFFFFFE0]  }
0x19: {  	v6 =	vld [tilespmem:s11+$0xFFFFFFF0]  }
0x1a: {  	v7 =	vld [tilespmem:s11+$0x0]  }
0x1b: {  	v8 =	vld [tilespmem:s11+$0x10]  }
0x1c: {  	v9 =	vld [tilespmem:s11+$0x20]  }
0x1d: {  	v10 =	vld [tilespmem:s11+$0xFFFFFFC0]  }
0x1e: {  	v3 =	vadd.f32 $-9.999999770e-03, v3;
	v4 =	vadd.f32 $-9.999999770e-03, v4  }
0x1f: {  	v5 =	vadd.f32 $-9.999999770e-03, v5;
	v6 =	vadd.f32 $-9.999999770e-03, v6  }
0x20: {  	v7 =	vadd.f32 $-9.999999770e-03, v7;
	v8 =	vadd.f32 $-9.999999770e-03, v8  }
0x21: {  	v9 =	vadd.f32 $-9.999999770e-03, v9;
	v3 =	vmul.f32 $2.066666750e+03, v3;
	v4 =	vmul.f32 $2.066666750e+03, v4  }
0x22: {  	v10 =	vadd.f32 $-9.999999770e-03, v10;
	v5 =	vmul.f32 $2.066666750e+03, v5;
	v6 =	vmul.f32 $2.066666750e+03, v6  }
0x23: {  	v7 =	vmul.f32 $2.066666750e+03, v7;
	v8 =	vmul.f32 $2.066666750e+03, v8  }
0x24: {  	v9 =	vmul.f32 $2.066666750e+03, v9;
	v10 =	vmul.f32 $2.066666750e+03, v10  }
0x25: {  	v3 =	vtrunc.f32 v3;
	v4 =	vtrunc.f32 v4  }
0x26: {  	v5 =	vtrunc.f32 v5;
	v6 =	vtrunc.f32 v6  }
0x27: {  	v7 =	vtrunc.f32 v7;
	v8 =	vtrunc.f32 v8  }
0x28: {  	v10 =	vtrunc.f32 v10;
	v3 =	vcvt.f32.s32 v3  }
0x29: {  	v9 =	vtrunc.f32 v9;
	v10 =	vcvt.f32.s32 v10  }
0x2a: {  	v4 =	vcvt.f32.s32 v4;
	v5 =	vcvt.f32.s32 v5;
	v3 =	vadd.s32 $0x1, v3  }
0x2b: {  	v6 =	vcvt.f32.s32 v6;
	v7 =	vcvt.f32.s32 v7;
	vm0 =	vgt.s32 v3, $0x0  }
0x2c: {  	v8 =	vcvt.f32.s32 v8;
	v9 =	vcvt.f32.s32 v9;
	v3 =	vnsel vm0, $0x0, v3  }
0x2d: {  	v10 =	vadd.s32 $0x1, v10;
	v4 =	vadd.s32 $0x1, v4;
	v3 =	vmin.u32 v3, $0x7FF  }
0x2e: {  	v5 =	vadd.s32 $0x1, v5;
	v11 =	vadd.s32 $0x1, v6;
	v3 =	vshll.u32 v3, $0x4  }
0x2f: {  	v7 =	vadd.s32 $0x1, v7;
	v12 =	vadd.s32 $0x1, v8;
	v3 =	vor.u32 v2, v3  }
0x30: {  	v13 =	vadd.s32 $0x1, v9;
	vm13 =	vgt.s32 v10, $0x0;
	vm1 =	vgt.s32 v4, $0x0  }
0x31: {  	vm2 =	vgt.s32 v5, $0x0;
	vm3 =	vgt.s32 v11, $0x0;
	vm4 =	vgt.s32 v7, $0x0  }
0x32: {  	vm14 =	vgt.s32 v12, $0x0;
	vm15 =	vgt.s32 v13, $0x0;
	v6 =	vnsel vm13, $0x0, v10  }
0x33: {  	v8 =	vnsel vm1, $0x0, v4;
	v9 =	vnsel vm2, $0x0, v5;
	v5 =	vnsel vm3, $0x0, v11  }
0x34: {  	s12 =	simm.s32 $0xC0;
	s11 =	simm.s32 $0x0;
	v7 =	vnsel vm4, $0x0, v7;
	v4 =	vnsel vm14, $0x0, v12;
	[tilespmem:v3+s7+$0x0] =	vst.idx.add.s32.msk $0xffff, v1;
	v3 =	vnsel vm15, $0x0, v13  }
.LBB2_4:
0x35: {  	v10 =	vld [tilespmem:s12+$0x30];
	s11 =	sadd.s32 $0x8, s11;
	v6 =	vmin.u32 v6, $0x7FF;
	v8 =	vmin.u32 v8, $0x7FF;
	v9 =	vmin.u32 v9, $0x7FF  }
0x36: {  	v5 =	vmin.u32 v5, $0x7FF;
	v7 =	vmin.u32 v7, $0x7FF;
	v4 =	vmin.u32 v4, $0x7FF;
	v11 =	vld [tilespmem:s12+$0xFFFFFFD0];
	p0 =	slt.u32 s11, $0xC28  }
0x37: {  	v3 =	vmin.u32 v3, $0x7FF;
	v6 =	vshll.u32 v6, $0x4;
	v8 =	vshll.u32 v8, $0x4;
	v12 =	vld [tilespmem:s12+$0xFFFFFFE0]  }
0x38: {  	v9 =	vshll.u32 v9, $0x4;
	v5 =	vshll.u32 v5, $0x4;
	v7 =	vshll.u32 v7, $0x4;
	v13 =	vld [tilespmem:s12+$0xFFFFFFF0]  }
0x39: {  	v4 =	vshll.u32 v4, $0x4;
	v3 =	vshll.u32 v3, $0x4;
	v6 =	vor.u32 v2, v6;
	v14 =	vld [tilespmem:s12+$0x0]  }
0x3a: {  	v8 =	vor.u32 v2, v8;
	v9 =	vor.u32 v2, v9;
	v15 =	vld [tilespmem:s12+$0x10];
	v10 =	vadd.f32 $-9.999999770e-03, v10  }
0x3b: {  	v5 =	vor.u32 v2, v5;
	v7 =	vor.u32 v2, v7;
	v11 =	vadd.f32 $-9.999999770e-03, v11;
	v16 =	vld [tilespmem:s12+$0x20]  }
0x3c: {  	v4 =	vor.u32 v2, v4;
	v17 =	vld [tilespmem:s12+$0xFFFFFFC0];
	v12 =	vadd.f32 $-9.999999770e-03, v12;
	v10 =	vmul.f32 $2.066666750e+03, v10  }
0x3d: {  	v3 =	vor.u32 v2, v3;
	v11 =	vmul.f32 $2.066666750e+03, v11;
	v13 =	vadd.f32 $-9.999999770e-03, v13  }
0x3e: {  	v12 =	vmul.f32 $2.066666750e+03, v12;
	v14 =	vadd.f32 $-9.999999770e-03, v14;
	v10 =	vtrunc.f32 v10;
	[tilespmem:v6+s7+$0x0] =	vst.idx.add.s32.msk $0xffff, v1  }
0x3f: {  	v6 =	vmul.f32 $2.066666750e+03, v13;
	v13 =	vadd.f32 $-9.999999770e-03, v15;
	v10 =	vcvt.f32.s32 v10;
	[tilespmem:v8+s7+$0x0] =	vst.idx.add.s32.msk $0xffff, v1  }
0x40: {  	v8 =	vtrunc.f32 v11;
	v11 =	vmul.f32 $2.066666750e+03, v14;
	v14 =	vadd.f32 $-9.999999770e-03, v16;
	[tilespmem:v9+s7+$0x0] =	vst.idx.add.s32.msk $0xffff, v1  }
0x41: {  	v9 =	vadd.f32 $-9.999999770e-03, v17;
	v13 =	vmul.f32 $2.066666750e+03, v13;
	v10 =	vadd.s32 $0x1, v10;
	[tilespmem:v5+s7+$0x0] =	vst.idx.add.s32.msk $0xffff, v1  }
0x42: {  	v5 =	vtrunc.f32 v12;
	v12 =	vmul.f32 $2.066666750e+03, v14;
	vm0 =	vgt.s32 v10, $0x0;
	[tilespmem:v7+s7+$0x0] =	vst.idx.add.s32.msk $0xffff, v1  }
0x43: {  	v6 =	vtrunc.f32 v6;
	v7 =	vmul.f32 $2.066666750e+03, v9;
	v9 =	vnsel vm0, $0x0, v10;
	[tilespmem:v4+s7+$0x0] =	vst.idx.add.s32.msk $0xffff, v1  }
0x44: {  	v4 =	vtrunc.f32 v11;
	v10 =	vtrunc.f32 v13;
	v9 =	vmin.u32 v9, $0x7FF;
	[tilespmem:v3+s7+$0x0] =	vst.idx.add.s32.msk $0xffff, v1  }
0x45: {  	v3 =	vtrunc.f32 v7;
	v7 =	vtrunc.f32 v12;
	v9 =	vshll.u32 v9, $0x4  }
0x46: {  	v8 =	vcvt.f32.s32 v8;
	v3 =	vcvt.f32.s32 v3;
	v9 =	vor.u32 v2, v9  }
0x47: {  	v5 =	vcvt.f32.s32 v5;
	v6 =	vcvt.f32.s32 v6  }
0x48: {  	v4 =	vcvt.f32.s32 v4;
	v10 =	vcvt.f32.s32 v10;
	v3 =	vadd.s32 $0x1, v3  }
0x49: {  	v8 =	vadd.s32 $0x1, v8;
	v5 =	vadd.s32 $0x1, v5;
	v7 =	vcvt.f32.s32 v7  }
0x4a: {  	v11 =	vadd.s32 $0x1, v6;
	v4 =	vadd.s32 $0x1, v4;
	v10 =	vadd.s32 $0x1, v10  }
.Ltmp1:
0x4b: {  	s13 =	simm.s32 $0x0;
	vm1 =	vgt.s32 v8, $0x0;
	v12 =	vadd.s32 $0x1, v7;
	vm0 =	vgt.s32 v3, $0x0;
	[tilespmem:v9+s7+$0x0] =	vst.idx.add.s32.msk $0xffff, v1;
	(pc) =	sbr.rel @p0 .LBB2_4-.Ltmp1, $4  }
0x4c: {  	vm2 =	vgt.s32 v5, $0x0;
	vm3 =	vgt.s32 v11, $0x0;
	vm4 =	vgt.s32 v4, $0x0  }
0x4d: {  	vm5 =	vgt.s32 v12, $0x0;
	v6 =	vnsel vm0, $0x0, v3;
	vm0 =	vgt.s32 v10, $0x0  }
0x4e: {  	v8 =	vnsel vm1, $0x0, v8;
	v9 =	vnsel vm2, $0x0, v5;
	v5 =	vnsel vm3, $0x0, v11  }
0x4f: {  	s12 =	sadd.s32 $0x80, s12;
	v7 =	vnsel vm4, $0x0, v4;
	v3 =	vnsel vm5, $0x0, v12;
	v4 =	vnsel vm0, $0x0, v10  }
0x50: {  	v6 =	vmin.u32 v6, $0x7FF  }
0x51: {  	v8 =	vmin.u32 v8, $0x7FF;
	v6 =	vshll.u32 v6, $0x4  }
0x52: {  	v9 =	vmin.u32 v9, $0x7FF;
	v8 =	vshll.u32 v8, $0x4;
	v6 =	vor.u32 v2, v6  }
0x53: {  	v5 =	vmin.u32 v5, $0x7FF;
	v9 =	vshll.u32 v9, $0x4;
	v8 =	vor.u32 v2, v8  }
0x54: {  	v7 =	vmin.u32 v7, $0x7FF;
	v5 =	vshll.u32 v5, $0x4;
	v9 =	vor.u32 v2, v9  }
0x55: {  	v4 =	vmin.u32 v4, $0x7FF;
	v7 =	vshll.u32 v7, $0x4;
	v5 =	vor.u32 v2, v5  }
0x56: {  	v3 =	vmin.u32 v3, $0x7FF;
	v4 =	vshll.u32 v4, $0x4;
	v7 =	vor.u32 v2, v7  }
0x57: {  	v3 =	vshll.u32 v3, $0x4;
	v4 =	vor.u32 v2, v4;
	[tilespmem:v6+s7+$0x0] =	vst.idx.add.s32.msk $0xffff, v1  }
0x58: {  	v3 =	vor.u32 v2, v3;
	[tilespmem:v8+s7+$0x0] =	vst.idx.add.s32.msk $0xffff, v1  }
0x59: {  	[tilespmem:v9+s7+$0x0] =	vst.idx.add.s32.msk $0xffff, v1  }
0x5a: {  	[tilespmem:v5+s7+$0x0] =	vst.idx.add.s32.msk $0xffff, v1  }
0x5b: {  	[tilespmem:v7+s7+$0x0] =	vst.idx.add.s32.msk $0xffff, v1  }
0x5c: {  	[tilespmem:v4+s7+$0x0] =	vst.idx.add.s32.msk $0xffff, v1  }
0x5d: {  	[tilespmem:v3+s7+$0x0] =	vst.idx.add.s32.msk $0xffff, v1  }
.LBB2_6:
0x5e: {  	s11 =	sshra.s32 s13, $0x2  }
0x5f: {  	v3 =	vld [tilespmem:s11+$0xC300];
	_ =	sdelay $0x4  }
0x60: {  	v3 =	vadd.f32 $-9.999999770e-03, v3;
	_ =	sdelay $0x1  }
0x61: {  	v3 =	vmul.f32 $2.066666750e+03, v3;
	_ =	sdelay $0x1  }
0x62: {  	v3 =	vtrunc.f32 v3  }
0x63: {  	v3 =	vcvt.f32.s32 v3;
	_ =	sdelay $0x1  }
0x64: {  	v3 =	vadd.s32 $0x1, v3  }
0x65: {  	vm0 =	vgt.s32 v3, $0x0  }
0x66: {  	v3 =	vnsel vm0, $0x0, v3  }
0x67: {  	v3 =	vmin.u32 v3, $0x7FF  }
0x68: {  	v3 =	vshll.u32 v3, $0x4  }
0x69: {  	p0 =	sne.s32 s13, $0x100;
	v3 =	vor.u32 v2, v3  }
.Ltmp2:
0x6a: {  	_ = 	snop;
	(pc) =	sbr.rel @p0 .LBB2_6-.Ltmp2, $2  }
0x6b: {  	_ =	sdelay $0x2  }
0x6c: {  	s13 =	sadd.s32 $0x40, s13;
	[tilespmem:v3+s7+$0x0] =	vst.idx.add.s32.msk $0xffff, v1  }
0x6d: {  	s10 =	sadd.s32 $0x1, s10  }
0x6e: {  	p0 =	sne.s32 s10, s5  }
.Ltmp3:
0x6f: {  	_ = 	snop;
	(pc) =	sbr.rel @p0 .LBB2_1-.Ltmp3, $4  }
0x70: {  	[hbm4b:s4+s8] =	stream.strided.scatter [tilespmem:s7], [sflag:$0x1], $0x8000, s9, s8, $0x38;
	[tilespmem:$0x14380] =	vst v63  }
0x71: {  	_ =	swait.ge [sflag:s6], $0x8000  }
0x72: {  	[sflag:s6] =	ssyncset.done $0x0  }
0x73: {  	[sflag:s6] =	ssyncadd.s32 $0xFFFF8000  }
0x74: {  	_ =	sfence.sel $0x180000  }
0x75: {  	[bflag:$0x0] =	sbarrier.arrive $0xFFFF  }
0x76: {  	p0 =	sne.s32 s1, $0x0;
	_ =	strace $0x90000047  }
0x77: {  	s0 =	sadd.s32 @!p0 $0x100000, s0;
	[bflag:$0x2] =	sbarrier.arrive $0xFFFF  }
0x78: {  	[sflag:s0] =	ssyncadd.tile.s32 @!p0 $0x1;
	_ =	shalt  }
.Lfunc_end2:
_tile_overlayer_lowered:
.L_overlay_start_2:
0x79: {  	(tag) =	ssettag $0x2  }
0x7a: {  	s0 =	rddreg [dreg:$0x0];
	s2 =	stileid.u32  }
0x7b: {  	s1 =	rddreg [dreg:$0x1];
	p0 =	sne.s32 s2, $0x0  }
0x7c: {  	s3 =	rddreg [dreg:$0x2];
	[bflag:$0x3] =	sbarrier.arrive $0xFFFF;
	s2 =	simm.s32 @!p0 $0x1C01  }
0x7d: {  	[timem:s3], [sflag:s2] =	dma.local @!p0 [hbm:s0], s1  }
0x7e: {  	s0 =	simm.s32 @!p0 $0x1  }
0x7f: {  	_ =	swait.ge @!p0 [sflag:s0], s1  }
0x80: {  	s1 =	ssub.s32 @!p0 $0x0, s1;
	[sflag:s0] =	ssyncset.done @!p0 $0x0  }
0x81: {  	[sflag:s0] =	ssyncadd.s32 @!p0 s1  }
0x82: {  	[bflag:$0x3] =	sbarrier.arrive $0xFFFF  }
0x83: {  	_ =	shalt  }

// kernel: kernel.9.cloned.1.call-start
scs
__scs_entry_jumppad:
0x0: {  	(pc) =	sbr.rel $0x88, $3  }
0x1: {  	(tag) =	ssettag $0x0;
	lr =	simm.s32 $0x1  }
0x2: {  	[smem:$0x3F9E] =	sst lr;
	_ =	strace $0xD0000000  }
0x3: {  	_ = 	snop  }
0x4: {  	_ = 	snop  }
0x5: {  	_ = 	snop  }
0x6: {  	_ = 	snop  }
0x7: {  	_ = 	snop  }
__scs_overlays_trampoline_lowered:
0x8: {  	[smem:$0x3FAD] =	sst s0  }
0x9: {  	[smem:$0x3FAE] =	sst s1  }
0xa: {  	[smem:$0x3FAF] =	sst s2  }
0xb: {  	[smem:$0x3FB0] =	sst s3  }
0xc: {  	[smem:$0x3FB1] =	sst s4  }
0xd: {  	[smem:$0x3FB2] =	sst s5  }
0xe: {  	[smem:$0x3FB3] =	sst s6  }
0xf: {  	[smem:$0x3FB4] =	sst s7  }
0x10: {  	[smem:$0x3FB5] =	sst s8  }
0x11: {  	[smem:$0x3FB6] =	sst s9;
	s0 =	simm.s32 @!p0 $0x0  }
0x12: {  	s1 =	sld [smem:$0x3F9C];
	s0 =	simm.s32 @p0 $0x1  }
0x13: {  	[smem:$0x3FB7] =	sst s0;
	s0 =	simm.s32 @!p1 $0x0  }
0x14: {  	s2 =	sld [smem:$0x3F9B];
	s0 =	simm.s32 @p1 $0x1  }
0x15: {  	[smem:$0x3FB8] =	sst s0;
	s0 =	simm.s32 @!p2 $0x0  }
0x16: {  	s3 =	sld [smem:$0x3FDB];
	s0 =	simm.s32 @p2 $0x1  }
0x17: {  	s4 =	simm.s32 $0x1BF5;
	[smem:$0x3FBA] =	sst s0  }
0x18: {  	s0 =	sld [smem:$0x3F9D];
	_ =	swait.ge [sflag:s4], $0x0  }
0x19: {  	s7 =	sld [smem:$0x3F9E]  }
0x1a: {  	s8 =	sadd.s32 $0xFFFFE003, lr  }
0x1b: {  	s9 =	sadd.s32 $0xFFFFFEF7, lr;
	s5 =	simm.s32 $0xFFFFFFFF;
	p2 =	slt.u32 s8, $0xFFFFF086  }
0x1c: {  	p1 =	slt.u32 s9, $0xF7A;
	s5 =	simm.s32 @!p2 $0x0  }
0x1d: {  	s5 =	simm.s32 @p1 $0x1;
	p0 =	seq.s32 s7, s2  }
0x1e: {  	s7 =	smul.u32 @!p0 $0xF7A, s2;
	p2 =	seq.s32 @!p0 s5, $0x0  }
0x1f: {  	s9 =	smul.u32 $0xF7A, s1;
	s8 =	simm.s32 @!p0 $0x1BF5;
	p2 =	por !p2, p0  }
0x20: {  	[sflag:s8] =	ssyncset.s32 @!p0 $0xFFFFF086;
	s6 =	sadd.s32 @!p0 s3, s7;
	s7 =	simm.s32 @!p0 $0x108  }
0x21: {  	s3 =	sadd.s32 s3, s9;
	s6 =	sadd.s32 @!p0 $0x88, s6;
	s7 =	simm.s32 @p2 $0x1082  }
0x22: {  	[simem:s7], [sflag:s8] =	dma.local @!p0 [hbm:s6], $0xF7A  }
0x23: {  	s9 =	sor.u32 $0xD0000000, s2;
	s6 =	simm.s32 $0x108;
	_ =	swait.ge @!p0 [sflag:s8], $0x0  }
0x24: {  	s3 =	sadd.s32 $0x88, s3;
	s6 =	simm.s32 @!p1 $0x1082;
	[sflag:s4] =	ssyncset.s32 $0xFFFFF086  }
0x25: {  	[simem:s6], [sflag:s4] =	dma.local [hbm:s3], $0xF7A  }
0x26: {  	[smem:$0x3F9E] =	sst s1;
	(tag) =	ssettag s2;
	_ =	strace s9  }
0x27: {  	s1 =	sld [smem:$0x3FAE]  }
0x28: {  	s2 =	sld [smem:$0x3FAF]  }
0x29: {  	s4 =	sld [smem:$0x3FB1]  }
0x2a: {  	p0 =	seq.s32 s5, $0x0;
	s5 =	sld [smem:$0x3FB2]  }
0x2b: {  	s6 =	sld [smem:$0x3FB3]  }
0x2c: {  	s7 =	sld [smem:$0x3FB4]  }
0x2d: {  	s3 =	simm.s32 $0x108;
	s8 =	sld [smem:$0x3FB5]  }
0x2e: {  	s3 =	simm.s32 @!p0 $0x1082;
	s9 =	sld [smem:$0x3FB6]  }
0x2f: {  	lr =	sadd.s32 s0, s3;
	s0 =	sld [smem:$0x3FAD]  }
0x30: {  	s3 =	sld [smem:$0x3FB0]  }
0x31: {  	[smem:$0x3FB9] =	sst s10  }
0x32: {  	s10 =	sld [smem:$0x3FB7];
	_ =	sdelay $0x3  }
0x33: {  	p0 =	seq.s32 s10, $0x1;
	s10 =	sld [smem:$0x3FB9];
	_ =	sdelay $0x3  }
0x34: {  	[smem:$0x3FB9] =	sst s10  }
0x35: {  	s10 =	sld [smem:$0x3FB8];
	_ =	sdelay $0x3  }
0x36: {  	p1 =	seq.s32 s10, $0x1;
	s10 =	sld [smem:$0x3FB9];
	_ =	sdelay $0x3  }
0x37: {  	[smem:$0x3FB9] =	sst s10  }
0x38: {  	s10 =	sld [smem:$0x3FBA]  }
0x39: {  	_ = 	snop;
	(pc) =	sbr.ind lr, $3  }
0x3a: {  	_ = 	snop  }
0x3b: {  	_ = 	snop  }
0x3c: {  	p2 =	seq.s32 s10, $0x1;
	s10 =	sld [smem:$0x3FB9]  }
0x3d: {  	_ =	shalt  }
0x3e: {  	_ =	shalt  }
0x3f: {  	_ =	shalt  }
0x40: {  	_ =	shalt  }
0x41: {  	_ =	shalt  }
0x42: {  	_ =	shalt  }
0x43: {  	_ =	shalt  }
0x44: {  	_ =	shalt  }
0x45: {  	_ =	shalt  }
0x46: {  	_ =	shalt  }
0x47: {  	_ =	shalt  }
0x48: {  	_ =	shalt  }
0x49: {  	_ =	shalt  }
0x4a: {  	_ =	shalt  }
0x4b: {  	_ =	shalt  }
0x4c: {  	_ =	shalt  }
0x4d: {  	_ =	shalt  }
0x4e: {  	_ =	shalt  }
0x4f: {  	_ =	shalt  }
0x50: {  	_ =	shalt  }
0x51: {  	_ =	shalt  }
0x52: {  	_ =	shalt  }
0x53: {  	_ =	shalt  }
0x54: {  	_ =	shalt  }
0x55: {  	_ =	shalt  }
0x56: {  	_ =	shalt  }
0x57: {  	_ =	shalt  }
0x58: {  	_ =	shalt  }
0x59: {  	_ =	shalt  }
0x5a: {  	_ =	shalt  }
0x5b: {  	_ =	shalt  }
0x5c: {  	_ =	shalt  }
0x5d: {  	_ =	shalt  }
0x5e: {  	_ =	shalt  }
0x5f: {  	_ =	shalt  }
0x60: {  	_ =	shalt  }
0x61: {  	_ =	shalt  }
0x62: {  	_ =	shalt  }
0x63: {  	_ =	shalt  }
0x64: {  	_ =	shalt  }
0x65: {  	_ =	shalt  }
0x66: {  	_ =	shalt  }
0x67: {  	_ =	shalt  }
0x68: {  	_ =	shalt  }
0x69: {  	_ =	shalt  }
0x6a: {  	_ =	shalt  }
0x6b: {  	_ =	shalt  }
0x6c: {  	_ =	shalt  }
0x6d: {  	_ =	shalt  }
0x6e: {  	_ =	shalt  }
0x6f: {  	_ =	shalt  }
0x70: {  	_ =	shalt  }
0x71: {  	_ =	shalt  }
0x72: {  	_ =	shalt  }
0x73: {  	_ =	shalt  }
0x74: {  	_ =	shalt  }
0x75: {  	_ =	shalt  }
0x76: {  	_ =	shalt  }
0x77: {  	_ =	shalt  }
0x78: {  	_ =	shalt  }
0x79: {  	_ =	shalt  }
0x7a: {  	_ =	shalt  }
0x7b: {  	_ =	shalt  }
0x7c: {  	_ =	shalt  }
0x7d: {  	_ =	shalt  }
0x7e: {  	_ =	shalt  }
0x7f: {  	_ =	shalt  }
0x80: {  	_ =	shalt  }
0x81: {  	_ =	shalt  }
0x82: {  	_ =	shalt  }
0x83: {  	_ =	shalt  }
0x84: {  	_ =	shalt  }
0x85: {  	_ =	shalt  }
0x86: {  	_ =	shalt  }
0x87: {  	_ =	shalt  }
.Lfunc_end0:
.L_simem_size_0:
called_computation.1_lowered:
.L_overlay_start_0:
0x88: {  	s2 =	sld [smem:$0x3FD9]  }
0x89: {  	s3 =	sld [smem:$0x3FFE];
	_ =	sdelay $0x1  }
0x8a: {  	s1 =	srdreg.scid  }
0x8b: {  	s0 =	sand.u32 $0x1, s1  }
0x8c: {  	s17 =	sshll.u32 s0, $0xA;
	s2 =	sadd.s32 s3, s2  }
0x8d: {  	s2 =	sadd.s32 s2, s17  }
0x8e: {  	[smem:$0x3FC5] =	sst s2  }
0x8f: {  	_ = 	snop  }
0x90: {  	s2 =	sld [smem:$0x3FD0];
	(tm) =	ssettm $0x1  }
0x91: {  	s18 =	sld [smem:$0x3FFB];
	_ =	sdelay $0x3  }
0x92: {  	_ =	strace s18  }
0x93: {  	s3 =	sld [smem:$0x3FFC];
	_ =	sdelay $0x3  }
0x94: {  	_ =	strace s3  }
0x95: {  	s3 =	sld [smem:$0x3FFD];
	_ =	sdelay $0x3  }
0x96: {  	_ =	strace s3  }
0x97: {  	_ =	strace $0x8FFFFFFF  }
0x98: {  	s19 =	sld [smem:$0x3FDB];
	_ =	sdelay $0x1  }
0x99: {  	s4 =	simm.s32 $_scs_section_size  }
0x9a: {  	s5 =	simm.s32 $_size__tile_overlayer_lowered;
	s6 =	simm.s32 $_tile_overlayer_lowered  }
0x9b: {  	s22 =	simm.s32 $0x1BFF;
	s21 =	sshll.u32 s6, $0x1;
	s3 =	sadd.s32 s4, s19  }
0x9c: {  	s7 =	simm.s32 $0x0;
	s20 =	sshll.u32 s5, $0x1;
	s5 =	sadd.s32 s21, s3  }
0x9d: {  	[timem:s7], [sflag:s22] =	dma.local [hbm:s5], s20  }
0x9e: {  	_ =	swait.ge [sflag:s22], s20  }
0x9f: {  	s4 =	ssub.s32 $0x0, s20;
	[sflag:s22] =	ssyncset.done $0x0  }
0xa0: {  	[sflag:s22] =	ssyncadd.s32 s4;
	_ =	sdelay $0x1  }
0xa1: {  	s23 =	simm.s32 $0x1B8B  }
0xa2: {  	_ =	swait.ge [sflag:s23], $0x1  }
0xa3: {  	[sflag:s23] =	ssyncset.done $0x0  }
0xa4: {  	s25 =	simm.s32 $0x1B8E;
	s24 =	sld [smem:$0x3FFE];
	[sflag:s23] =	ssyncadd.s32 $0xFFFFFFFF  }
0xa5: {  	s26 =	simm.s32 $execute0_lowered;
	[smem:$0x3FD2] =	sst s25  }
0xa6: {  	s5 =	sshll.u32 s26, $0x1;
	_ =	strace $0x80000049;
	[dreg:$0x1] =	wrdreg $0xFFFFFFFF  }
0xa7: {  	s28 =	simm.s32 $_size_execute0_lowered;
	s3 =	sadd.s32 s3, s5;
	[dreg:$0x0] =	wrdreg $0x0  }
0xa8: {  	s5 =	sshll.u32 s28, $0x1;
	[dreg:$0x2] =	wrdreg s3  }
0xa9: {  	[dreg:$0x3] =	wrdreg s5  }
0xaa: {  	[dreg:$0x4] =	wrdreg $0xC0  }
0xab: {  	_ =	task [dreg:s7], $0x5FFFF  }
0xac: {  	[dreg:$0x1] =	wrdreg $0xFFFFFFFF  }
0xad: {  	[dreg:$0x0] =	wrdreg $0x60  }
0xae: {  	[dreg:$0x2] =	wrdreg s24  }
0xaf: {  	[dreg:$0x3] =	wrdreg s2  }
0xb0: {  	[dreg:$0x4] =	wrdreg $0x9  }
0xb1: {  	_ =	task.clear_ibuf [dreg:s7], $0x5FFFF;
	_ =	strace $0x90000049  }
0xb2: {  	s29 =	simm.s32 $0x9;
	_ =	strace $0x8000004B  }
0xb3: {  	_ =	swait.ge [sflag:s29], $0x1  }
0xb4: {  	[sflag:s29] =	ssyncadd.s32 $0xFFFFFFFF  }
0xb5: {  	_ =	strace $0x9000004B  }
0xb6: {  	_ =	sfence  }
0xb7: {  	s30 =	sld [smem:$0x0];
	_ =	sdelay $0x2  }
0xb8: {  	s31 =	sshll.u32 s1, $0xD;
	s1 =	sshrl.u32 s1, $0x2  }
0xb9: {  	s3 =	sand.u32 $0x4000, s31;
	s1 =	sadd.s32 s1, s30  }
0xba: {  	s0 =	sor.u32 s3, s0;
	s1 =	sshll.u32 s1, $0x11  }
0xbb: {  	s0 =	sor.u32 s1, s0  }
0xbc: {  	s0 =	sadd.s32 $0x8F2B, s0  }
0xbd: {  	[sflag:s0] =	ssyncadd.remote.s32 $0x1  }
0xbe: {  	_ =	sfence.sel $0xFFFF  }
0xbf: {  	[dreg:$0x0] =	wrdreg $0xFFFFFFFF;
	(pc) =	sbr.abs _section_cstart, $3  }
0xc0: {  	[dreg:$0x1] =	wrdreg $0xFFFFFFFF  }
0xc1: {  	_ =	task.clear_ibuf [dreg:s7], $0x2FFFF;
	_ =	strace $0x9FFFFFFF  }
0xc2: {  	(tm) =	ssettm $0x7FFFFFFF  }
0xc3: {  	_ =	shalt  }
tec
execute0_lowered:
.L_overlay_start_1:
0x0: {  	(tag) =	ssettag $0x1  }
0x1: {  	s3 =	rddreg [dreg:$0x0];
	s1 =	srdreg.scid  }
0x2: {  	s0 =	stileid.u32;
	s4 =	simm.s32 $0x0;
	s1 =	sand.u32 $0x1, s1  }
0x3: {  	s2 =	sshll.u32 s0, $0x1;
	s15 =	sadd.s32 $0x169600, s3;
	s5 =	sadd.s32 $0x189600, s3  }
0x4: {  	[smem:$0x7FF] =	sst s4;
	s17 =	sadd.s32 $0x16A000, s3;
	s6 =	sadd.s32 $0x16A200, s3  }
0x5: {  	s7 =	sadd.s32 $0x169800, s3;
	_ =	strace $0x8000004A;
	[dreg:$0x3] =	wrdreg s15  }
0x6: {  	s12 =	sshll.u32 s0, $0x6;
	s26 =	smul.u32 $0x186A0, s0;
	[dreg:$0x4] =	wrdreg s5  }
0x7: {  	s2 =	sor.u32 s1, s2;
	s11 =	ssub.s32 $0x2, s1;
	[dreg:$0x5] =	wrdreg s17  }
0x8: {  	s8 =	sshll.u32 s1, $0xA;
	[dreg:$0x6] =	wrdreg s6;
	s1 =	smul.u32 $0xC350, s1  }
0x9: {  	[dreg:$0x7] =	wrdreg s7;
	s2 =	smul.u32 $0xC350, s2;
	s12 =	sor.u32 s12, s8  }
0xa: {  	[dreg:$0x8] =	wrdreg s8;
	s18 =	sshrl.u32 s12, $0x3;
	s1 =	sadd.s32 s1, s26  }
0xb: {  	s13 =	sshrl.u32 s11, $0x1;
	s5 =	sadd.s32 s17, s18;
	[dreg:$0x16] =	wrdreg s1  }
0xc: {  	s12 =	sshrl.u32 s12, $0x1;
	s19 =	sadd.s32 s6, s18;
	[dreg:$0xa] =	wrdreg s5  }
0xd: {  	s11 =	ssub.s32 s11, s13;
	s20 =	sadd.s32 s7, s12;
	[dreg:$0xb] =	wrdreg s19  }
0xe: {  	s22 =	sor.u32 $0x8, s12;
	s31 =	smax.u32 s11, $0x1;
	[dreg:$0xc] =	wrdreg s20  }
0xf: {  	s24 =	sor.u32 $0x10, s12;
	s23 =	sadd.s32 s7, s22;
	[dreg:$0x15] =	wrdreg s31  }
0x10: {  	s16 =	sshrl.u32 s2, $0x3;
	s25 =	sadd.s32 s7, s24;
	[dreg:$0xe] =	wrdreg s23  }
0x11: {  	v0 =	vlaneseq.u32;
	v4 =	vimm.s32 $0xECA86420;
	s4 =	sadd.s32 s16, s3;
	s3 =	sadd.s32 $0x169C00, s3;
	[dreg:$0x10] =	wrdreg s25  }
0x12: {  	v2 =	vimm.f32 $-1.000000000e+00;
	v3 =	vimm.s32 $0x0;
	vm0 =	vcmask $0xB08;
	s2 =	sadd.s32 $0xC340, s2;
	s21 =	sadd.s32 s3, s12;
	[dreg:$0x9] =	wrdreg s3  }
0x13: {  	vm1 =	vcmask $0x1310;
	vm2 =	vcmask $0x1B18;
	v1 =	vor.u32 s2, v0;
	s2 =	sadd.s32 s3, s22;
	[dreg:$0xd] =	wrdreg s21  }
.Ltmp0:
0x14: {  	vm6 =	vcmask $0x3330;
	vm7 =	vcmask $0x3B38;
	v4 =	vunpack.c.l.s4.s8 v4;
	s30 =	sadd.s32 $0x138800, s4;
	[dreg:$0xf] =	wrdreg s2;
	(pc) =	sbr.rel .LBB2_1-.Ltmp0, $4  }
0x15: {  	vm8 =	vmmov $0xff;
	v6 =	vmul.u32 $0x80, v0;
	v7 =	vmul.u32 $0x4, v0;
	s12 =	sor.u32 $0x18, s12;
	s2 =	sadd.s32 s3, s24;
	[dreg:$0x14] =	wrdreg s30  }
0x16: {  	vm9 =	vmmov $0xffff;
	v5 =	vmul.u32 $0x2, v0;
	p0 =	sne.s32 s0, $0x0;
	v4 =	vunpack.c.0.s8.s32 v4;
	s28 =	sadd.s32 s7, s12;
	[dreg:$0x11] =	wrdreg s2  }
0x17: {  	v8 =	vor.u32 $0x1, v6;
	v9 =	vor.u32 $0x1, v7;
	v10 =	vor.u32 $0x2, v6;
	s26 =	simm.s32 $0xC800;
	s29 =	sadd.s32 s3, s12;
	[dreg:$0x12] =	wrdreg s28  }
0x18: {  	v11 =	vor.u32 $0x2, v7;
	v12 =	vor.u32 $0x3, v6;
	v13 =	vor.u32 $0x3, v7;
	s1 =	simm.s32 $0x0;
	s24 =	simm.s32 $0xC380;
	[dreg:$0x13] =	wrdreg s29  }
.LBB2_7:
0x19: {  	s1 =	rddreg [dreg:$0x17]  }
0x1a: {  	s0 =	rddreg [dreg:$0x15];
	s1 =	sadd.s32 $0x1, s1  }
0x1b: {  	p1 =	sne.s32 s1, s0  }
.Ltmp1:
0x1c: {  	_ = 	snop;
	(pc) =	sbr.rel @!p1 .LBB2_8-.Ltmp1, $1  }
0x1d: {  	_ =	sdelay $0x3  }
.LBB2_1:
0x1e: {  	[tilespmem:$0xC380] =	vst v2  }
0x1f: {  	[tilespmem:$0xC800] =	vst v3  }
0x20: {  	[tilespmem:$0xC390] =	vst v2  }
0x21: {  	[tilespmem:$0xC810] =	vst v3  }
0x22: {  	[tilespmem:$0xC3A0] =	vst v2  }
0x23: {  	[tilespmem:$0xC820] =	vst v3  }
0x24: {  	[dreg:$0x17] =	wrdreg s1;
	[tilespmem:$0xC3B0] =	vst v2  }
0x25: {  	[tilespmem:$0xC830] =	vst v3;
	s2 =	simm.s32 $0x0;
	s0 =	rddreg [dreg:$0xa];
	s3 =	simm.s32 $0x3  }
0x26: {  	[hbm4b:s0+s2] =	stream.linear.scatter [tilespmem:s24], [sflag:$0x3], $0x40, $0x38;
	[tilespmem:$0xDE80] =	vst v63  }
0x27: {  	_ =	swait.ge [sflag:s3], $0x40  }
0x28: {  	[sflag:s3] =	ssyncset.done $0x0  }
0x29: {  	s14 =	rddreg [dreg:$0xb];
	[sflag:s3] =	ssyncadd.s32 $0xFFFFFFC0  }
0x2a: {  	[hbm4b:s14+s2] =	stream.linear.scatter [tilespmem:s26], [sflag:$0x3], $0x40, $0x38;
	[tilespmem:$0xDE80] =	vst v63  }
0x2b: {  	_ =	swait.ge [sflag:s3], $0x40  }
0x2c: {  	[sflag:s3] =	ssyncset.done $0x0  }
0x2d: {  	[sflag:s3] =	ssyncadd.s32 $0xFFFFFFC0  }
0x2e: {  	s16 =	simm.s32 $0xCD00;
	s15 =	rddreg [dreg:$0x1]  }
0x2f: {  	[tilespmem:s16], [sflag:$0x3] =	stream.linear.gather [hbm4b:s15+s2], $0x80, $0x38;
	[tilespmem:$0xDE80] =	vst v63  }
0x30: {  	_ =	swait.ge [sflag:s3], $0x80  }
0x31: {  	[sflag:s3] =	ssyncset.done $0x0  }
0x32: {  	s17 =	rddreg [dreg:$0xc];
	[sflag:s3] =	ssyncadd.s32 $0xFFFFFF80  }
0x33: {  	[hbm4b:s17+s2] =	stream.linear.scatter [tilespmem:s16], [sflag:$0x3], $0x40, $0x38;
	[tilespmem:$0xDE80] =	vst v63  }
0x34: {  	_ =	swait.ge [sflag:s3], $0x40  }
0x35: {  	[sflag:s3] =	ssyncset.done $0x0  }
0x36: {  	s18 =	rddreg [dreg:$0xd];
	[sflag:s3] =	ssyncadd.s32 $0xFFFFFFC0  }
0x37: {  	[hbm4b:s18+s2] =	stream.linear.scatter [tilespmem:s16], [sflag:$0x3], $0x40, $0x38;
	[tilespmem:$0xDE80] =	vst v63  }
0x38: {  	_ =	swait.ge [sflag:s3], $0x40  }
0x39: {  	[sflag:s3] =	ssyncset.done $0x0  }
0x3a: {  	s19 =	rddreg [dreg:$0xe];
	[sflag:s3] =	ssyncadd.s32 $0xFFFFFFC0  }
0x3b: {  	[hbm4b:s19+s2] =	stream.linear.scatter [tilespmem:s16], [sflag:$0x3], $0x40, $0x38;
	[tilespmem:$0xDE80] =	vst v63  }
0x3c: {  	_ =	swait.ge [sflag:s3], $0x40  }
0x3d: {  	[sflag:s3] =	ssyncset.done $0x0  }
0x3e: {  	s20 =	rddreg [dreg:$0xf];
	[sflag:s3] =	ssyncadd.s32 $0xFFFFFFC0  }
0x3f: {  	[hbm4b:s20+s2] =	stream.linear.scatter [tilespmem:s16], [sflag:$0x3], $0x40, $0x38;
	[tilespmem:$0xDE80] =	vst v63  }
0x40: {  	_ =	swait.ge [sflag:s3], $0x40  }
0x41: {  	[sflag:s3] =	ssyncset.done $0x0  }
0x42: {  	s21 =	rddreg [dreg:$0x10];
	[sflag:s3] =	ssyncadd.s32 $0xFFFFFFC0  }
0x43: {  	[hbm4b:s21+s2] =	stream.linear.scatter [tilespmem:s16], [sflag:$0x3], $0x40, $0x38;
	[tilespmem:$0xDE80] =	vst v63  }
0x44: {  	_ =	swait.ge [sflag:s3], $0x40  }
0x45: {  	[sflag:s3] =	ssyncset.done $0x0  }
0x46: {  	s22 =	rddreg [dreg:$0x11];
	[sflag:s3] =	ssyncadd.s32 $0xFFFFFFC0  }
0x47: {  	[hbm4b:s22+s2] =	stream.linear.scatter [tilespmem:s16], [sflag:$0x3], $0x40, $0x38;
	[tilespmem:$0xDE80] =	vst v63  }
0x48: {  	_ =	swait.ge [sflag:s3], $0x40  }
0x49: {  	[sflag:s3] =	ssyncset.done $0x0  }
0x4a: {  	s23 =	rddreg [dreg:$0x12];
	[sflag:s3] =	ssyncadd.s32 $0xFFFFFFC0  }
0x4b: {  	[hbm4b:s23+s2] =	stream.linear.scatter [tilespmem:s16], [sflag:$0x3], $0x40, $0x38;
	[tilespmem:$0xDE80] =	vst v63  }
0x4c: {  	_ =	swait.ge [sflag:s3], $0x40  }
0x4d: {  	[sflag:s3] =	ssyncset.done $0x0  }
0x4e: {  	s25 =	rddreg [dreg:$0x13];
	[sflag:s3] =	ssyncadd.s32 $0xFFFFFFC0  }
0x4f: {  	[hbm4b:s25+s2] =	stream.linear.scatter [tilespmem:s16], [sflag:$0x3], $0x40, $0x38;
	[tilespmem:$0xDE80] =	vst v63  }
0x50: {  	_ =	swait.ge [sflag:s3], $0x40  }
0x51: {  	[sflag:s3] =	ssyncset.done $0x0  }
0x52: {  	s0 =	simm.s32 @!p0 $0x0;
	s28 =	rddreg [dreg:$0x3];
	[sflag:s3] =	ssyncadd.s32 $0xFFFFFFC0  }
0x53: {  	s29 =	simm.s32 $0xCC80;
	[smem:$0x0] =	sst @!p0 s0  }
0x54: {  	[tilespmem:s29], [sflag:$0x3] =	stream.linear.gather [hbm4b:s28+s2], $0x80, $0x38;
	[tilespmem:$0xDE80] =	vst v63  }
0x55: {  	_ =	swait.ge [sflag:s3], $0x80  }
0x56: {  	[sflag:s3] =	ssyncset.done $0x0  }
0x57: {  	s30 =	rddreg [dreg:$0x14];
	[sflag:s3] =	ssyncadd.s32 $0xFFFFFF80  }
0x58: {  	[tilespmem:s2], [sflag:$0x3] =	stream.linear.gather [hbm4b:s30+s2], $0xC350, $0x38;
	[tilespmem:$0xDE80] =	vst v63  }
0x59: {  	_ =	swait.ge [sflag:s3], $0xC350  }
0x5a: {  	[sflag:s3] =	ssyncset.done $0x0  }
0x5b: {  	[sflag:s3] =	ssyncadd.s32 $0xFFFF3CB0  }
0x5c: {  	s31 =	simm.s32 $0x20;
	[bflag:$0x0] =	sbarrier.arrive $0xFFFF  }
0x5d: {  	v24 =	vld [tilespmem:s31+$0xFFFFFFE0];
	_ =	sdelay $0x2  }
0x5e: {  	v16 =	vld [tilespmem:s31+$0xFFFFFFF0];
	_ =	sdelay $0x1  }
0x5f: {  	v14 =	vadd.f32 $-9.999999770e-03, v24  }
0x60: {  	v15 =	vld [tilespmem:s31+$0x0]  }
0x61: {  	v20 =	vld [tilespmem:s31+$0x10];
	v14 =	vmul.f32 $2.066666750e+03, v14  }
0x62: {  	v17 =	vadd.f32 $-9.999999770e-03, v16  }
0x63: {  	v14 =	vtrunc.f32 v14  }
0x64: {  	v17 =	vmul.f32 $2.066666750e+03, v17;
	v18 =	vcvt.f32.s32 v14  }
0x65: {  	v19 =	vadd.f32 $-9.999999770e-03, v15;
	v14 =	vld [tilespmem:$0xCC80]  }
0x66: {  	v21 =	vadd.f32 $-9.999999770e-03, v20;
	v17 =	vtrunc.f32 v17;
	v18 =	vadd.s32 $0x1, v18  }
0x67: {  	v19 =	vmul.f32 $2.066666750e+03, v19;
	v17 =	vcvt.f32.s32 v17;
	vm3 =	vgt.s32 v18, $0x0  }
0x68: {  	v21 =	vmul.f32 $2.066666750e+03, v21;
	v18 =	vnsel vm3, $0x0, v18  }
0x69: {  	v19 =	vtrunc.f32 v19;
	v17 =	vadd.s32 $0x1, v17;
	v18 =	vmin.u32 v18, $0x7FF  }
0x6a: {  	vm4 =	vgt.s32 v17, $0x0;
	vm3 =	vge.s32 v18, v14;
	v18 =	vcvt.f32.s32 v19  }
0x6b: {  	v21 =	vtrunc.f32 v21;
	v17 =	vnsel vm4, $0x0, v17;
	v19 =	vmpcnt.ones.xlane vm3  }
0x6c: {  	v21 =	vcvt.f32.s32 v21;
	v17 =	vmin.u32 v17, $0x7FF;
	v18 =	vadd.s32 $0x1, v18  }
0x6d: {  	vm10 =	vge.s32 v17, v14;
	v19 =	vadd.s32 v3, v19;
	vm4 =	vgt.s32 v18, $0x0  }
0x6e: {  	v17 =	vmpcnt.ones.xlane vm10;
	vm11 =	vlt.s32 v19, $0x400;
	v18 =	vnsel vm4, $0x0, v18  }
0x6f: {  	v22 =	vnsel vm11, $0x400, v19;
	v18 =	vmin.u32 v18, $0x7FF  }
0x70: {  	s13 =	simm.s32 $0x60;
	v19 =	vadd.s32 $0x1, v21;
	v21 =	vadd.s32 v22, v17;
	vm11 =	vge.s32 v18, v14  }
0x71: {  	vm4 =	vgt.s32 v19, $0x0;
	v17 =	vld [tilespmem:s13+$0xFFFFFFE0];
	vm12 =	vlt.s32 v21, $0x400;
	v18 =	vmpcnt.ones.xlane vm11  }
0x72: {  	v23 =	vsel vm3, $0x1, v3;
	v19 =	vnsel vm4, $0x0, v19;
	v25 =	vnsel vm12, $0x400, v21  }
0x73: {  	(xrf0) =	vadd.scan.msk.s32 $0xffff, v23;
	v19 =	vmin.u32 v19, $0x7FF;
	v23 =	vadd.s32 v25, v18;
	v18 =	vld [tilespmem:s13+$0xFFFFFFF0]  }
0x74: {  	v21 =	vsel vm10, $0x1, v3;
	vm12 =	vge.s32 v19, v14  }
0x75: {  	(xrf0) =	vadd.scan.msk.s32 $0xffff, v21;
	vm4 =	vlt.s32 v23, $0x400;
	v21 =	vmpcnt.ones.xlane vm12  }
0x76: {  	v19 =	vsel vm11, $0x1, v3;
	v27 =	vnsel vm4, $0x400, v23;
	v23 =	vadd.f32 $-9.999999770e-03, v17  }
0x77: {  	(xrf0) =	vadd.scan.msk.s32 $0xffff, v19;
	v26 =	vsel vm12, $0x1, v3;
	v19 =	vld [tilespmem:s13+$0x0];
	v28 =	vadd.s32 v27, v21  }
0x78: {  	v21 =	vld [tilespmem:s13+$0x10];
	vm4 =	vlt.s32 v28, $0x400;
	v23 =	vmul.f32 $2.066666750e+03, v23;
	v29 =	vadd.f32 $-9.999999770e-03, v18  }
0x79: {  	v31, _, _ =	vpop (xrf0);
	(xrf0) =	vadd.scan.msk.s32 $0xffff, v26;
	v26 =	vnsel vm4, $0x400, v28  }
0x7a: {  	v28 =	vadd.s32 v31, v3;
	v23 =	vtrunc.f32 v23;
	v29 =	vmul.f32 $2.066666750e+03, v29  }
0x7b: {  	vm3 =	vmmov vm3;
	v31, _, _ =	vpop (xrf0);
	v28 =	vadd.s32 $0xFFFFFFFF, v28;
	v32 =	vcvt.f32.s32 v23  }
0x7c: {  	v22 =	vadd.s32 v31, v22;
	v31 =	vadd.f32 $-9.999999770e-03, v19;
	v29 =	vtrunc.f32 v29  }
0x7d: {  	v62 =	vadd.f32 $-9.999999770e-03, v21;
	v23, _, _ =	vpop (xrf0);
	v29 =	vcvt.f32.s32 v29  }
0x7e: {  	v31 =	vmul.f32 $2.066666750e+03, v31;
	v23 =	vadd.s32 v23, v25;
	v25 =	vadd.s32 $0x1, v32  }
0x7f: {  	v33, _, _ =	vpop (xrf0);
	v32 =	vmul.f32 $2.066666750e+03, v62;
	vm4 =	vgt.s32 v25, $0x0;
	v63 =	vadd.s32 $0x1, v29  }
0x80: {  	v34 =	vnsel vm4, $0x0, v25;
	v25 =	vadd.s32 v33, v27;
	vm4 =	vgt.s32 v63, $0x0  }
0x81: {  	s15 =	rddreg [dreg:$0x16];
	[tilespmem:v28+s24+$0x0] =	vst.idx.msk vm3, v24;
	v29 =	vtrunc.f32 v31;
	v27 =	vmin.u32 v34, $0x7FF;
	v24 =	vnsel vm4, $0x0, v63  }
0x82: {  	vm13 =	vge.s32 v27, v14;
	v27 =	vcvt.f32.s32 v29  }
0x83: {  	v30 =	vor.u32 s15, v0;
	v31 =	vtrunc.f32 v32;
	v29 =	vmpcnt.ones.xlane vm13  }
0x84: {  	s1 =	simm.s32 $0x0;
	s16 =	simm.s32 $0x4;
	s14 =	smov.u32 s15;
	[tilespmem:v28+s26+$0x0] =	vst.idx.msk vm3, v30;
	v28 =	vcvt.f32.s32 v31;
	v30 =	vmin.u32 v24, $0x7FF;
	v27 =	vadd.s32 $0x1, v27;
	v24 =	vmovc v26  }
.LBB2_2:
0x85: {  	v26 =	vadd.s32 v26, v29;
	vm4 =	vgt.s32 v27, $0x0;
	vm15 =	vmmov vm10  }
0x86: {  	s16 =	sadd.s32 $0x4, s16;
	vm10 =	vge.s32 v30, v14;
	vm14 =	vmmov vm11;
	vm3 =	vmmov vm12  }
0x87: {  	p1 =	slt.u32 s16, $0xC30;
	vm11 =	vlt.s32 v26, $0x400;
	v29 =	vmpcnt.ones.xlane vm10;
	v27 =	vnsel vm4, $0x0, v27  }
0x88: {  	v30 =	vnsel vm11, $0x400, v26;
	v26 =	vmin.u32 v27, $0x7FF;
	v27 =	vadd.s32 $0x1, v28  }
0x89: {  	s13 =	sadd.s32 $0x40, s13;
	v28 =	vadd.s32 v30, v29;
	vm11 =	vge.s32 v26, v14;
	vm4 =	vgt.s32 v27, $0x0  }
0x8a: {  	v29 =	vld [tilespmem:s13+$0xFFFFFFE0];
	vm12 =	vlt.s32 v28, $0x400;
	v26 =	vmpcnt.ones.xlane vm11;
	v27 =	vnsel vm4, $0x0, v27  }
0x8b: {  	v31 =	vsel vm13, $0x1, v3;
	v28 =	vnsel vm12, $0x400, v28;
	v27 =	vmin.u32 v27, $0x7FF  }
0x8c: {  	v32 =	vsel vm10, $0x1, v3;
	v26 =	vadd.s32 v28, v26;
	vm12 =	vge.s32 v27, v14;
	(xrf0) =	vadd.scan.msk.s32 $0xffff, v31  }
0x8d: {  	v31 =	vsel vm11, $0x1, v3;
	v27 =	vld [tilespmem:s13+$0xFFFFFFF0];
	vm4 =	vlt.s32 v26, $0x400;
	v33 =	vmpcnt.ones.xlane vm12;
	(xrf0) =	vadd.scan.msk.s32 $0xffff, v32  }
0x8e: {  	v25 =	vadd.s32 $0xFFFFFFFF, v25;
	v32 =	vnsel vm4, $0x400, v26;
	v26 =	vsel vm12, $0x1, v3;
	(xrf0) =	vadd.scan.msk.s32 $0xffff, v31  }
0x8f: {  	v34 =	vadd.s32 $0xFFFFFFFF, v22;
	v31 =	vadd.f32 $-9.999999770e-03, v29;
	v33 =	vadd.s32 v32, v33;
	(xrf0) =	vadd.scan.msk.s32 $0xffff, v26  }
0x90: {  	v36 =	vadd.s32 $0xFFFFFFFF, v23;
	s14 =	sadd.s32 $0x40, s14;
	vm4 =	vmmov vm13;
	v35 =	vld [tilespmem:s13+$0x0];
	vm5 =	vlt.s32 v33, $0x400  }
0x91: {  	s0 =	sadd.s32 $0x10, s15;
	s17 =	sadd.s32 $0x20, s15;
	v37 =	vor.u32 s14, v0;
	v22 =	vmul.f32 $2.066666750e+03, v31;
	v31 =	vld [tilespmem:s13+$0x10];
	v26 =	vnsel vm5, $0x400, v33  }
0x92: {  	v38 =	vor.u32 s0, v0;
	v39 =	vor.u32 s17, v0;
	s0 =	sadd.s32 $0x30, s15;
	s15 =	smov.u32 s14;
	v42 =	vadd.f32 $-9.999999770e-03, v27;
	v33, _, _ =	vpop (xrf0)  }
0x93: {  	v22 =	vtrunc.f32 v22;
	v43 =	vadd.s32 v33, v24;
	v33, _, _ =	vpop (xrf0);
	[tilespmem:v25+s24+$0x0] =	vst.idx.msk vm3, v20;
	v20 =	vor.u32 s0, v0  }
0x94: {  	v40 =	vcvt.f32.s32 v22;
	v41 =	vmul.f32 $2.066666750e+03, v42;
	v22 =	vadd.s32 v33, v30;
	v23, _, _ =	vpop (xrf0);
	[tilespmem:v25+s26+$0x0] =	vst.idx.msk vm3, v20  }
0x95: {  	v30 =	vadd.s32 $0xFFFFFFFF, v43;
	v42 =	vadd.f32 $-9.999999770e-03, v35;
	v23 =	vadd.s32 v23, v28;
	v24, _, _ =	vpop (xrf0);
	[tilespmem:v34+s24+$0x0] =	vst.idx.msk vm15, v16  }
0x96: {  	v16 =	vmovc v18;
	v18 =	vmovc v27;
	v25 =	vadd.s32 $0x1, v40;
	v28 =	vtrunc.f32 v41;
	v33 =	vadd.f32 $-9.999999770e-03, v31;
	[tilespmem:v34+s26+$0x0] =	vst.idx.msk vm15, v38  }
0x97: {  	vm3 =	vgt.s32 v25, $0x0;
	v27 =	vcvt.f32.s32 v28;
	v28 =	vmul.f32 $2.066666750e+03, v42;
	[tilespmem:v36+s24+$0x0] =	vst.idx.msk vm14, v15;
	v15 =	vmovc v19;
	v19 =	vmovc v35  }
.Ltmp2:
0x98: {  	v20 =	vmovc v21;
	v34 =	vnsel vm3, $0x0, v25;
	v33 =	vmul.f32 $2.066666750e+03, v33;
	v25 =	vadd.s32 v24, v32;
	[tilespmem:v36+s26+$0x0] =	vst.idx.msk vm14, v39;
	(pc) =	sbr.rel @p1 .LBB2_2-.Ltmp2, $4  }
0x99: {  	v21 =	vmovc v31;
	v24 =	vmovc v26;
	v32 =	vmin.u32 v34, $0x7FF;
	v27 =	vadd.s32 $0x1, v27;
	v28 =	vtrunc.f32 v28  }
0x9a: {  	vm13 =	vge.s32 v32, v14;
	vm3 =	vgt.s32 v27, $0x0;
	v28 =	vcvt.f32.s32 v28;
	[tilespmem:v30+s24+$0x0] =	vst.idx.msk vm4, v17;
	v17 =	vmovc v29  }
0x9b: {  	v31 =	vtrunc.f32 v33;
	v29 =	vmpcnt.ones.xlane vm13;
	v27 =	vnsel vm3, $0x0, v27;
	[tilespmem:v30+s26+$0x0] =	vst.idx.msk vm4, v37  }
0x9c: {  	v30 =	vmin.u32 v27, $0x7FF;
	v27 =	vadd.s32 $0x1, v28;
	v28 =	vcvt.f32.s32 v31  }
0x9d: {  	v26 =	vadd.s32 v26, v29  }
0x9e: {  	vm4 =	vge.s32 v30, v14;
	vm3 =	vgt.s32 v27, $0x0;
	v35 =	vsel vm13, $0x1, v3  }
0x9f: {  	vm12 =	vmmov vm12;
	v25 =	vadd.s32 $0xFFFFFFFF, v25;
	v22 =	vadd.s32 $0xFFFFFFFF, v22  }
0xa0: {  	v28 =	vadd.s32 $0x1, v28;
	vm5 =	vlt.s32 v26, $0x400;
	v27 =	vnsel vm3, $0x0, v27  }
0xa1: {  	v37 =	vsel vm4, $0x1, v3;
	(xrf0) =	vadd.scan.msk.s32 $0xffff, v35;
	v38 =	vmpcnt.ones.xlane vm4;
	vm3 =	vgt.s32 v28, $0x0  }
0xa2: {  	v27 =	vmin.u32 v27, $0x7FF;
	v26 =	vnsel vm5, $0x400, v26;
	vm5 =	vmmov vm10  }
0xa3: {  	(xrf0) =	vadd.scan.msk.s32 $0xffff, v37;
	v28 =	vnsel vm3, $0x0, v28;
	vm14 =	vge.s32 v27, v14;
	v41 =	vadd.s32 v26, v38  }
0xa4: {  	v36 =	vmin.u32 v28, $0x7FF;
	v39 =	vsel vm14, $0x1, v3;
	vm10 =	vlt.s32 v41, $0x400  }
0xa5: {  	vm3 =	vge.s32 v36, v14;
	(xrf0) =	vadd.scan.msk.s32 $0xffff, v39;
	v27 =	vnsel vm10, $0x400, v41;
	vm10 =	vmmov vm11  }
0xa6: {  	v23 =	vadd.s32 $0xFFFFFFFF, v23;
	v40 =	vsel vm3, $0x1, v3  }
0xa7: {  	s0 =	sadd.s32 $0x30, s15;
	(xrf0) =	vadd.scan.msk.s32 $0xffff, v40;
	v43, _, _ =	vpop (xrf0)  }
0xa8: {  	vm13 =	vmmov vm13;
	v45 =	vor.u32 s0, v0;
	[tilespmem:v25+s24+$0x0] =	vst.idx.msk vm12, v20;
	v24 =	vadd.s32 v43, v24  }
0xa9: {  	v42 =	vmpcnt.ones.xlane vm14;
	[tilespmem:v25+s26+$0x0] =	vst.idx.msk vm12, v45;
	v44, _, _ =	vpop (xrf0);
	v47 =	vadd.s32 $0xFFFFFFFF, v24  }
0xaa: {  	s21 =	sadd.s32 $0x10, s15;
	vm4 =	vmmov vm4;
	[tilespmem:v22+s24+$0x0] =	vst.idx.msk vm5, v16;
	v52 =	vadd.s32 v44, v26  }
0xab: {  	s22 =	sadd.s32 $0x20, s15;
	v49 =	vor.u32 s21, v0;
	v28 =	vadd.s32 v27, v42;
	v46, _, _ =	vpop (xrf0);
	[tilespmem:v23+s24+$0x0] =	vst.idx.msk vm10, v15;
	v15 =	vadd.s32 $0xFFFFFFFF, v52  }
0xac: {  	v51 =	vor.u32 s22, v0;
	vm11 =	vlt.s32 v28, $0x400;
	[tilespmem:v22+s26+$0x0] =	vst.idx.msk vm5, v49;
	v54 =	vadd.s32 v46, v27  }
0xad: {  	s23 =	sadd.s32 $0x40, s14;
	v28 =	vnsel vm11, $0x400, v28;
	[tilespmem:v23+s26+$0x0] =	vst.idx.msk vm10, v51;
	v48, _, _ =	vpop (xrf0);
	v55 =	vadd.s32 $0xFFFFFFFF, v54  }
0xae: {  	v53 =	vor.u32 s23, v0;
	v50 =	vadd.s32 v48, v28;
	[tilespmem:v47+s24+$0x0] =	vst.idx.msk vm13, v17  }
0xaf: {  	s25 =	sadd.s32 $0x10, s23;
	v16 =	vadd.s32 $0xFFFFFFFF, v50;
	[tilespmem:v47+s26+$0x0] =	vst.idx.msk vm13, v53  }
0xb0: {  	v57 =	vor.u32 s25, v0;
	[tilespmem:v15+s24+$0x0] =	vst.idx.msk vm4, v18  }
0xb1: {  	s0 =	sadd.s32 $0x20, s23;
	[tilespmem:v15+s26+$0x0] =	vst.idx.msk vm4, v57  }
0xb2: {  	v15 =	vor.u32 s0, v0;
	[tilespmem:v55+s24+$0x0] =	vst.idx.msk vm14, v19  }
0xb3: {  	s13 =	sadd.s32 $0x30, s23;
	[tilespmem:v55+s26+$0x0] =	vst.idx.msk vm14, v15  }
0xb4: {  	v56 =	vor.u32 s13, v0;
	[tilespmem:v16+s24+$0x0] =	vst.idx.msk vm3, v21  }
0xb5: {  	[tilespmem:v16+s26+$0x0] =	vst.idx.msk vm3, v56  }
0xb6: {  	v15 =	vld [tilespmem:$0xC340];
	_ =	sdelay $0x4  }
0xb7: {  	v58 =	vadd.f32 $-9.999999770e-03, v15;
	_ =	sdelay $0x1  }
0xb8: {  	v16 =	vmul.f32 $2.066666750e+03, v58;
	_ =	sdelay $0x1  }
0xb9: {  	v16 =	vtrunc.f32 v16  }
0xba: {  	v16 =	vcvt.f32.s32 v16;
	_ =	sdelay $0x1  }
0xbb: {  	v16 =	vadd.s32 $0x1, v16  }
0xbc: {  	vm4 =	vgt.s32 v16, $0x0  }
0xbd: {  	v59 =	vmpcnt.ones.xlane vm3;
	v16 =	vnsel vm4, $0x0, v16  }
0xbe: {  	v16 =	vmin.u32 v16, $0x7FF  }
0xbf: {  	vm11 =	vmmov vm3;
	v17 =	vadd.s32 v28, v59;
	vm3 =	vge.s32 v16, v14  }
0xc0: {  	vm4 =	vlt.s32 v17, $0x400;
	v14 =	vmpcnt.ones.xlane vm3  }
0xc1: {  	v60 =	vnsel vm4, $0x400, v17  }
0xc2: {  	v14 =	vadd.s32 v60, v14  }
0xc3: {  	vm4 =	vlt.s32 v14, $0x400  }
0xc4: {  	v61 =	vsel vm3, $0x1, v3;
	v14 =	vnsel vm4, $0x400, v14  }
0xc5: {  	(xrf0) =	vadd.scan.msk.s32 $0xffff, v61;
	v14 =	vxor.u32 $0x80000000, v14  }
0xc6: {  	(xrf0) =	vmax.scan.msk.u32 $0xffff, v14;
	_ =	sdelay $0x4  }
0xc7: {  	v14, _, _ =	vpop (xrf0)  }
0xc8: {  	v62, _, _ =	vpop (xrf0)  }
0xc9: {  	(v2sf) =	vpush v62, $0xF;
	_ =	sdelay $0xe  }
0xca: {  	s28 =	spop (v2sf)  }
0xcb: {  	v14 =	vadd.s32 v14, v60;
	s0 =	sadd.s32 $0x8000000F, s28  }
0xcc: {  	v14 =	vadd.s32 $0xFFFFFFFF, v14;
	s29 =	sxor.u32 $0x80000000, s28;
	s30 =	sand.u32 $0xF, s0  }
0xcd: {  	s31 =	sshra.s32 s0, $0x1F;
	p1 =	slt.s32 s0, $0x1;
	p2 =	sne.s32 s30, $0x0  }
0xce: {  	v63 =	vadd.s32 s29, v0;
	s15 =	sshrl.u32 s31, $0x1C;
	p1 =	por !p1, !p2  }
0xcf: {  	s0 =	sadd.s32 s15, s0;
	s15 =	simm.s32 $0x1;
	p1 =	por !p1, !p1  }
0xd0: {  	s13 =	simm.s32 $0xC380;
	s0 =	sshrl.u32 s0, $0x4;
	s15 =	simm.s32 @!p1 $0x0  }
0xd1: {  	s14 =	simm.s32 $0xC800;
	[tilespmem:v14+s13+$0x0] =	vst.idx.msk vm3, v15;
	s0 =	ssub.s32 s0, s15  }
0xd2: {  	[tilespmem:v14+s14+$0x0] =	vst.idx.msk vm3, v1;
	s0 =	sshll.u32 s0, $0x4  }
0xd3: {  	s2 =	simm.s32 $0x2;
	[tilespmem:v63+s13+$0x0] =	vst.idx.msk $0xffff, v2;
	s16 =	sshra.s32 s0, $0x4  }
0xd4: {  	[tilespmem:v63+s14+$0x0] =	vst.idx.msk $0xffff, v3;
	[sflag:s2] =	ssyncset.done $0x0;
	p1 =	slt.s32 s16, $0x1  }
.Ltmp3:
0xd5: {  	[smem:s1], [sflag:$0x2] =	smem.add.s32 s0;
	(pc) =	sbr.rel @!p1 .LBB2_4-.Ltmp3, $4  }
.Ltmp4:
0xd6: {  	_ =	swait.done [sflag:s2];
	(pc) =	sbr.rel @p1 .LBB2_7-.Ltmp4, $4  }
0xd7: {  	vm15 =	vcmask $0x1F1C;
	vm5 =	vmmov vm14;
	s15 =	ssyncread [sflag:$0x2]  }
0xd8: {  	vm12 =	vcmask $0x704;
	vm11 =	vcmask $0x2B28;
	vm5 =	vcmask $0x300;
	[sflag:s2] =	ssyncset.s32 $0x0  }
0xd9: {  	vm10 =	vcmask $0x2320;
	vm13 =	vcmask $0xF0C;
	vm14 =	vcmask $0x1714;
	[sflag:s2] =	ssyncset.done $0x0  }
0xda: {  	_ = 	snop  }
.LBB2_6:
0xdb: {  	s16 =	sadd.s32 $0xFFFFFFFF, s16  }
0xdc: {  	p1 =	sne.s32 s16, $0x0  }
.Ltmp5:
0xdd: {  	_ = 	snop;
	(pc) =	sbr.rel @!p1 .LBB2_7-.Ltmp5, $2  }
0xde: {  	_ =	sdelay $0x2  }
0xdf: {  	s15 =	sadd.s32 $0x10, s15;
	s13 =	sadd.s32 $0x10, s13;
	s14 =	sadd.s32 $0x10, s14  }
.LBB2_4:
0xe0: {  	p1 =	sgt.s32 s15, $0x3F0  }
.Ltmp6:
0xe1: {  	_ = 	snop;
	(pc) =	sbr.rel @p1 .LBB2_6-.Ltmp6, $1  }
0xe2: {  	_ =	sdelay $0x3  }
0xe3: {  	s0 =	rddreg [dreg:$0x8]  }
0xe4: {  	s1 =	rddreg [dreg:$0x5];
	s0 =	sadd.s32 s15, s0  }
0xe5: {  	[dreg:$0x18] =	wrdreg s0;
	s0 =	sshrl.u32 s0, $0x3  }
0xe6: {  	s2 =	simm.s32 $0x0;
	s17 =	simm.s32 $0x4;
	s18 =	sadd.s32 s1, s0  }
0xe7: {  	[hbm4b:s18+s2] =	stream.linear.scatter [tilespmem:s13], [sflag:$0x4], $0x10, $0x38;
	[tilespmem:$0xDE80] =	vst v63  }
0xe8: {  	_ =	swait.ge [sflag:s17], $0x10  }
0xe9: {  	[sflag:s17] =	ssyncset.done $0x0;
	s30 =	rddreg [dreg:$0x6]  }
0xea: {  	[sflag:s17] =	ssyncadd.s32 $0xFFFFFFF0;
	s0 =	sadd.s32 s30, s0  }
0xeb: {  	[hbm4b:s0+s2] =	stream.linear.scatter [tilespmem:s14], [sflag:$0x4], $0x10, $0x38;
	[tilespmem:$0xDE80] =	vst v63  }
0xec: {  	_ =	swait.ge [sflag:s17], $0x10  }
0xed: {  	[sflag:s17] =	ssyncset.done $0x0  }
0xee: {  	[sflag:s17] =	ssyncadd.s32 $0xFFFFFFF0  }
0xef: {  	v14 =	vld [tilespmem:s14+$0x0];
	_ =	sdelay $0x4  }
0xf0: {  	(v2sf) =	vpush v14, $0xD;
	_ =	sdelay $0x1  }
0xf1: {  	(v2sf) =	vpush v14, $0xC;
	_ =	sdelay $0x1  }
0xf2: {  	(v2sf) =	vpush v14, $0xE;
	_ =	sdelay $0x1  }
0xf3: {  	(v2sf) =	vpush v14, $0xF;
	_ =	sdelay $0x1  }
0xf4: {  	(v2sf) =	vpush v14, $0x9;
	_ =	sdelay $0x1  }
0xf5: {  	(v2sf) =	vpush v14, $0x8;
	_ =	sdelay $0x1  }
0xf6: {  	(v2sf) =	vpush v14, $0xA;
	_ =	sdelay $0x1  }
0xf7: {  	(v2sf) =	vpush v14, $0xB  }
0xf8: {  	s31 =	spop (v2sf)  }
0xf9: {  	(v2sf) =	vpush v14, $0x0;
	s1 =	smulhi.u32 $0x66666667, s31;
	s0 =	sshra.s32 s31, $0x1F  }
0xfa: {  	s19 =	spop (v2sf);
	s0 =	smul.u32 $0x66666667, s0  }
0xfb: {  	(v2sf) =	vpush v14, $0x1;
	s20 =	smulhi.u32 $0x66666667, s19;
	s19 =	sshra.s32 s19, $0x1F  }
0xfc: {  	s6 =	spop (v2sf);
	s21 =	smul.u32 $0x66666667, s19  }
0xfd: {  	(v2sf) =	vpush v14, $0x2;
	s22 =	smulhi.u32 $0x66666667, s6;
	s19 =	sshra.s32 s6, $0x1F  }
0xfe: {  	s7 =	spop (v2sf);
	s23 =	smul.u32 $0x66666667, s19  }
0xff: {  	(v2sf) =	vpush v14, $0x3;
	s31 =	smulhi.u32 $0x66666667, s7;
	s19 =	sshra.s32 s7, $0x1F  }
0x100: {  	s28 =	spop (v2sf);
	s12 =	smul.u32 $0x66666667, s19  }
0x101: {  	(v2sf) =	vpush v14, $0x4;
	s5 =	smulhi.u32 $0x66666667, s28;
	s8 =	sshra.s32 s28, $0x1F  }
0x102: {  	(v2sf) =	vpush v14, $0x5;
	s9 =	spop (v2sf);
	s6 =	smul.u32 $0x66666667, s8  }
0x103: {  	(v2sf) =	vpush v14, $0x6;
	s7 =	smulhi.u32 $0x66666667, s9;
	s19 =	sshra.s32 s9, $0x1F  }
0x104: {  	(v2sf) =	vpush v14, $0x7;
	s10 =	spop (v2sf);
	s9 =	smul.u32 $0x66666667, s19  }
0x105: {  	s8 =	smulhi.u32 $0x66666667, s10;
	s28 =	sshra.s32 s10, $0x1F  }
0x106: {  	s11 =	spop (v2sf);
	s2 =	smul.u32 $0x66666667, s28  }
0x107: {  	s29 =	smulhi.u32 $0x66666667, s11;
	s19 =	sshra.s32 s11, $0x1F  }
0x108: {  	s10 =	spop (v2sf);
	s11 =	smul.u32 $0x66666667, s19  }
0x109: {  	s12 =	sadd.s32 s12, s31;
	s3 =	smulhi.u32 $0x66666667, s10;
	s10 =	sshra.s32 s10, $0x1F  }
0x10a: {  	s31 =	sadd.s32 s6, s5;
	s10 =	smul.u32 $0x66666667, s10;
	s28 =	spop (v2sf)  }
0x10b: {  	s19 =	sadd.s32 s0, s1;
	s1 =	smulhi.u32 $0x66666667, s28;
	s0 =	sshra.s32 s28, $0x1F  }
0x10c: {  	s4 =	spop (v2sf);
	s28 =	sadd.s32 s21, s20;
	s21 =	smul.u32 $0x66666667, s0  }
0x10d: {  	s20 =	sadd.s32 s23, s22;
	s23 =	smulhi.u32 $0x66666667, s4;
	s22 =	sshra.s32 s4, $0x1F  }
0x10e: {  	s3 =	sadd.s32 s10, s3;
	s30 =	spop (v2sf);
	s22 =	smul.u32 $0x66666667, s22  }
0x10f: {  	s0 =	sadd.s32 s9, s7;
	s6 =	smulhi.u32 $0x66666667, s30;
	s5 =	sshra.s32 s30, $0x1F  }
0x110: {  	s25 =	spop (v2sf);
	s30 =	sshrl.u32 s19, $0x1F;
	s7 =	smul.u32 $0x66666667, s5  }
0x111: {  	s18 =	spop (v2sf);
	s5 =	sadd.s32 s2, s8;
	s8 =	smulhi.u32 $0x66666667, s25  }
0x112: {  	s25 =	sshra.s32 s25, $0x1F;
	s2 =	sadd.s32 s11, s29;
	s4 =	spop (v2sf)  }
0x113: {  	s1 =	sadd.s32 s21, s1;
	s9 =	smul.u32 $0x66666667, s25;
	s29 =	spop (v2sf)  }
0x114: {  	s21 =	sshrl.u32 s20, $0x1F;
	s10 =	smulhi.u32 $0x66666667, s29;
	s11 =	sshra.s32 s29, $0x1F  }
0x115: {  	s25 =	sshrl.u32 s28, $0x1F;
	s22 =	sadd.s32 s22, s23;
	s11 =	smul.u32 $0x66666667, s11  }
0x116: {  	s6 =	sadd.s32 s7, s6;
	v16 =	vmov s25;
	s25 =	sshrl.u32 s3, $0x1F;
	s29 =	sshrl.u32 s12, $0x1F  }
0x117: {  	s7 =	sadd.s32 s9, s8;
	s8 =	smulhi.u32 $0x66666667, s18;
	s23 =	sadd.s32 s11, s10  }
0x118: {  	s18 =	sshra.s32 s18, $0x1F;
	v17 =	vmov s25;
	s25 =	sshra.s32 s1, $0x5;
	s10 =	sshra.s32 s23, $0x1F  }
0x119: {  	v16 =	vsel vm0, s30, v16;
	s30 =	sshrl.u32 s22, $0x1F;
	s9 =	smul.u32 $0x66666667, s18;
	v15 =	vmov s10;
	s10 =	sshra.s32 s3, $0x5  }
0x11a: {  	s18 =	sshrl.u32 s0, $0x1F;
	v16 =	vsel vm1, s21, v16;
	s21 =	sshrl.u32 s6, $0x1F;
	s3 =	sshra.s32 s3, $0x1F;
	v15 =	vsel vm5, s10, v15  }
0x11b: {  	s0 =	sshra.s32 s0, $0x5;
	v16 =	vsel vm2, s29, v16;
	v18 =	vmov s18;
	s18 =	sshrl.u32 s5, $0x1F;
	s29 =	sshrl.u32 s7, $0x1F;
	v15 =	vsel vm12, s3, v15  }
0x11c: {  	vm3 =	vcmask $0x2724;
	v17 =	vnsel vm5, $0x0, v17;
	s11 =	sshrl.u32 s31, $0x1F;
	s10 =	sshrl.u32 s1, $0x1F;
	s1 =	sshra.s32 s1, $0x1F;
	v15 =	vsel vm0, s25, v15  }
0x11d: {  	v20 =	vmov s0;
	s3 =	smulhi.u32 $0x66666667, s4;
	s4 =	sshra.s32 s4, $0x1F;
	v17 =	vsel vm0, s10, v17;
	s10 =	sshra.s32 s22, $0x5;
	v15 =	vsel vm13, s1, v15  }
0x11e: {  	s8 =	sadd.s32 s9, s8;
	v18 =	vsel vm0, s11, v18;
	s4 =	smul.u32 $0x66666667, s4;
	v17 =	vsel vm1, s30, v17;
	s25 =	sshra.s32 s22, $0x1F;
	v15 =	vsel vm1, s10, v15  }
0x11f: {  	s11 =	sshrl.u32 s8, $0x1F;
	v18 =	vsel vm1, s18, v18;
	s30 =	sshra.s32 s6, $0x5;
	v17 =	vsel vm2, s21, v17;
	s21 =	sshra.s32 s28, $0x5;
	v15 =	vsel vm14, s25, v15  }
0x120: {  	s6 =	sshra.s32 s6, $0x1F;
	s1 =	sadd.s32 s4, s3;
	v17 =	vsel vm10, s29, v17;
	s10 =	sshrl.u32 s2, $0x1F;
	v19 =	vmov s21;
	v15 =	vsel vm2, s30, v15  }
0x121: {  	s22 =	sshra.s32 s7, $0x5;
	v18 =	vsel vm2, s10, v18;
	v17 =	vsel vm11, s11, v17;
	s18 =	sshrl.u32 s1, $0x1F;
	s25 =	sshra.s32 s19, $0x5;
	v15 =	vsel vm15, s6, v15  }
0x122: {  	s28 =	sshra.s32 s7, $0x1F;
	s29 =	sshra.s32 s20, $0x5;
	v17 =	vsel vm6, s18, v17;
	v19 =	vsel vm0, s25, v19;
	v15 =	vsel vm10, s22, v15  }
0x123: {  	s30 =	sshra.s32 s31, $0x5;
	s31 =	sshra.s32 s8, $0x5;
	v16 =	vcombine.low v18, v16;
	v19 =	vsel vm1, s29, v19;
	v15 =	vsel vm3, s28, v15  }
0x124: {  	s5 =	sshra.s32 s5, $0x5;
	s4 =	sshra.s32 s12, $0x5;
	v20 =	vsel vm0, s30, v20;
	s6 =	sshra.s32 s8, $0x1F;
	vm3 =	vcmask $0x2F2C;
	v15 =	vsel vm11, s31, v15  }
0x125: {  	s7 =	sshra.s32 s2, $0x5;
	s8 =	sshra.s32 s1, $0x5;
	v19 =	vsel vm2, s4, v19;
	v20 =	vsel vm1, s5, v20;
	v15 =	vsel vm3, s6, v15  }
0x126: {  	s9 =	sshrl.u32 s23, $0x1F;
	s1 =	sshra.s32 s1, $0x1F;
	v20 =	vsel vm2, s7, v20;
	vm3 =	vcmask $0x3734;
	v15 =	vsel vm6, s8, v15  }
0x127: {  	s10 =	sshra.s32 s23, $0x5;
	v17 =	vsel vm7, s9, v17;
	v52 =	vcombine.low v20, v19;
	v15 =	vsel vm3, s1, v15  }
0x128: {  	v16 =	vperm.xlane v16, v4;
	v17 =	vperm.xlane v17, v5;
	v15 =	vsel vm7, s10, v15  }
0x129: {  	v18 =	vperm.xlane v52, v4;
	v15 =	vperm.xlane v15, v5;
	_ =	sdelay $0x1  }
0x12a: {  	v16 =	vsel vm8, v17, v16;
	v15 =	vsel vm8, v15, v18  }
0x12b: {  	v15 =	vadd.s32 v16, v15  }
0x12c: {  	v16 =	vmul.u32 $0xFFFFFFB0, v15  }
0x12d: {  	v53 =	vsub.s32 $0x0, v14  }
0x12e: {  	vm3 =	vlt.s32 v14, $0x1;
	vm4 =	vne.s32 v16, v53  }
0x12f: {  	vm3 =	vmand vm3, vm4  }
0x130: {  	v54 =	vsel vm3, $0xFFFFFFFF, v3  }
0x131: {  	v15 =	vadd.s32 v54, v15  }
0x132: {  	v16 =	vmul.u32 $0x3FFFFFB0, v15;
	_ =	sdelay $0x1  }
0x133: {  	v55 =	vmul.u32 $0x144, v15;
	v14 =	vadd.s32 v14, v16  }
0x134: {  	v14 =	vshll.u32 v14, $0x2  }
0x135: {  	v14 =	vadd.s32 v14, v55  }
0x136: {  	v14 =	vadd.s32 $0x4, v14  }
0x137: {  	v56 =	vshrl.u32 v14, $0x7;
	_ =	sdelay $0x2  }
0x138: {  	s12 =	simm.s32 $0xCE80;
	v15 =	vshll.u32 v15, $0x2  }
0x139: {  	s11 =	rddreg [dreg:$0x0];
	s19 =	simm.s32 $0x1;
	s18 =	simm.s32 $0x0;
	v57 =	vshrl.u32 v15, $0x7  }
0x13a: {  	[tilespmem:s12], [sflag:$0x1] =	stream.indirect_vreg.gather [hbm4b:s11+s18], $0x80, v56, vm9, $0xb8;
	[tilespmem:$0xDE80] =	vst v63  }
0x13b: {  	_ =	swait.ge [sflag:s19], $0x800  }
0x13c: {  	v14 =	vand.u32 $0x7C, v14;
	[sflag:s19] =	ssyncset.done $0x0  }
0x13d: {  	s21 =	simm.s32 $0xD680;
	v15 =	vand.u32 $0x7C, v15;
	v58 =	vor.u32 v6, v14;
	s20 =	rddreg [dreg:$0x4];
	[sflag:s19] =	ssyncadd.s32 $0xFFFFF800  }
0x13e: {  	v59 =	vor.u32 v6, v15;
	[tilespmem:s21], [sflag:$0x1] =	stream.indirect_vreg.gather [hbm4b:s20+s18], $0x80, v57, vm9, $0xb8;
	[tilespmem:$0xDE80] =	vst v63  }
0x13f: {  	_ =	swait.ge [sflag:s19], $0x800  }
0x140: {  	[sflag:s19] =	ssyncset.done $0x0  }
0x141: {  	[sflag:s19] =	ssyncadd.s32 $0xFFFFF800  }
0x142: {  	v16 =	vld.idx.msk [tilespmem:v58+s12+$0x0], $0xffff  }
0x143: {  	v17 =	vld.idx.msk [tilespmem:v59+s21+$0x0], $0xffff  }
0x144: {  	v60 =	vor.u32 v8, v14  }
0x145: {  	v61 =	vor.u32 v8, v15  }
0x146: {  	s23 =	simm.s32 $0xCD80  }
0x147: {  	s25 =	simm.s32 $0xCE00;
	[tilespmem:v7+s23+$0x0] =	vst.idx.msk $0xffff, v16  }
0x148: {  	[tilespmem:v7+s25+$0x0] =	vst.idx.msk $0xffff, v17  }
0x149: {  	v16 =	vld.idx.msk [tilespmem:v60+s12+$0x0], $0xffff  }
0x14a: {  	v17 =	vld.idx.msk [tilespmem:v61+s21+$0x0], $0xffff  }
0x14b: {  	v62 =	vor.u32 v10, v14  }
0x14c: {  	v63 =	vor.u32 v10, v15;
	_ =	sdelay $0x1  }
0x14d: {  	[tilespmem:v9+s23+$0x0] =	vst.idx.msk $0xffff, v16  }
0x14e: {  	[tilespmem:v9+s25+$0x0] =	vst.idx.msk $0xffff, v17  }
0x14f: {  	v16 =	vld.idx.msk [tilespmem:v62+s12+$0x0], $0xffff  }
0x150: {  	v17 =	vld.idx.msk [tilespmem:v63+s21+$0x0], $0xffff  }
0x151: {  	v14 =	vor.u32 v12, v14  }
0x152: {  	v15 =	vor.u32 v12, v15;
	_ =	sdelay $0x1  }
0x153: {  	[tilespmem:v11+s23+$0x0] =	vst.idx.msk $0xffff, v16  }
0x154: {  	[tilespmem:v11+s25+$0x0] =	vst.idx.msk $0xffff, v17  }
0x155: {  	v14 =	vld.idx.msk [tilespmem:v14+s12+$0x0], $0xffff  }
0x156: {  	v15 =	vld.idx.msk [tilespmem:v15+s21+$0x0], $0xffff;
	_ =	sdelay $0x1  }
0x157: {  	s28 =	rddreg [dreg:$0x18]  }
0x158: {  	s0 =	sshrl.u32 s28, $0x1  }
0x159: {  	s29 =	rddreg [dreg:$0x7];
	s0 =	sand.u32 $0x1FFFFFFC, s0;
	[tilespmem:v13+s23+$0x0] =	vst.idx.msk $0xffff, v14  }
0x15a: {  	s22 =	simm.s32 $0x0;
	s1 =	sadd.s32 s29, s0;
	[tilespmem:v13+s25+$0x0] =	vst.idx.msk $0xffff, v15  }
0x15b: {  	[hbm4b:s1+s22] =	stream.linear.scatter [tilespmem:s23], [sflag:$0x4], $0x40, $0x38;
	[tilespmem:$0xDE80] =	vst v63  }
0x15c: {  	_ =	swait.ge [sflag:s17], $0x40  }
0x15d: {  	s31 =	simm.s32 $0x3;
	[sflag:s17] =	ssyncset.done $0x0;
	s30 =	rddreg [dreg:$0x9]  }
.Ltmp7:
0x15e: {  	[sflag:s17] =	ssyncadd.s32 $0xFFFFFFC0;
	s0 =	sadd.s32 s30, s0;
	(pc) =	sbr.rel .LBB2_6-.Ltmp7, $4  }
0x15f: {  	[hbm4b:s0+s22] =	stream.linear.scatter [tilespmem:s25], [sflag:$0x3], $0x40, $0x38;
	[tilespmem:$0xDE80] =	vst v63  }
0x160: {  	_ =	swait.ge [sflag:s31], $0x40  }
0x161: {  	[sflag:s31] =	ssyncset.done $0x0  }
0x162: {  	[sflag:s31] =	ssyncadd.s32 $0xFFFFFFC0  }
.LBB2_8:
0x163: {  	_ =	sfence.sel $0x180000  }
0x164: {  	[bflag:$0x0] =	sbarrier.arrive $0xFFFF  }
0x165: {  	_ =	strace $0x9000004A  }
0x166: {  	[bflag:$0x2] =	sbarrier.arrive $0xFFFF  }
0x167: {  	s0 =	rddreg [dreg:$0x2]  }
0x168: {  	s0 =	sadd.s32 @!p0 $0x100000, s0  }
0x169: {  	[sflag:s0] =	ssyncadd.tile.s32 @!p0 $0x1;
	_ =	shalt  }
.Lfunc_end2:
_tile_overlayer_lowered:
.L_overlay_start_2:
0x16a: {  	(tag) =	ssettag $0x2  }
0x16b: {  	s0 =	rddreg [dreg:$0x0];
	s2 =	stileid.u32  }
0x16c: {  	s1 =	rddreg [dreg:$0x1];
	p0 =	sne.s32 s2, $0x0  }
0x16d: {  	s3 =	rddreg [dreg:$0x2];
	[bflag:$0x3] =	sbarrier.arrive $0xFFFF;
	s2 =	simm.s32 @!p0 $0x1C02  }
0x16e: {  	[timem:s3], [sflag:s2] =	dma.local @!p0 [hbm:s0], s1  }
0x16f: {  	s0 =	simm.s32 @!p0 $0x2  }
0x170: {  	_ =	swait.ge @!p0 [sflag:s0], s1  }
0x171: {  	s1 =	ssub.s32 @!p0 $0x0, s1;
	[sflag:s0] =	ssyncset.done @!p0 $0x0  }
0x172: {  	[sflag:s0] =	ssyncadd.s32 @!p0 s1  }
0x173: {  	[bflag:$0x3] =	sbarrier.arrive $0xFFFF  }
0x174: {  	_ =	shalt  }

</sc_bundles>
